<compile_context>
chip_gen: v7x
topology: tpu7x:2x2x1
jax: 0.10.2.dev20260603
libtpu: 0.0.44.dev20260713+nightly
codegen_flags: <defaults>
</compile_context>

<pallas_src>
import functools

import jax
import jax.numpy as jnp
from jax import lax
from jax.experimental import pallas as pl
from jax.experimental.pallas import tpu as pltpu
from jax.experimental.pallas import tpu_sc as plsc

B, N, NP, K, CIN, COUT, P = 8, 8192, 2048, 32, 64, 64, 5
RADIUS = 1.5
EPS = 1e-5

NC, NS = 2, 16
NW = NC * NS
NCTR = B * NP
CPW = NCTR // NW
CC = 16
NCHUNK = CPW // CC
RPC = CC * K
GL = RPC // 128
ACC_ROWS = CC * P
NROWS = NCTR


def _prologue_body(lcx_ref, lcy_ref, nl_ref, didx_ref,
                   gidx_ref, sidx_ref, dgidx_ref):
    step = pl.program_id(0)
    blk = lcx_ref.shape
    fi = (lax.broadcasted_iota(jnp.int32, blk, 0) * 128
          + lax.broadcasted_iota(jnp.int32, blk, 1)
          + step * (blk[0] * blk[1]))
    x = lcx_ref[...]
    y = lcy_ref[...]
    dist = jnp.minimum(jnp.sqrt(x * x + y * y) / RADIUS, 0.99)
    bins = jnp.floor(dist * P).astype(jnp.int32)
    c = fi // K
    sid = (c // CPW) % NS
    par = (c // CC) % 4
    sidx_ref[...] = (sid * (4 * ACC_ROWS) + par * ACC_ROWS
                     + (c % CC) * P + bins)
    b = fi // (NP * K)
    gidx_ref[...] = nl_ref[...] + b * N
    dblk = didx_ref.shape
    f2 = (lax.broadcasted_iota(jnp.int32, dblk, 0) * 128
          + lax.broadcasted_iota(jnp.int32, dblk, 1)
          + step * (dblk[0] * dblk[1]))
    dgidx_ref[...] = didx_ref[...] + (f2 // NP) * N


def _sc_body(pts_hbm, iidx_hbm, dgidx_hbm, zero_hbm,
             acc_hbm, nxr_hbm,
             cidx_v, rows_v, zeros_v, acc_sh,
             gsem0, gsem1, ssem, zsem0, zsem1, zsem2, zsem3):
    cid = lax.axis_index("c")
    sid = lax.axis_index("s")
    wid = cid * NS + sid
    gsems = (gsem0, gsem1)
    zsems = (zsem0, zsem1, zsem2, zsem3)
    pltpu.sync_copy(zero_hbm, zeros_v)
    irow = wid * (NCHUNK * 2 * GL)

    def idx_load(c, p):
        pltpu.sync_copy(iidx_hbm.at[pl.ds(irow + c * 2 * GL, 2 * GL)],
                        cidx_v.at[pl.ds(p * 2 * GL, 2 * GL)])

    def gather_start(p):
        return [
            pltpu.async_copy(pts_hbm.at[cidx_v.at[p * 2 * GL + g]],
                             rows_v.at[pl.ds(p * RPC + g * 128, 128)],
                             gsems[p])
            for g in range(GL)
        ]

    def abase_of(r):
        return sid * (4 * ACC_ROWS) + r * ACC_ROWS

    def zero_start(r):
        return pltpu.async_copy(zeros_v, acc_sh.at[pl.ds(abase_of(r), ACC_ROWS)],
                                zsems[r])

    for p in range(2):
        idx_load(p, p)
        gather_start(p)
        zero_start(p)

    def body(i, carry):
        for u in range(4):
            c = 4 * i + u
            p = u % 2
            r = u % 4
            for g in range(GL):
                pltpu.make_async_copy(
                    pts_hbm.at[cidx_v.at[p * 2 * GL + g]],
                    rows_v.at[pl.ds(p * RPC + g * 128, 128)],
                    gsems[p]).wait()
            pltpu.make_async_copy(
                zeros_v, acc_sh.at[pl.ds(abase_of(r), ACC_ROWS)],
                zsems[r]).wait()
            descs = [
                pltpu.async_copy(rows_v.at[pl.ds(p * RPC + g * 128, 128)],
                                 acc_sh.at[cidx_v.at[p * 2 * GL + GL + g]],
                                 ssem, add=True)
                for g in range(GL)
            ]
            for d in descs:
                d.wait()
            @pl.when(c + 2 < NCHUNK)
            def _():
                idx_load(c + 2, p)
                gather_start(p)
            cbase = (wid * CPW + c * CC) * P
            pltpu.sync_copy(acc_sh.at[pl.ds(abase_of(r), ACC_ROWS)],
                            acc_hbm.at[pl.ds(cbase, ACC_ROWS)])
            @pl.when(c + 2 < NCHUNK)
            def _():
                zero_start((r + 2) % 4)
        return carry

    lax.fori_loop(0, NCHUNK // 4, body, 0)

    drow = wid * (CPW // 128)
    pltpu.sync_copy(dgidx_hbm.at[pl.ds(drow, GL)],
                    cidx_v.at[pl.ds(0, GL)])
    descs = [
        pltpu.async_copy(pts_hbm.at[cidx_v.at[g]],
                         rows_v.at[pl.ds(g * 128, 128)], gsem0)
        for g in range(GL)
    ]
    for d in descs:
        d.wait()
    pltpu.sync_copy(rows_v.at[pl.ds(0, CPW)], nxr_hbm.at[pl.ds(wid * CPW, CPW)])


def _c1_body(acc_ref, w1_ref, b1_ref, x_ref, st_ref):
    xb = jnp.dot(acc_ref[...], w1_ref[...],
                 preferred_element_type=jnp.float32) + b1_ref[...]
    x_ref[...] = xb
    s = jnp.sum(xb, axis=0, keepdims=True)
    ss = jnp.sum(xb * xb, axis=0, keepdims=True)
    st = jnp.concatenate([s, ss], axis=0)

    @pl.when(pl.program_id(0) == 0)
    def _():
        st_ref[...] = st

    @pl.when(pl.program_id(0) != 0)
    def _():
        st_ref[...] = st_ref[...] + st


def _c2_body(x_ref, st_ref, g1_ref, be1_ref, w2_ref, b2_ref, y_ref, st2_ref):
    st = st_ref[...]
    mu = st[0:1, :] * (1.0 / NROWS)
    var = st[1:2, :] * (1.0 / NROWS) - mu * mu
    xh = (x_ref[...] - mu) / jnp.sqrt(var + EPS) * g1_ref[...] + be1_ref[...]
    xh = jnp.maximum(xh, 0.0)
    yb = jnp.dot(xh, w2_ref[...],
                 preferred_element_type=jnp.float32) + b2_ref[...]
    y_ref[...] = yb
    s = jnp.sum(yb, axis=0, keepdims=True)
    ss = jnp.sum(yb * yb, axis=0, keepdims=True)
    st2 = jnp.concatenate([s, ss], axis=0)

    @pl.when(pl.program_id(0) == 0)
    def _():
        st2_ref[...] = st2

    @pl.when(pl.program_id(0) != 0)
    def _():
        st2_ref[...] = st2_ref[...] + st2


def _c3_body(y_ref, st2_ref, g2_ref, be2_ref, out_ref):
    st = st2_ref[...]
    mu = st[0:1, :] * (1.0 / NROWS)
    var = st[1:2, :] * (1.0 / NROWS) - mu * mu
    yh = (y_ref[...] - mu) / jnp.sqrt(var + EPS) * g2_ref[...] + be2_ref[...]
    out_ref[...] = jnp.maximum(yh, 0.0)


def kernel(xyz, points, local_coordinates, neighbor_lists, parameter_list,
           data_idx, W_conv, b_conv, gamma1, beta1, W_lin, b_lin,
           gamma2, beta2):
    del parameter_list
    pts = jnp.concatenate([points, xyz], axis=2).reshape(B * N, CIN)
    lcx = local_coordinates[..., 0].reshape(-1, 128)
    lcy = local_coordinates[..., 1].reshape(-1, 128)
    nl = neighbor_lists.reshape(-1, 128)
    didx = data_idx.reshape(-1, 128)
    nrows = nl.shape[0]
    drows = didx.shape[0]
    grid = 8
    rb = nrows // grid
    db = drows // grid

    gidx, sidx, dgidx = pl.pallas_call(
        _prologue_body,
        grid=(grid,),
        in_specs=[
            pl.BlockSpec((rb, 128), lambda i: (i, 0)),
            pl.BlockSpec((rb, 128), lambda i: (i, 0)),
            pl.BlockSpec((rb, 128), lambda i: (i, 0)),
            pl.BlockSpec((db, 128), lambda i: (i, 0)),
        ],
        out_specs=[
            pl.BlockSpec((rb, 128), lambda i: (i, 0)),
            pl.BlockSpec((rb, 128), lambda i: (i, 0)),
            pl.BlockSpec((db, 128), lambda i: (i, 0)),
        ],
        out_shape=[
            jax.ShapeDtypeStruct((nrows, 128), jnp.int32),
            jax.ShapeDtypeStruct((nrows, 128), jnp.int32),
            jax.ShapeDtypeStruct((drows, 128), jnp.int32),
        ],
    )(lcx, lcy, nl, didx)

    zero_blk = jnp.zeros((ACC_ROWS, CIN), jnp.float32)

    sc_fn = pl.kernel(
        _sc_body,
        out_type=[
            jax.ShapeDtypeStruct((NCTR * P, CIN), jnp.float32),
            jax.ShapeDtypeStruct((NCTR, CIN), jnp.float32),
        ],
        mesh=plsc.VectorSubcoreMesh(core_axis_name="c", subcore_axis_name="s"),
        scratch_types=[
            pltpu.VMEM((2 * 2 * GL, 128), jnp.int32),
            pltpu.VMEM((2 * RPC, CIN), jnp.float32),
            pltpu.VMEM((ACC_ROWS, CIN), jnp.float32),
            pltpu.VMEM_SHARED((NS * 4 * ACC_ROWS, CIN), jnp.float32),
            pltpu.SemaphoreType.DMA,
            pltpu.SemaphoreType.DMA,
            pltpu.SemaphoreType.DMA,
            pltpu.SemaphoreType.DMA,
            pltpu.SemaphoreType.DMA,
            pltpu.SemaphoreType.DMA,
            pltpu.SemaphoreType.DMA,
        ],
        compiler_params=pltpu.CompilerParams(use_tc_tiling_on_sc=False),
    )
    iidx = jnp.concatenate(
        [gidx.reshape(NW, NCHUNK, GL, 128),
         sidx.reshape(NW, NCHUNK, GL, 128)], axis=2).reshape(-1, 128)
    acc, nxr = sc_fn(pts, iidx, dgidx, zero_blk)

    feat = acc.reshape(NCTR, P * CIN)
    w1 = W_conv.T
    b1 = b_conv.reshape(1, COUT)
    rows_blk = 1024
    g2 = NCTR // rows_blk

    x, st1 = pl.pallas_call(
        _c1_body,
        grid=(g2,),
        in_specs=[
            pl.BlockSpec((rows_blk, P * CIN), lambda i: (i, 0)),
            pl.BlockSpec((P * CIN, COUT), lambda i: (0, 0)),
            pl.BlockSpec((1, COUT), lambda i: (0, 0)),
        ],
        out_specs=[
            pl.BlockSpec((rows_blk, COUT), lambda i: (i, 0)),
            pl.BlockSpec((2, COUT), lambda i: (0, 0)),
        ],
        out_shape=[
            jax.ShapeDtypeStruct((NCTR, COUT), jnp.float32),
            jax.ShapeDtypeStruct((2, COUT), jnp.float32),
        ],
        compiler_params=pltpu.CompilerParams(
            dimension_semantics=("arbitrary",)),
    )(feat, w1, b1)

    y, st2 = pl.pallas_call(
        _c2_body,
        grid=(g2,),
        in_specs=[
            pl.BlockSpec((rows_blk, COUT), lambda i: (i, 0)),
            pl.BlockSpec((2, COUT), lambda i: (0, 0)),
            pl.BlockSpec((1, COUT), lambda i: (0, 0)),
            pl.BlockSpec((1, COUT), lambda i: (0, 0)),
            pl.BlockSpec((COUT, COUT), lambda i: (0, 0)),
            pl.BlockSpec((1, COUT), lambda i: (0, 0)),
        ],
        out_specs=[
            pl.BlockSpec((rows_blk, COUT), lambda i: (i, 0)),
            pl.BlockSpec((2, COUT), lambda i: (0, 0)),
        ],
        out_shape=[
            jax.ShapeDtypeStruct((NCTR, COUT), jnp.float32),
            jax.ShapeDtypeStruct((2, COUT), jnp.float32),
        ],
        compiler_params=pltpu.CompilerParams(
            dimension_semantics=("arbitrary",)),
    )(x, st1, gamma1.reshape(1, COUT), beta1.reshape(1, COUT),
      W_lin.T, b_lin.reshape(1, COUT))

    new_points = pl.pallas_call(
        _c3_body,
        grid=(g2,),
        in_specs=[
            pl.BlockSpec((rows_blk, COUT), lambda i: (i, 0)),
            pl.BlockSpec((2, COUT), lambda i: (0, 0)),
            pl.BlockSpec((1, COUT), lambda i: (0, 0)),
            pl.BlockSpec((1, COUT), lambda i: (0, 0)),
        ],
        out_specs=pl.BlockSpec((rows_blk, COUT), lambda i: (i, 0)),
        out_shape=jax.ShapeDtypeStruct((NCTR, COUT), jnp.float32),
        compiler_params=pltpu.CompilerParams(
            dimension_semantics=("arbitrary",)),
    )(y, st2, gamma2.reshape(1, COUT), beta2.reshape(1, COUT))

    new_xyz = nxr.reshape(B, NP, CIN)[:, :, CIN - 3:]
    return (new_xyz, new_points.reshape(B, NP, COUT))

# --- scband reference (transcript-rebuilt; emitter-appended) ---
"""Pipeline reference for scband-surface-circle-conv-16088947491408 (READ-ONLY COPY).

The authoritative reference and input builder live on the scoring server;
editing this copy changes nothing except your own understanding.
"""

import jax, jax.numpy as jnp
import numpy as np

B, N, NP, K, CIN, COUT, P = 8, 8192, 2048, 32, 64, 64, 5
RADIUS = 1.5
EPS = 1e-5


def setup_inputs(seed: int = 0):
    key = jax.random.key(seed)
    ks = jax.random.split(key, 8)
    xyz = jax.random.normal(ks[0], (B, N, 3), dtype=jnp.float32)
    points = jax.random.normal(ks[1], (B, N, CIN - 3), dtype=jnp.float32)
    local_coordinates = jax.random.uniform(ks[2], (B, NP, K, 3), dtype=jnp.float32)
    neighbor_lists = jax.random.randint(ks[3], (B, NP, K), 0, N)
    parameter_list = jnp.zeros((1,), dtype=jnp.float32)
    data_idx = jax.random.randint(ks[4], (B, NP), 0, N)
    W_conv = jax.random.normal(ks[5], (COUT, CIN * P), dtype=jnp.float32) * 0.02
    b_conv = jnp.zeros((COUT,), dtype=jnp.float32)
    gamma1 = jnp.ones((COUT,), dtype=jnp.float32)
    beta1 = jnp.zeros((COUT,), dtype=jnp.float32)
    W_lin = jax.random.normal(ks[6], (COUT, COUT), dtype=jnp.float32) * 0.05
    b_lin = jnp.zeros((COUT,), dtype=jnp.float32)
    gamma2 = jnp.ones((COUT,), dtype=jnp.float32)
    beta2 = jnp.zeros((COUT,), dtype=jnp.float32)
    return {"xyz": xyz, "points": points, "local_coordinates": local_coordinates,
            "neighbor_lists": neighbor_lists, "parameter_list": parameter_list,
            "data_idx": data_idx, "W_conv": W_conv, "b_conv": b_conv,
            "gamma1": gamma1, "beta1": beta1, "W_lin": W_lin, "b_lin": b_lin,
            "gamma2": gamma2, "beta2": beta2}


def reference(xyz, points, local_coordinates, neighbor_lists, parameter_list,
              data_idx, W_conv, b_conv, gamma1, beta1, W_lin, b_lin, gamma2, beta2):
    Bs = xyz.shape[0]
    # new_xyz = index_points(xyz, data_idx)
    new_xyz = jnp.take_along_axis(xyz, data_idx[:, :, None], axis=1)
    # points = cat(points, xyz)
    pts = jnp.concatenate([points, xyz], axis=2)  # [B, N, CIN]
    # grouped_points = index_points(points, neighbor_lists) -> [B, NP, K, CIN]
    idx = neighbor_lists.reshape(Bs, -1)
    feature = jnp.take_along_axis(pts, idx[:, :, None], axis=1).reshape(Bs, NP, K, CIN)
    # circle_conv: radial histogram binning + scatter_add
    lc = local_coordinates.reshape(Bs, NP, -1, 3)
    dist = jnp.linalg.norm(lc[:, :, :, 0:2], axis=3)
    dist = jnp.minimum(dist / RADIUS, 0.99)  # cut(x, 0.99)
    bins = jnp.floor(dist * P).astype(jnp.int32)  # [B, NP, K]
    b_i = jnp.arange(Bs)[:, None, None]
    n_i = jnp.arange(NP)[None, :, None]
    result = jnp.zeros((Bs, NP, P, CIN), dtype=feature.dtype).at[b_i, n_i, bins].add(feature)
    feat = result.reshape(Bs * NP, P * CIN)
    # conv_linear + BatchNorm1d (training-mode batch stats) + relu
    x = feat @ W_conv.T + b_conv
    mu = x.mean(axis=0)
    var = x.var(axis=0)
    x = (x - mu) / jnp.sqrt(var + EPS) * gamma1 + beta1
    x = jax.nn.relu(x).reshape(Bs, NP, COUT)
    # linear + BatchNorm1d over (B, L) per channel + relu
    x = x @ W_lin.T + b_lin
    mu2 = x.mean(axis=(0, 1))
    var2 = x.var(axis=(0, 1))
    x = (x - mu2) / jnp.sqrt(var2 + EPS) * gamma2 + beta2
    new_points = jax.nn.relu(x)
    return (new_xyz, new_points)

if __name__ == "__main__":
    import jax
    _d = setup_inputs()
    print(jax.jit(kernel)(*tuple(_d.values())))

</pallas_src>

<mosaic_0001>
#map = affine_map<(d0, d1) -> (0, 0)>
module attributes {stable_mosaic.version = 14 : i64} {
  func.func @_sc_body(%arg0: i32, %arg1: i32, %arg2: memref<65536x64xf32, #tpu.memory_space<hbm>>, %arg3: memref<8192x128xi32, #tpu.memory_space<hbm>>, %arg4: memref<128x128xi32, #tpu.memory_space<hbm>>, %arg5: memref<80x64xf32, #tpu.memory_space<hbm>>, %arg6: memref<81920x64xf32, #tpu.memory_space<hbm>>, %arg7: memref<16384x64xf32, #tpu.memory_space<hbm>>, %arg8: memref<16x128xi32, #tpu.memory_space<vmem>>, %arg9: memref<1024x64xf32, #tpu.memory_space<vmem>>, %arg10: memref<80x64xf32, #tpu.memory_space<vmem>>, %arg11: memref<5120x64xf32, #tpu.memory_space<vmem_shared>>, %arg12: memref<!tpu.dma_semaphore, #tpu.memory_space<semaphore_mem>>, %arg13: memref<!tpu.dma_semaphore, #tpu.memory_space<semaphore_mem>>, %arg14: memref<!tpu.dma_semaphore, #tpu.memory_space<semaphore_mem>>, %arg15: memref<!tpu.dma_semaphore, #tpu.memory_space<semaphore_mem>>, %arg16: memref<!tpu.dma_semaphore, #tpu.memory_space<semaphore_mem>>, %arg17: memref<!tpu.dma_semaphore, #tpu.memory_space<semaphore_mem>>, %arg18: memref<!tpu.dma_semaphore, #tpu.memory_space<semaphore_mem>>) attributes {dimension_semantics = [#tpu.dimension_semantics<core_parallel>, #tpu.dimension_semantics<subcore_parallel>], iteration_bounds = array<i64: 2, 16>, scalar_prefetch = 0 : i64, scratch_operands = 11 : i64, tpu.core_type = #tpu.core_type<sc_vector_subcore>, window_params = [{transform_indices = #map}, {transform_indices = #map}, {transform_indices = #map}, {transform_indices = #map}, {transform_indices = #map}, {transform_indices = #map}]} {
    %mul3A = arith.constant 16 : i32
    %mul3A_0 = arith.muli %arg0, %mul3A : i32
    %add3A = arith.addi %mul3A_0, %arg1 : i32
    "tpu.region"() ({
      %run_scoped3A = tpu.sem_alloc : memref<!tpu.dma_semaphore, #tpu.memory_space<semaphore_mem>>
      tpu.enqueue_dma source(%arg5 : memref<80x64xf32, #tpu.memory_space<hbm>>) target(%arg10 : memref<80x64xf32, #tpu.memory_space<vmem>>) target_semaphore(%run_scoped3A : memref<!tpu.dma_semaphore, #tpu.memory_space<semaphore_mem>>)
      tpu.wait_dma2 semaphore(%run_scoped3A : memref<!tpu.dma_semaphore, #tpu.memory_space<semaphore_mem>>) src(%arg5 : memref<80x64xf32, #tpu.memory_space<hbm>>) dst(%arg10 : memref<80x64xf32, #tpu.memory_space<vmem>>)
      tpu.yield
    }) : () -> ()
    %mul3A_1 = arith.constant 256 : i32
    %mul3A_2 = arith.muli %add3A, %mul3A_1 : i32
    %add3A_3 = arith.constant 0 : i32
    %add3A_4 = arith.addi %mul3A_2, %add3A_3 : i32
    "tpu.region"() ({
      %run_scoped3A = tpu.sem_alloc : memref<!tpu.dma_semaphore, #tpu.memory_space<semaphore_mem>>
      %dma_start3A_190 = arith.constant 0 : i32
      %dma_start3A_191 = arith.constant 0 : i32
      %dma_start3A_192 = tpu.memref_slice %arg8[%dma_start3A_190, %dma_start3A_191] : memref<16x128xi32, #tpu.memory_space<vmem>> -> memref<8x128xi32, #tpu.memory_space<vmem>>
      %dma_start3A_193 = arith.constant 0 : i32
      %dma_start3A_194 = tpu.memref_slice %arg3[%add3A_4, %dma_start3A_193] : memref<8192x128xi32, #tpu.memory_space<hbm>> -> memref<8x128xi32, #tpu.memory_space<hbm>>
      %dma_start3A_195 = arith.constant 0 : i32
      %dma_start3A_196 = arith.constant 0 : i32
      %dma_start3A_197 = tpu.memref_slice %arg8[%dma_start3A_195, %dma_start3A_196] : memref<16x128xi32, #tpu.memory_space<vmem>> -> memref<8x128xi32, #tpu.memory_space<vmem>>
      %dma_start3A_198 = arith.constant 0 : i32
      %dma_start3A_199 = tpu.memref_slice %arg3[%add3A_4, %dma_start3A_198] : memref<8192x128xi32, #tpu.memory_space<hbm>> -> memref<8x128xi32, #tpu.memory_space<hbm>>
      tpu.enqueue_dma source(%dma_start3A_199 : memref<8x128xi32, #tpu.memory_space<hbm>>) target(%dma_start3A_197 : memref<8x128xi32, #tpu.memory_space<vmem>>) target_semaphore(%run_scoped3A : memref<!tpu.dma_semaphore, #tpu.memory_space<semaphore_mem>>)
      %dma_wait3A_200 = arith.constant 0 : i32
      %dma_wait3A_201 = arith.constant 0 : i32
      %dma_wait3A_202 = tpu.memref_slice %arg8[%dma_wait3A_200, %dma_wait3A_201] : memref<16x128xi32, #tpu.memory_space<vmem>> -> memref<8x128xi32, #tpu.memory_space<vmem>>
      %dma_wait3A_203 = arith.constant 0 : i32
      %dma_wait3A_204 = tpu.memref_slice %arg3[%add3A_4, %dma_wait3A_203] : memref<8192x128xi32, #tpu.memory_space<hbm>> -> memref<8x128xi32, #tpu.memory_space<hbm>>
      %dma_wait3A_205 = arith.constant 0 : i32
      %dma_wait3A_206 = arith.constant 0 : i32
      %dma_wait3A_207 = tpu.memref_slice %arg8[%dma_wait3A_205, %dma_wait3A_206] : memref<16x128xi32, #tpu.memory_space<vmem>> -> memref<8x128xi32, #tpu.memory_space<vmem>>
      %dma_wait3A_208 = arith.constant 0 : i32
      %dma_wait3A_209 = tpu.memref_slice %arg3[%add3A_4, %dma_wait3A_208] : memref<8192x128xi32, #tpu.memory_space<hbm>> -> memref<8x128xi32, #tpu.memory_space<hbm>>
      tpu.wait_dma2 semaphore(%run_scoped3A : memref<!tpu.dma_semaphore, #tpu.memory_space<semaphore_mem>>) src(%dma_wait3A_209 : memref<8x128xi32, #tpu.memory_space<hbm>>) dst(%dma_wait3A_207 : memref<8x128xi32, #tpu.memory_space<vmem>>)
      tpu.yield
    }) : () -> ()
    %dma_start3A = arith.constant 0 : i32
    %dma_start3A_5 = arith.constant 0 : i32
    %dma_start3A_6 = arith.constant 0 : i32
    %dma_start3A_7 = tpu.memref_slice %arg9[%dma_start3A_5, %dma_start3A_6] : memref<1024x64xf32, #tpu.memory_space<vmem>> -> memref<128x64xf32, #tpu.memory_space<vmem>>
    %dma_start3A_8 = arith.constant 0 : i32
    %dma_start3A_9 = tpu.memref_slice %arg8[%dma_start3A, %dma_start3A_8] : memref<16x128xi32, #tpu.memory_space<vmem>> -> memref<1x128xi32, #tpu.memory_space<vmem>>
    %dma_start3A_10 = tpu.memref_squeeze %dma_start3A_9 : memref<1x128xi32, #tpu.memory_space<vmem>> -> memref<128xi32, #tpu.memory_space<vmem>>
    %dma_start3A_11 = arith.constant 0 : i32
    %dma_start3A_12 = arith.constant 0 : i32
    %dma_start3A_13 = tpu.memref_slice %arg2[%dma_start3A_11, %dma_start3A_12] : memref<65536x64xf32, #tpu.memory_space<hbm>> -> memref<65536x64xf32, #tpu.memory_space<hbm>>
    tpu.enqueue_indirect_dma source(%dma_start3A_13 : memref<65536x64xf32, #tpu.memory_space<hbm>>) target(%dma_start3A_7 : memref<128x64xf32, #tpu.memory_space<vmem>>) offsets(%dma_start3A_10 : memref<128xi32, #tpu.memory_space<vmem>>) semaphore(%arg12 : memref<!tpu.dma_semaphore, #tpu.memory_space<semaphore_mem>>)
    %dma_start3A_14 = arith.constant 1 : i32
    %dma_start3A_15 = arith.constant 128 : i32
    %dma_start3A_16 = arith.constant 0 : i32
    %dma_start3A_17 = tpu.memref_slice %arg9[%dma_start3A_15, %dma_start3A_16] : memref<1024x64xf32, #tpu.memory_space<vmem>> -> memref<128x64xf32, #tpu.memory_space<vmem>>
    %dma_start3A_18 = arith.constant 0 : i32
    %dma_start3A_19 = tpu.memref_slice %arg8[%dma_start3A_14, %dma_start3A_18] : memref<16x128xi32, #tpu.memory_space<vmem>> -> memref<1x128xi32, #tpu.memory_space<vmem>>
    %dma_start3A_20 = tpu.memref_squeeze %dma_start3A_19 : memref<1x128xi32, #tpu.memory_space<vmem>> -> memref<128xi32, #tpu.memory_space<vmem>>
    %dma_start3A_21 = arith.constant 0 : i32
    %dma_start3A_22 = arith.constant 0 : i32
    %dma_start3A_23 = tpu.memref_slice %arg2[%dma_start3A_21, %dma_start3A_22] : memref<65536x64xf32, #tpu.memory_space<hbm>> -> memref<65536x64xf32, #tpu.memory_space<hbm>>
    tpu.enqueue_indirect_dma source(%dma_start3A_23 : memref<65536x64xf32, #tpu.memory_space<hbm>>) target(%dma_start3A_17 : memref<128x64xf32, #tpu.memory_space<vmem>>) offsets(%dma_start3A_20 : memref<128xi32, #tpu.memory_space<vmem>>) semaphore(%arg12 : memref<!tpu.dma_semaphore, #tpu.memory_space<semaphore_mem>>)
    %dma_start3A_24 = arith.constant 2 : i32
    %dma_start3A_25 = arith.constant 256 : i32
    %dma_start3A_26 = arith.constant 0 : i32
    %dma_start3A_27 = tpu.memref_slice %arg9[%dma_start3A_25, %dma_start3A_26] : memref<1024x64xf32, #tpu.memory_space<vmem>> -> memref<128x64xf32, #tpu.memory_space<vmem>>
    %dma_start3A_28 = arith.constant 0 : i32
    %dma_start3A_29 = tpu.memref_slice %arg8[%dma_start3A_24, %dma_start3A_28] : memref<16x128xi32, #tpu.memory_space<vmem>> -> memref<1x128xi32, #tpu.memory_space<vmem>>
    %dma_start3A_30 = tpu.memref_squeeze %dma_start3A_29 : memref<1x128xi32, #tpu.memory_space<vmem>> -> memref<128xi32, #tpu.memory_space<vmem>>
    %dma_start3A_31 = arith.constant 0 : i32
    %dma_start3A_32 = arith.constant 0 : i32
    %dma_start3A_33 = tpu.memref_slice %arg2[%dma_start3A_31, %dma_start3A_32] : memref<65536x64xf32, #tpu.memory_space<hbm>> -> memref<65536x64xf32, #tpu.memory_space<hbm>>
    tpu.enqueue_indirect_dma source(%dma_start3A_33 : memref<65536x64xf32, #tpu.memory_space<hbm>>) target(%dma_start3A_27 : memref<128x64xf32, #tpu.memory_space<vmem>>) offsets(%dma_start3A_30 : memref<128xi32, #tpu.memory_space<vmem>>) semaphore(%arg12 : memref<!tpu.dma_semaphore, #tpu.memory_space<semaphore_mem>>)
    %dma_start3A_34 = arith.constant 3 : i32
    %dma_start3A_35 = arith.constant 384 : i32
    %dma_start3A_36 = arith.constant 0 : i32
    %dma_start3A_37 = tpu.memref_slice %arg9[%dma_start3A_35, %dma_start3A_36] : memref<1024x64xf32, #tpu.memory_space<vmem>> -> memref<128x64xf32, #tpu.memory_space<vmem>>
    %dma_start3A_38 = arith.constant 0 : i32
    %dma_start3A_39 = tpu.memref_slice %arg8[%dma_start3A_34, %dma_start3A_38] : memref<16x128xi32, #tpu.memory_space<vmem>> -> memref<1x128xi32, #tpu.memory_space<vmem>>
    %dma_start3A_40 = tpu.memref_squeeze %dma_start3A_39 : memref<1x128xi32, #tpu.memory_space<vmem>> -> memref<128xi32, #tpu.memory_space<vmem>>
    %dma_start3A_41 = arith.constant 0 : i32
    %dma_start3A_42 = arith.constant 0 : i32
    %dma_start3A_43 = tpu.memref_slice %arg2[%dma_start3A_41, %dma_start3A_42] : memref<65536x64xf32, #tpu.memory_space<hbm>> -> memref<65536x64xf32, #tpu.memory_space<hbm>>
    tpu.enqueue_indirect_dma source(%dma_start3A_43 : memref<65536x64xf32, #tpu.memory_space<hbm>>) target(%dma_start3A_37 : memref<128x64xf32, #tpu.memory_space<vmem>>) offsets(%dma_start3A_40 : memref<128xi32, #tpu.memory_space<vmem>>) semaphore(%arg12 : memref<!tpu.dma_semaphore, #tpu.memory_space<semaphore_mem>>)
    %mul3A_44 = arith.constant 320 : i32
    %mul3A_45 = arith.muli %arg1, %mul3A_44 : i32
    %add3A_46 = arith.constant 0 : i32
    %add3A_47 = arith.addi %mul3A_45, %add3A_46 : i32
    %dma_start3A_48 = arith.constant 0 : i32
    %dma_start3A_49 = tpu.memref_slice %arg11[%add3A_47, %dma_start3A_48] : memref<5120x64xf32, #tpu.memory_space<vmem_shared>> -> memref<80x64xf32, #tpu.memory_space<vmem_shared>>
    %dma_start3A_50 = arith.constant 0 : i32
    %dma_start3A_51 = tpu.memref_slice %arg11[%add3A_47, %dma_start3A_50] : memref<5120x64xf32, #tpu.memory_space<vmem_shared>> -> memref<80x64xf32, #tpu.memory_space<vmem_shared>>
    tpu.enqueue_dma source(%arg10 : memref<80x64xf32, #tpu.memory_space<vmem>>) target(%dma_start3A_51 : memref<80x64xf32, #tpu.memory_space<vmem_shared>>) target_semaphore(%arg15 : memref<!tpu.dma_semaphore, #tpu.memory_space<semaphore_mem>>)
    %add3A_52 = arith.constant 8 : i32
    %add3A_53 = arith.addi %mul3A_2, %add3A_52 : i32
    "tpu.region"() ({
      %run_scoped3A = tpu.sem_alloc : memref<!tpu.dma_semaphore, #tpu.memory_space<semaphore_mem>>
      %dma_start3A_190 = arith.constant 8 : i32
      %dma_start3A_191 = arith.constant 0 : i32
      %dma_start3A_192 = tpu.memref_slice %arg8[%dma_start3A_190, %dma_start3A_191] : memref<16x128xi32, #tpu.memory_space<vmem>> -> memref<8x128xi32, #tpu.memory_space<vmem>>
      %dma_start3A_193 = arith.constant 0 : i32
      %dma_start3A_194 = tpu.memref_slice %arg3[%add3A_53, %dma_start3A_193] : memref<8192x128xi32, #tpu.memory_space<hbm>> -> memref<8x128xi32, #tpu.memory_space<hbm>>
      %dma_start3A_195 = arith.constant 8 : i32
      %dma_start3A_196 = arith.constant 0 : i32
      %dma_start3A_197 = tpu.memref_slice %arg8[%dma_start3A_195, %dma_start3A_196] : memref<16x128xi32, #tpu.memory_space<vmem>> -> memref<8x128xi32, #tpu.memory_space<vmem>>
      %dma_start3A_198 = arith.constant 0 : i32
      %dma_start3A_199 = tpu.memref_slice %arg3[%add3A_53, %dma_start3A_198] : memref<8192x128xi32, #tpu.memory_space<hbm>> -> memref<8x128xi32, #tpu.memory_space<hbm>>
      tpu.enqueue_dma source(%dma_start3A_199 : memref<8x128xi32, #tpu.memory_space<hbm>>) target(%dma_start3A_197 : memref<8x128xi32, #tpu.memory_space<vmem>>) target_semaphore(%run_scoped3A : memref<!tpu.dma_semaphore, #tpu.memory_space<semaphore_mem>>)
      %dma_wait3A_200 = arith.constant 8 : i32
      %dma_wait3A_201 = arith.constant 0 : i32
      %dma_wait3A_202 = tpu.memref_slice %arg8[%dma_wait3A_200, %dma_wait3A_201] : memref<16x128xi32, #tpu.memory_space<vmem>> -> memref<8x128xi32, #tpu.memory_space<vmem>>
      %dma_wait3A_203 = arith.constant 0 : i32
      %dma_wait3A_204 = tpu.memref_slice %arg3[%add3A_53, %dma_wait3A_203] : memref<8192x128xi32, #tpu.memory_space<hbm>> -> memref<8x128xi32, #tpu.memory_space<hbm>>
      %dma_wait3A_205 = arith.constant 8 : i32
      %dma_wait3A_206 = arith.constant 0 : i32
      %dma_wait3A_207 = tpu.memref_slice %arg8[%dma_wait3A_205, %dma_wait3A_206] : memref<16x128xi32, #tpu.memory_space<vmem>> -> memref<8x128xi32, #tpu.memory_space<vmem>>
      %dma_wait3A_208 = arith.constant 0 : i32
      %dma_wait3A_209 = tpu.memref_slice %arg3[%add3A_53, %dma_wait3A_208] : memref<8192x128xi32, #tpu.memory_space<hbm>> -> memref<8x128xi32, #tpu.memory_space<hbm>>
      tpu.wait_dma2 semaphore(%run_scoped3A : memref<!tpu.dma_semaphore, #tpu.memory_space<semaphore_mem>>) src(%dma_wait3A_209 : memref<8x128xi32, #tpu.memory_space<hbm>>) dst(%dma_wait3A_207 : memref<8x128xi32, #tpu.memory_space<vmem>>)
      tpu.yield
    }) : () -> ()
    %dma_start3A_54 = arith.constant 8 : i32
    %dma_start3A_55 = arith.constant 512 : i32
    %dma_start3A_56 = arith.constant 0 : i32
    %dma_start3A_57 = tpu.memref_slice %arg9[%dma_start3A_55, %dma_start3A_56] : memref<1024x64xf32, #tpu.memory_space<vmem>> -> memref<128x64xf32, #tpu.memory_space<vmem>>
    %dma_start3A_58 = arith.constant 0 : i32
    %dma_start3A_59 = tpu.memref_slice %arg8[%dma_start3A_54, %dma_start3A_58] : memref<16x128xi32, #tpu.memory_space<vmem>> -> memref<1x128xi32, #tpu.memory_space<vmem>>
    %dma_start3A_60 = tpu.memref_squeeze %dma_start3A_59 : memref<1x128xi32, #tpu.memory_space<vmem>> -> memref<128xi32, #tpu.memory_space<vmem>>
    %dma_start3A_61 = arith.constant 0 : i32
    %dma_start3A_62 = arith.constant 0 : i32
    %dma_start3A_63 = tpu.memref_slice %arg2[%dma_start3A_61, %dma_start3A_62] : memref<65536x64xf32, #tpu.memory_space<hbm>> -> memref<65536x64xf32, #tpu.memory_space<hbm>>
    tpu.enqueue_indirect_dma source(%dma_start3A_63 : memref<65536x64xf32, #tpu.memory_space<hbm>>) target(%dma_start3A_57 : memref<128x64xf32, #tpu.memory_space<vmem>>) offsets(%dma_start3A_60 : memref<128xi32, #tpu.memory_space<vmem>>) semaphore(%arg13 : memref<!tpu.dma_semaphore, #tpu.memory_space<semaphore_mem>>)
    %dma_start3A_64 = arith.constant 9 : i32
    %dma_start3A_65 = arith.constant 640 : i32
    %dma_start3A_66 = arith.constant 0 : i32
    %dma_start3A_67 = tpu.memref_slice %arg9[%dma_start3A_65, %dma_start3A_66] : memref<1024x64xf32, #tpu.memory_space<vmem>> -> memref<128x64xf32, #tpu.memory_space<vmem>>
    %dma_start3A_68 = arith.constant 0 : i32
    %dma_start3A_69 = tpu.memref_slice %arg8[%dma_start3A_64, %dma_start3A_68] : memref<16x128xi32, #tpu.memory_space<vmem>> -> memref<1x128xi32, #tpu.memory_space<vmem>>
    %dma_start3A_70 = tpu.memref_squeeze %dma_start3A_69 : memref<1x128xi32, #tpu.memory_space<vmem>> -> memref<128xi32, #tpu.memory_space<vmem>>
    %dma_start3A_71 = arith.constant 0 : i32
    %dma_start3A_72 = arith.constant 0 : i32
    %dma_start3A_73 = tpu.memref_slice %arg2[%dma_start3A_71, %dma_start3A_72] : memref<65536x64xf32, #tpu.memory_space<hbm>> -> memref<65536x64xf32, #tpu.memory_space<hbm>>
    tpu.enqueue_indirect_dma source(%dma_start3A_73 : memref<65536x64xf32, #tpu.memory_space<hbm>>) target(%dma_start3A_67 : memref<128x64xf32, #tpu.memory_space<vmem>>) offsets(%dma_start3A_70 : memref<128xi32, #tpu.memory_space<vmem>>) semaphore(%arg13 : memref<!tpu.dma_semaphore, #tpu.memory_space<semaphore_mem>>)
    %dma_start3A_74 = arith.constant 10 : i32
    %dma_start3A_75 = arith.constant 768 : i32
    %dma_start3A_76 = arith.constant 0 : i32
    %dma_start3A_77 = tpu.memref_slice %arg9[%dma_start3A_75, %dma_start3A_76] : memref<1024x64xf32, #tpu.memory_space<vmem>> -> memref<128x64xf32, #tpu.memory_space<vmem>>
    %dma_start3A_78 = arith.constant 0 : i32
    %dma_start3A_79 = tpu.memref_slice %arg8[%dma_start3A_74, %dma_start3A_78] : memref<16x128xi32, #tpu.memory_space<vmem>> -> memref<1x128xi32, #tpu.memory_space<vmem>>
    %dma_start3A_80 = tpu.memref_squeeze %dma_start3A_79 : memref<1x128xi32, #tpu.memory_space<vmem>> -> memref<128xi32, #tpu.memory_space<vmem>>
    %dma_start3A_81 = arith.constant 0 : i32
    %dma_start3A_82 = arith.constant 0 : i32
    %dma_start3A_83 = tpu.memref_slice %arg2[%dma_start3A_81, %dma_start3A_82] : memref<65536x64xf32, #tpu.memory_space<hbm>> -> memref<65536x64xf32, #tpu.memory_space<hbm>>
    tpu.enqueue_indirect_dma source(%dma_start3A_83 : memref<65536x64xf32, #tpu.memory_space<hbm>>) target(%dma_start3A_77 : memref<128x64xf32, #tpu.memory_space<vmem>>) offsets(%dma_start3A_80 : memref<128xi32, #tpu.memory_space<vmem>>) semaphore(%arg13 : memref<!tpu.dma_semaphore, #tpu.memory_space<semaphore_mem>>)
    %dma_start3A_84 = arith.constant 11 : i32
    %dma_start3A_85 = arith.constant 896 : i32
    %dma_start3A_86 = arith.constant 0 : i32
    %dma_start3A_87 = tpu.memref_slice %arg9[%dma_start3A_85, %dma_start3A_86] : memref<1024x64xf32, #tpu.memory_space<vmem>> -> memref<128x64xf32, #tpu.memory_space<vmem>>
    %dma_start3A_88 = arith.constant 0 : i32
    %dma_start3A_89 = tpu.memref_slice %arg8[%dma_start3A_84, %dma_start3A_88] : memref<16x128xi32, #tpu.memory_space<vmem>> -> memref<1x128xi32, #tpu.memory_space<vmem>>
    %dma_start3A_90 = tpu.memref_squeeze %dma_start3A_89 : memref<1x128xi32, #tpu.memory_space<vmem>> -> memref<128xi32, #tpu.memory_space<vmem>>
    %dma_start3A_91 = arith.constant 0 : i32
    %dma_start3A_92 = arith.constant 0 : i32
    %dma_start3A_93 = tpu.memref_slice %arg2[%dma_start3A_91, %dma_start3A_92] : memref<65536x64xf32, #tpu.memory_space<hbm>> -> memref<65536x64xf32, #tpu.memory_space<hbm>>
    tpu.enqueue_indirect_dma source(%dma_start3A_93 : memref<65536x64xf32, #tpu.memory_space<hbm>>) target(%dma_start3A_87 : memref<128x64xf32, #tpu.memory_space<vmem>>) offsets(%dma_start3A_90 : memref<128xi32, #tpu.memory_space<vmem>>) semaphore(%arg13 : memref<!tpu.dma_semaphore, #tpu.memory_space<semaphore_mem>>)
    %mul3A_94 = arith.constant 320 : i32
    %mul3A_95 = arith.muli %arg1, %mul3A_94 : i32
    %add3A_96 = arith.constant 80 : i32
    %add3A_97 = arith.addi %mul3A_95, %add3A_96 : i32
    %dma_start3A_98 = arith.constant 0 : i32
    %dma_start3A_99 = tpu.memref_slice %arg11[%add3A_97, %dma_start3A_98] : memref<5120x64xf32, #tpu.memory_space<vmem_shared>> -> memref<80x64xf32, #tpu.memory_space<vmem_shared>>
    %dma_start3A_100 = arith.constant 0 : i32
    %dma_start3A_101 = tpu.memref_slice %arg11[%add3A_97, %dma_start3A_100] : memref<5120x64xf32, #tpu.memory_space<vmem_shared>> -> memref<80x64xf32, #tpu.memory_space<vmem_shared>>
    tpu.enqueue_dma source(%arg10 : memref<80x64xf32, #tpu.memory_space<vmem>>) target(%dma_start3A_101 : memref<80x64xf32, #tpu.memory_space<vmem_shared>>) target_semaphore(%arg16 : memref<!tpu.dma_semaphore, #tpu.memory_space<semaphore_mem>>)
    %scan3A = arith.constant 0 : i32
    %scan3A_102 = arith.constant 0 : i32
    %scan3A_103 = arith.constant 8 : i32
    %scan3A_104 = arith.addi %scan3A_102, %scan3A_103 : i32
    %scan3A_105 = arith.constant 1 : i32
    scf.for %scan3A_190 = %scan3A_102 to %scan3A_104 step %scan3A_105  : i32 {
      %mul3A_191 = arith.constant 4 : i32
      %mul3A_192 = arith.muli %mul3A_191, %scan3A_190 : i32
      %add3A_193 = arith.constant 0 : i32
      %add3A_194 = arith.addi %mul3A_192, %add3A_193 : i32
      %dma_wait3A_195 = arith.constant 0 : i32
      %dma_wait3A_196 = arith.constant 0 : i32
      %dma_wait3A_197 = arith.constant 0 : i32
      %dma_wait3A_198 = tpu.memref_slice %arg9[%dma_wait3A_196, %dma_wait3A_197] : memref<1024x64xf32, #tpu.memory_space<vmem>> -> memref<128x64xf32, #tpu.memory_space<vmem>>
      %dma_wait3A_199 = arith.constant 0 : i32
      %dma_wait3A_200 = tpu.memref_slice %arg8[%dma_wait3A_195, %dma_wait3A_199] : memref<16x128xi32, #tpu.memory_space<vmem>> -> memref<1x128xi32, #tpu.memory_space<vmem>>
      %dma_wait3A_201 = tpu.memref_squeeze %dma_wait3A_200 : memref<1x128xi32, #tpu.memory_space<vmem>> -> memref<128xi32, #tpu.memory_space<vmem>>
      %dma_wait3A_202 = arith.constant 0 : i32
      %dma_wait3A_203 = arith.constant 0 : i32
      %dma_wait3A_204 = tpu.memref_slice %arg2[%dma_wait3A_202, %dma_wait3A_203] : memref<65536x64xf32, #tpu.memory_space<hbm>> -> memref<65536x64xf32, #tpu.memory_space<hbm>>
      tpu.wait_indirect_dma semaphore(%arg12 : memref<!tpu.dma_semaphore, #tpu.memory_space<semaphore_mem>>) src(%dma_wait3A_204 : memref<65536x64xf32, #tpu.memory_space<hbm>>) dst(%dma_wait3A_198 : memref<128x64xf32, #tpu.memory_space<vmem>>)
      %dma_wait3A_205 = arith.constant 1 : i32
      %dma_wait3A_206 = arith.constant 128 : i32
      %dma_wait3A_207 = arith.constant 0 : i32
      %dma_wait3A_208 = tpu.memref_slice %arg9[%dma_wait3A_206, %dma_wait3A_207] : memref<1024x64xf32, #tpu.memory_space<vmem>> -> memref<128x64xf32, #tpu.memory_space<vmem>>
      %dma_wait3A_209 = arith.constant 0 : i32
      %dma_wait3A_210 = tpu.memref_slice %arg8[%dma_wait3A_205, %dma_wait3A_209] : memref<16x128xi32, #tpu.memory_space<vmem>> -> memref<1x128xi32, #tpu.memory_space<vmem>>
      %dma_wait3A_211 = tpu.memref_squeeze %dma_wait3A_210 : memref<1x128xi32, #tpu.memory_space<vmem>> -> memref<128xi32, #tpu.memory_space<vmem>>
      %dma_wait3A_212 = arith.constant 0 : i32
      %dma_wait3A_213 = arith.constant 0 : i32
      %dma_wait3A_214 = tpu.memref_slice %arg2[%dma_wait3A_212, %dma_wait3A_213] : memref<65536x64xf32, #tpu.memory_space<hbm>> -> memref<65536x64xf32, #tpu.memory_space<hbm>>
      tpu.wait_indirect_dma semaphore(%arg12 : memref<!tpu.dma_semaphore, #tpu.memory_space<semaphore_mem>>) src(%dma_wait3A_214 : memref<65536x64xf32, #tpu.memory_space<hbm>>) dst(%dma_wait3A_208 : memref<128x64xf32, #tpu.memory_space<vmem>>)
      %dma_wait3A_215 = arith.constant 2 : i32
      %dma_wait3A_216 = arith.constant 256 : i32
      %dma_wait3A_217 = arith.constant 0 : i32
      %dma_wait3A_218 = tpu.memref_slice %arg9[%dma_wait3A_216, %dma_wait3A_217] : memref<1024x64xf32, #tpu.memory_space<vmem>> -> memref<128x64xf32, #tpu.memory_space<vmem>>
      %dma_wait3A_219 = arith.constant 0 : i32
      %dma_wait3A_220 = tpu.memref_slice %arg8[%dma_wait3A_215, %dma_wait3A_219] : memref<16x128xi32, #tpu.memory_space<vmem>> -> memref<1x128xi32, #tpu.memory_space<vmem>>
      %dma_wait3A_221 = tpu.memref_squeeze %dma_wait3A_220 : memref<1x128xi32, #tpu.memory_space<vmem>> -> memref<128xi32, #tpu.memory_space<vmem>>
      %dma_wait3A_222 = arith.constant 0 : i32
      %dma_wait3A_223 = arith.constant 0 : i32
      %dma_wait3A_224 = tpu.memref_slice %arg2[%dma_wait3A_222, %dma_wait3A_223] : memref<65536x64xf32, #tpu.memory_space<hbm>> -> memref<65536x64xf32, #tpu.memory_space<hbm>>
      tpu.wait_indirect_dma semaphore(%arg12 : memref<!tpu.dma_semaphore, #tpu.memory_space<semaphore_mem>>) src(%dma_wait3A_224 : memref<65536x64xf32, #tpu.memory_space<hbm>>) dst(%dma_wait3A_218 : memref<128x64xf32, #tpu.memory_space<vmem>>)
      %dma_wait3A_225 = arith.constant 3 : i32
      %dma_wait3A_226 = arith.constant 384 : i32
      %dma_wait3A_227 = arith.constant 0 : i32
      %dma_wait3A_228 = tpu.memref_slice %arg9[%dma_wait3A_226, %dma_wait3A_227] : memref<1024x64xf32, #tpu.memory_space<vmem>> -> memref<128x64xf32, #tpu.memory_space<vmem>>
      %dma_wait3A_229 = arith.constant 0 : i32
      %dma_wait3A_230 = tpu.memref_slice %arg8[%dma_wait3A_225, %dma_wait3A_229] : memref<16x128xi32, #tpu.memory_space<vmem>> -> memref<1x128xi32, #tpu.memory_space<vmem>>
      %dma_wait3A_231 = tpu.memref_squeeze %dma_wait3A_230 : memref<1x128xi32, #tpu.memory_space<vmem>> -> memref<128xi32, #tpu.memory_space<vmem>>
      %dma_wait3A_232 = arith.constant 0 : i32
      %dma_wait3A_233 = arith.constant 0 : i32
      %dma_wait3A_234 = tpu.memref_slice %arg2[%dma_wait3A_232, %dma_wait3A_233] : memref<65536x64xf32, #tpu.memory_space<hbm>> -> memref<65536x64xf32, #tpu.memory_space<hbm>>
      tpu.wait_indirect_dma semaphore(%arg12 : memref<!tpu.dma_semaphore, #tpu.memory_space<semaphore_mem>>) src(%dma_wait3A_234 : memref<65536x64xf32, #tpu.memory_space<hbm>>) dst(%dma_wait3A_228 : memref<128x64xf32, #tpu.memory_space<vmem>>)
      %mul3A_235 = arith.constant 320 : i32
      %mul3A_236 = arith.muli %arg1, %mul3A_235 : i32
      %add3A_237 = arith.constant 0 : i32
      %add3A_238 = arith.addi %mul3A_236, %add3A_237 : i32
      %dma_wait3A_239 = arith.constant 0 : i32
      %dma_wait3A_240 = tpu.memref_slice %arg11[%add3A_238, %dma_wait3A_239] : memref<5120x64xf32, #tpu.memory_space<vmem_shared>> -> memref<80x64xf32, #tpu.memory_space<vmem_shared>>
      %dma_wait3A_241 = arith.constant 0 : i32
      %dma_wait3A_242 = tpu.memref_slice %arg11[%add3A_238, %dma_wait3A_241] : memref<5120x64xf32, #tpu.memory_space<vmem_shared>> -> memref<80x64xf32, #tpu.memory_space<vmem_shared>>
      tpu.wait_dma2 semaphore(%arg15 : memref<!tpu.dma_semaphore, #tpu.memory_space<semaphore_mem>>) src(%arg10 : memref<80x64xf32, #tpu.memory_space<vmem>>) dst(%dma_wait3A_242 : memref<80x64xf32, #tpu.memory_space<vmem_shared>>)
      %dma_start3A_243 = arith.constant 4 : i32
      %dma_start3A_244 = arith.constant 0 : i32
      %dma_start3A_245 = arith.constant 0 : i32
      %dma_start3A_246 = tpu.memref_slice %arg9[%dma_start3A_244, %dma_start3A_245] : memref<1024x64xf32, #tpu.memory_space<vmem>> -> memref<128x64xf32, #tpu.memory_space<vmem>>
      %dma_start3A_247 = arith.constant 0 : i32
      %dma_start3A_248 = tpu.memref_slice %arg8[%dma_start3A_243, %dma_start3A_247] : memref<16x128xi32, #tpu.memory_space<vmem>> -> memref<1x128xi32, #tpu.memory_space<vmem>>
      %dma_start3A_249 = tpu.memref_squeeze %dma_start3A_248 : memref<1x128xi32, #tpu.memory_space<vmem>> -> memref<128xi32, #tpu.memory_space<vmem>>
      %dma_start3A_250 = arith.constant 0 : i32
      %dma_start3A_251 = arith.constant 0 : i32
      %dma_start3A_252 = tpu.memref_slice %arg11[%dma_start3A_250, %dma_start3A_251] : memref<5120x64xf32, #tpu.memory_space<vmem_shared>> -> memref<5120x64xf32, #tpu.memory_space<vmem_shared>>
      tpu.enqueue_indirect_dma source(%dma_start3A_246 : memref<128x64xf32, #tpu.memory_space<vmem>>) target(%dma_start3A_252 : memref<5120x64xf32, #tpu.memory_space<vmem_shared>>) offsets(%dma_start3A_249 : memref<128xi32, #tpu.memory_space<vmem>>) semaphore(%arg14 : memref<!tpu.dma_semaphore, #tpu.memory_space<semaphore_mem>>) {add = true}
      %dma_start3A_253 = arith.constant 5 : i32
      %dma_start3A_254 = arith.constant 128 : i32
      %dma_start3A_255 = arith.constant 0 : i32
      %dma_start3A_256 = tpu.memref_slice %arg9[%dma_start3A_254, %dma_start3A_255] : memref<1024x64xf32, #tpu.memory_space<vmem>> -> memref<128x64xf32, #tpu.memory_space<vmem>>
      %dma_start3A_257 = arith.constant 0 : i32
      %dma_start3A_258 = tpu.memref_slice %arg8[%dma_start3A_253, %dma_start3A_257] : memref<16x128xi32, #tpu.memory_space<vmem>> -> memref<1x128xi32, #tpu.memory_space<vmem>>
      %dma_start3A_259 = tpu.memref_squeeze %dma_start3A_258 : memref<1x128xi32, #tpu.memory_space<vmem>> -> memref<128xi32, #tpu.memory_space<vmem>>
      %dma_start3A_260 = arith.constant 0 : i32
      %dma_start3A_261 = arith.constant 0 : i32
      %dma_start3A_262 = tpu.memref_slice %arg11[%dma_start3A_260, %dma_start3A_261] : memref<5120x64xf32, #tpu.memory_space<vmem_shared>> -> memref<5120x64xf32, #tpu.memory_space<vmem_shared>>
      tpu.enqueue_indirect_dma source(%dma_start3A_256 : memref<128x64xf32, #tpu.memory_space<vmem>>) target(%dma_start3A_262 : memref<5120x64xf32, #tpu.memory_space<vmem_shared>>) offsets(%dma_start3A_259 : memref<128xi32, #tpu.memory_space<vmem>>) semaphore(%arg14 : memref<!tpu.dma_semaphore, #tpu.memory_space<semaphore_mem>>) {add = true}
      %dma_start3A_263 = arith.constant 6 : i32
      %dma_start3A_264 = arith.constant 256 : i32
      %dma_start3A_265 = arith.constant 0 : i32
      %dma_start3A_266 = tpu.memref_slice %arg9[%dma_start3A_264, %dma_start3A_265] : memref<1024x64xf32, #tpu.memory_space<vmem>> -> memref<128x64xf32, #tpu.memory_space<vmem>>
      %dma_start3A_267 = arith.constant 0 : i32
      %dma_start3A_268 = tpu.memref_slice %arg8[%dma_start3A_263, %dma_start3A_267] : memref<16x128xi32, #tpu.memory_space<vmem>> -> memref<1x128xi32, #tpu.memory_space<vmem>>
      %dma_start3A_269 = tpu.memref_squeeze %dma_start3A_268 : memref<1x128xi32, #tpu.memory_space<vmem>> -> memref<128xi32, #tpu.memory_space<vmem>>
      %dma_start3A_270 = arith.constant 0 : i32
      %dma_start3A_271 = arith.constant 0 : i32
      %dma_start3A_272 = tpu.memref_slice %arg11[%dma_start3A_270, %dma_start3A_271] : memref<5120x64xf32, #tpu.memory_space<vmem_shared>> -> memref<5120x64xf32, #tpu.memory_space<vmem_shared>>
      tpu.enqueue_indirect_dma source(%dma_start3A_266 : memref<128x64xf32, #tpu.memory_space<vmem>>) target(%dma_start3A_272 : memref<5120x64xf32, #tpu.memory_space<vmem_shared>>) offsets(%dma_start3A_269 : memref<128xi32, #tpu.memory_space<vmem>>) semaphore(%arg14 : memref<!tpu.dma_semaphore, #tpu.memory_space<semaphore_mem>>) {add = true}
      %dma_start3A_273 = arith.constant 7 : i32
      %dma_start3A_274 = arith.constant 384 : i32
      %dma_start3A_275 = arith.constant 0 : i32
      %dma_start3A_276 = tpu.memref_slice %arg9[%dma_start3A_274, %dma_start3A_275] : memref<1024x64xf32, #tpu.memory_space<vmem>> -> memref<128x64xf32, #tpu.memory_space<vmem>>
      %dma_start3A_277 = arith.constant 0 : i32
      %dma_start3A_278 = tpu.memref_slice %arg8[%dma_start3A_273, %dma_start3A_277] : memref<16x128xi32, #tpu.memory_space<vmem>> -> memref<1x128xi32, #tpu.memory_space<vmem>>
      %dma_start3A_279 = tpu.memref_squeeze %dma_start3A_278 : memref<1x128xi32, #tpu.memory_space<vmem>> -> memref<128xi32, #tpu.memory_space<vmem>>
      %dma_start3A_280 = arith.constant 0 : i32
      %dma_start3A_281 = arith.constant 0 : i32
      %dma_start3A_282 = tpu.memref_slice %arg11[%dma_start3A_280, %dma_start3A_281] : memref<5120x64xf32, #tpu.memory_space<vmem_shared>> -> memref<5120x64xf32, #tpu.memory_space<vmem_shared>>
      tpu.enqueue_indirect_dma source(%dma_start3A_276 : memref<128x64xf32, #tpu.memory_space<vmem>>) target(%dma_start3A_282 : memref<5120x64xf32, #tpu.memory_space<vmem_shared>>) offsets(%dma_start3A_279 : memref<128xi32, #tpu.memory_space<vmem>>) semaphore(%arg14 : memref<!tpu.dma_semaphore, #tpu.memory_space<semaphore_mem>>) {add = true}
      %dma_wait3A_283 = arith.constant 4 : i32
      %dma_wait3A_284 = arith.constant 0 : i32
      %dma_wait3A_285 = arith.constant 0 : i32
      %dma_wait3A_286 = tpu.memref_slice %arg9[%dma_wait3A_284, %dma_wait3A_285] : memref<1024x64xf32, #tpu.memory_space<vmem>> -> memref<128x64xf32, #tpu.memory_space<vmem>>
      %dma_wait3A_287 = arith.constant 0 : i32
      %dma_wait3A_288 = tpu.memref_slice %arg8[%dma_wait3A_283, %dma_wait3A_287] : memref<16x128xi32, #tpu.memory_space<vmem>> -> memref<1x128xi32, #tpu.memory_space<vmem>>
      %dma_wait3A_289 = tpu.memref_squeeze %dma_wait3A_288 : memref<1x128xi32, #tpu.memory_space<vmem>> -> memref<128xi32, #tpu.memory_space<vmem>>
      %dma_wait3A_290 = arith.constant 0 : i32
      %dma_wait3A_291 = arith.constant 0 : i32
      %dma_wait3A_292 = tpu.memref_slice %arg11[%dma_wait3A_290, %dma_wait3A_291] : memref<5120x64xf32, #tpu.memory_space<vmem_shared>> -> memref<5120x64xf32, #tpu.memory_space<vmem_shared>>
      tpu.wait_indirect_dma semaphore(%arg14 : memref<!tpu.dma_semaphore, #tpu.memory_space<semaphore_mem>>) src(%dma_wait3A_286 : memref<128x64xf32, #tpu.memory_space<vmem>>) dst(%dma_wait3A_292 : memref<5120x64xf32, #tpu.memory_space<vmem_shared>>)
      %dma_wait3A_293 = arith.constant 5 : i32
      %dma_wait3A_294 = arith.constant 128 : i32
      %dma_wait3A_295 = arith.constant 0 : i32
      %dma_wait3A_296 = tpu.memref_slice %arg9[%dma_wait3A_294, %dma_wait3A_295] : memref<1024x64xf32, #tpu.memory_space<vmem>> -> memref<128x64xf32, #tpu.memory_space<vmem>>
      %dma_wait3A_297 = arith.constant 0 : i32
      %dma_wait3A_298 = tpu.memref_slice %arg8[%dma_wait3A_293, %dma_wait3A_297] : memref<16x128xi32, #tpu.memory_space<vmem>> -> memref<1x128xi32, #tpu.memory_space<vmem>>
      %dma_wait3A_299 = tpu.memref_squeeze %dma_wait3A_298 : memref<1x128xi32, #tpu.memory_space<vmem>> -> memref<128xi32, #tpu.memory_space<vmem>>
      %dma_wait3A_300 = arith.constant 0 : i32
      %dma_wait3A_301 = arith.constant 0 : i32
      %dma_wait3A_302 = tpu.memref_slice %arg11[%dma_wait3A_300, %dma_wait3A_301] : memref<5120x64xf32, #tpu.memory_space<vmem_shared>> -> memref<5120x64xf32, #tpu.memory_space<vmem_shared>>
      tpu.wait_indirect_dma semaphore(%arg14 : memref<!tpu.dma_semaphore, #tpu.memory_space<semaphore_mem>>) src(%dma_wait3A_296 : memref<128x64xf32, #tpu.memory_space<vmem>>) dst(%dma_wait3A_302 : memref<5120x64xf32, #tpu.memory_space<vmem_shared>>)
      %dma_wait3A_303 = arith.constant 6 : i32
      %dma_wait3A_304 = arith.constant 256 : i32
      %dma_wait3A_305 = arith.constant 0 : i32
      %dma_wait3A_306 = tpu.memref_slice %arg9[%dma_wait3A_304, %dma_wait3A_305] : memref<1024x64xf32, #tpu.memory_space<vmem>> -> memref<128x64xf32, #tpu.memory_space<vmem>>
      %dma_wait3A_307 = arith.constant 0 : i32
      %dma_wait3A_308 = tpu.memref_slice %arg8[%dma_wait3A_303, %dma_wait3A_307] : memref<16x128xi32, #tpu.memory_space<vmem>> -> memref<1x128xi32, #tpu.memory_space<vmem>>
      %dma_wait3A_309 = tpu.memref_squeeze %dma_wait3A_308 : memref<1x128xi32, #tpu.memory_space<vmem>> -> memref<128xi32, #tpu.memory_space<vmem>>
      %dma_wait3A_310 = arith.constant 0 : i32
      %dma_wait3A_311 = arith.constant 0 : i32
      %dma_wait3A_312 = tpu.memref_slice %arg11[%dma_wait3A_310, %dma_wait3A_311] : memref<5120x64xf32, #tpu.memory_space<vmem_shared>> -> memref<5120x64xf32, #tpu.memory_space<vmem_shared>>
      tpu.wait_indirect_dma semaphore(%arg14 : memref<!tpu.dma_semaphore, #tpu.memory_space<semaphore_mem>>) src(%dma_wait3A_306 : memref<128x64xf32, #tpu.memory_space<vmem>>) dst(%dma_wait3A_312 : memref<5120x64xf32, #tpu.memory_space<vmem_shared>>)
      %dma_wait3A_313 = arith.constant 7 : i32
      %dma_wait3A_314 = arith.constant 384 : i32
      %dma_wait3A_315 = arith.constant 0 : i32
      %dma_wait3A_316 = tpu.memref_slice %arg9[%dma_wait3A_314, %dma_wait3A_315] : memref<1024x64xf32, #tpu.memory_space<vmem>> -> memref<128x64xf32, #tpu.memory_space<vmem>>
      %dma_wait3A_317 = arith.constant 0 : i32
      %dma_wait3A_318 = tpu.memref_slice %arg8[%dma_wait3A_313, %dma_wait3A_317] : memref<16x128xi32, #tpu.memory_space<vmem>> -> memref<1x128xi32, #tpu.memory_space<vmem>>
      %dma_wait3A_319 = tpu.memref_squeeze %dma_wait3A_318 : memref<1x128xi32, #tpu.memory_space<vmem>> -> memref<128xi32, #tpu.memory_space<vmem>>
      %dma_wait3A_320 = arith.constant 0 : i32
      %dma_wait3A_321 = arith.constant 0 : i32
      %dma_wait3A_322 = tpu.memref_slice %arg11[%dma_wait3A_320, %dma_wait3A_321] : memref<5120x64xf32, #tpu.memory_space<vmem_shared>> -> memref<5120x64xf32, #tpu.memory_space<vmem_shared>>
      tpu.wait_indirect_dma semaphore(%arg14 : memref<!tpu.dma_semaphore, #tpu.memory_space<semaphore_mem>>) src(%dma_wait3A_316 : memref<128x64xf32, #tpu.memory_space<vmem>>) dst(%dma_wait3A_322 : memref<5120x64xf32, #tpu.memory_space<vmem_shared>>)
      %add3A_323 = arith.constant 2 : i32
      %add3A_324 = arith.addi %add3A_194, %add3A_323 : i32
      %lt3A = arith.constant 32 : i32
      %lt3A_325 = arith.cmpi slt, %add3A_324, %lt3A : i32
      %convert_element_type3A = arith.extui %lt3A_325 : i1 to i32
      %cond3A = arith.constant 0 : i32
      %cond3A_326 = arith.cmpi ne, %convert_element_type3A, %cond3A : i32
      scf.if %cond3A_326 {
        %add3A_816 = arith.constant 2 : i32
        %add3A_817 = arith.addi %add3A_194, %add3A_816 : i32
        %mul3A_818 = arith.constant 2 : i32
        %mul3A_819 = arith.muli %add3A_817, %mul3A_818 : i32
        %mul3A_820 = arith.constant 4 : i32
        %mul3A_821 = arith.muli %mul3A_819, %mul3A_820 : i32
        %add3A_822 = arith.addi %mul3A_2, %mul3A_821 : i32
        "tpu.region"() ({
          %run_scoped3A = tpu.sem_alloc : memref<!tpu.dma_semaphore, #tpu.memory_space<semaphore_mem>>
          %dma_start3A_863 = arith.constant 0 : i32
          %dma_start3A_864 = arith.constant 0 : i32
          %dma_start3A_865 = tpu.memref_slice %arg8[%dma_start3A_863, %dma_start3A_864] : memref<16x128xi32, #tpu.memory_space<vmem>> -> memref<8x128xi32, #tpu.memory_space<vmem>>
          %dma_start3A_866 = arith.constant 0 : i32
          %dma_start3A_867 = tpu.memref_slice %arg3[%add3A_822, %dma_start3A_866] : memref<8192x128xi32, #tpu.memory_space<hbm>> -> memref<8x128xi32, #tpu.memory_space<hbm>>
          %dma_start3A_868 = arith.constant 0 : i32
          %dma_start3A_869 = arith.constant 0 : i32
          %dma_start3A_870 = tpu.memref_slice %arg8[%dma_start3A_868, %dma_start3A_869] : memref<16x128xi32, #tpu.memory_space<vmem>> -> memref<8x128xi32, #tpu.memory_space<vmem>>
          %dma_start3A_871 = arith.constant 0 : i32
          %dma_start3A_872 = tpu.memref_slice %arg3[%add3A_822, %dma_start3A_871] : memref<8192x128xi32, #tpu.memory_space<hbm>> -> memref<8x128xi32, #tpu.memory_space<hbm>>
          tpu.enqueue_dma source(%dma_start3A_872 : memref<8x128xi32, #tpu.memory_space<hbm>>) target(%dma_start3A_870 : memref<8x128xi32, #tpu.memory_space<vmem>>) target_semaphore(%run_scoped3A : memref<!tpu.dma_semaphore, #tpu.memory_space<semaphore_mem>>)
          %dma_wait3A_873 = arith.constant 0 : i32
          %dma_wait3A_874 = arith.constant 0 : i32
          %dma_wait3A_875 = tpu.memref_slice %arg8[%dma_wait3A_873, %dma_wait3A_874] : memref<16x128xi32, #tpu.memory_space<vmem>> -> memref<8x128xi32, #tpu.memory_space<vmem>>
          %dma_wait3A_876 = arith.constant 0 : i32
          %dma_wait3A_877 = tpu.memref_slice %arg3[%add3A_822, %dma_wait3A_876] : memref<8192x128xi32, #tpu.memory_space<hbm>> -> memref<8x128xi32, #tpu.memory_space<hbm>>
          %dma_wait3A_878 = arith.constant 0 : i32
          %dma_wait3A_879 = arith.constant 0 : i32
          %dma_wait3A_880 = tpu.memref_slice %arg8[%dma_wait3A_878, %dma_wait3A_879] : memref<16x128xi32, #tpu.memory_space<vmem>> -> memref<8x128xi32, #tpu.memory_space<vmem>>
          %dma_wait3A_881 = arith.constant 0 : i32
          %dma_wait3A_882 = tpu.memref_slice %arg3[%add3A_822, %dma_wait3A_881] : memref<8192x128xi32, #tpu.memory_space<hbm>> -> memref<8x128xi32, #tpu.memory_space<hbm>>
          tpu.wait_dma2 semaphore(%run_scoped3A : memref<!tpu.dma_semaphore, #tpu.memory_space<semaphore_mem>>) src(%dma_wait3A_882 : memref<8x128xi32, #tpu.memory_space<hbm>>) dst(%dma_wait3A_880 : memref<8x128xi32, #tpu.memory_space<vmem>>)
          tpu.yield
        }) : () -> ()
        %dma_start3A_823 = arith.constant 0 : i32
        %dma_start3A_824 = arith.constant 0 : i32
        %dma_start3A_825 = arith.constant 0 : i32
        %dma_start3A_826 = tpu.memref_slice %arg9[%dma_start3A_824, %dma_start3A_825] : memref<1024x64xf32, #tpu.memory_space<vmem>> -> memref<128x64xf32, #tpu.memory_space<vmem>>
        %dma_start3A_827 = arith.constant 0 : i32
        %dma_start3A_828 = tpu.memref_slice %arg8[%dma_start3A_823, %dma_start3A_827] : memref<16x128xi32, #tpu.memory_space<vmem>> -> memref<1x128xi32, #tpu.memory_space<vmem>>
        %dma_start3A_829 = tpu.memref_squeeze %dma_start3A_828 : memref<1x128xi32, #tpu.memory_space<vmem>> -> memref<128xi32, #tpu.memory_space<vmem>>
        %dma_start3A_830 = arith.constant 0 : i32
        %dma_start3A_831 = arith.constant 0 : i32
        %dma_start3A_832 = tpu.memref_slice %arg2[%dma_start3A_830, %dma_start3A_831] : memref<65536x64xf32, #tpu.memory_space<hbm>> -> memref<65536x64xf32, #tpu.memory_space<hbm>>
        tpu.enqueue_indirect_dma source(%dma_start3A_832 : memref<65536x64xf32, #tpu.memory_space<hbm>>) target(%dma_start3A_826 : memref<128x64xf32, #tpu.memory_space<vmem>>) offsets(%dma_start3A_829 : memref<128xi32, #tpu.memory_space<vmem>>) semaphore(%arg12 : memref<!tpu.dma_semaphore, #tpu.memory_space<semaphore_mem>>)
        %dma_start3A_833 = arith.constant 1 : i32
        %dma_start3A_834 = arith.constant 128 : i32
        %dma_start3A_835 = arith.constant 0 : i32
        %dma_start3A_836 = tpu.memref_slice %arg9[%dma_start3A_834, %dma_start3A_835] : memref<1024x64xf32, #tpu.memory_space<vmem>> -> memref<128x64xf32, #tpu.memory_space<vmem>>
        %dma_start3A_837 = arith.constant 0 : i32
        %dma_start3A_838 = tpu.memref_slice %arg8[%dma_start3A_833, %dma_start3A_837] : memref<16x128xi32, #tpu.memory_space<vmem>> -> memref<1x128xi32, #tpu.memory_space<vmem>>
        %dma_start3A_839 = tpu.memref_squeeze %dma_start3A_838 : memref<1x128xi32, #tpu.memory_space<vmem>> -> memref<128xi32, #tpu.memory_space<vmem>>
        %dma_start3A_840 = arith.constant 0 : i32
        %dma_start3A_841 = arith.constant 0 : i32
        %dma_start3A_842 = tpu.memref_slice %arg2[%dma_start3A_840, %dma_start3A_841] : memref<65536x64xf32, #tpu.memory_space<hbm>> -> memref<65536x64xf32, #tpu.memory_space<hbm>>
        tpu.enqueue_indirect_dma source(%dma_start3A_842 : memref<65536x64xf32, #tpu.memory_space<hbm>>) target(%dma_start3A_836 : memref<128x64xf32, #tpu.memory_space<vmem>>) offsets(%dma_start3A_839 : memref<128xi32, #tpu.memory_space<vmem>>) semaphore(%arg12 : memref<!tpu.dma_semaphore, #tpu.memory_space<semaphore_mem>>)
        %dma_start3A_843 = arith.constant 2 : i32
        %dma_start3A_844 = arith.constant 256 : i32
        %dma_start3A_845 = arith.constant 0 : i32
        %dma_start3A_846 = tpu.memref_slice %arg9[%dma_start3A_844, %dma_start3A_845] : memref<1024x64xf32, #tpu.memory_space<vmem>> -> memref<128x64xf32, #tpu.memory_space<vmem>>
        %dma_start3A_847 = arith.constant 0 : i32
        %dma_start3A_848 = tpu.memref_slice %arg8[%dma_start3A_843, %dma_start3A_847] : memref<16x128xi32, #tpu.memory_space<vmem>> -> memref<1x128xi32, #tpu.memory_space<vmem>>
        %dma_start3A_849 = tpu.memref_squeeze %dma_start3A_848 : memref<1x128xi32, #tpu.memory_space<vmem>> -> memref<128xi32, #tpu.memory_space<vmem>>
        %dma_start3A_850 = arith.constant 0 : i32
        %dma_start3A_851 = arith.constant 0 : i32
        %dma_start3A_852 = tpu.memref_slice %arg2[%dma_start3A_850, %dma_start3A_851] : memref<65536x64xf32, #tpu.memory_space<hbm>> -> memref<65536x64xf32, #tpu.memory_space<hbm>>
        tpu.enqueue_indirect_dma source(%dma_start3A_852 : memref<65536x64xf32, #tpu.memory_space<hbm>>) target(%dma_start3A_846 : memref<128x64xf32, #tpu.memory_space<vmem>>) offsets(%dma_start3A_849 : memref<128xi32, #tpu.memory_space<vmem>>) semaphore(%arg12 : memref<!tpu.dma_semaphore, #tpu.memory_space<semaphore_mem>>)
        %dma_start3A_853 = arith.constant 3 : i32
        %dma_start3A_854 = arith.constant 384 : i32
        %dma_start3A_855 = arith.constant 0 : i32
        %dma_start3A_856 = tpu.memref_slice %arg9[%dma_start3A_854, %dma_start3A_855] : memref<1024x64xf32, #tpu.memory_space<vmem>> -> memref<128x64xf32, #tpu.memory_space<vmem>>
        %dma_start3A_857 = arith.constant 0 : i32
        %dma_start3A_858 = tpu.memref_slice %arg8[%dma_start3A_853, %dma_start3A_857] : memref<16x128xi32, #tpu.memory_space<vmem>> -> memref<1x128xi32, #tpu.memory_space<vmem>>
        %dma_start3A_859 = tpu.memref_squeeze %dma_start3A_858 : memref<1x128xi32, #tpu.memory_space<vmem>> -> memref<128xi32, #tpu.memory_space<vmem>>
        %dma_start3A_860 = arith.constant 0 : i32
        %dma_start3A_861 = arith.constant 0 : i32
        %dma_start3A_862 = tpu.memref_slice %arg2[%dma_start3A_860, %dma_start3A_861] : memref<65536x64xf32, #tpu.memory_space<hbm>> -> memref<65536x64xf32, #tpu.memory_space<hbm>>
        tpu.enqueue_indirect_dma source(%dma_start3A_862 : memref<65536x64xf32, #tpu.memory_space<hbm>>) target(%dma_start3A_856 : memref<128x64xf32, #tpu.memory_space<vmem>>) offsets(%dma_start3A_859 : memref<128xi32, #tpu.memory_space<vmem>>) semaphore(%arg12 : memref<!tpu.dma_semaphore, #tpu.memory_space<semaphore_mem>>)
      } else {
      }
      %mul3A_327 = arith.constant 512 : i32
      %mul3A_328 = arith.muli %add3A, %mul3A_327 : i32
      %mul3A_329 = arith.constant 16 : i32
      %mul3A_330 = arith.muli %add3A_194, %mul3A_329 : i32
      %add3A_331 = arith.addi %mul3A_328, %mul3A_330 : i32
      %mul3A_332 = arith.constant 5 : i32
      %mul3A_333 = arith.muli %add3A_331, %mul3A_332 : i32
      %mul3A_334 = arith.constant 320 : i32
      %mul3A_335 = arith.muli %arg1, %mul3A_334 : i32
      %add3A_336 = arith.constant 0 : i32
      %add3A_337 = arith.addi %mul3A_335, %add3A_336 : i32
      "tpu.region"() ({
        %run_scoped3A = tpu.sem_alloc : memref<!tpu.dma_semaphore, #tpu.memory_space<semaphore_mem>>
        %dma_start3A_816 = arith.constant 0 : i32
        %dma_start3A_817 = tpu.memref_slice %arg6[%mul3A_333, %dma_start3A_816] : memref<81920x64xf32, #tpu.memory_space<hbm>> -> memref<80x64xf32, #tpu.memory_space<hbm>>
        %dma_start3A_818 = arith.constant 0 : i32
        %dma_start3A_819 = tpu.memref_slice %arg11[%add3A_337, %dma_start3A_818] : memref<5120x64xf32, #tpu.memory_space<vmem_shared>> -> memref<80x64xf32, #tpu.memory_space<vmem_shared>>
        tpu.enqueue_dma source(%dma_start3A_819 : memref<80x64xf32, #tpu.memory_space<vmem_shared>>) target(%dma_start3A_817 : memref<80x64xf32, #tpu.memory_space<hbm>>) target_semaphore(%run_scoped3A : memref<!tpu.dma_semaphore, #tpu.memory_space<semaphore_mem>>)
        %dma_wait3A_820 = arith.constant 0 : i32
        %dma_wait3A_821 = tpu.memref_slice %arg6[%mul3A_333, %dma_wait3A_820] : memref<81920x64xf32, #tpu.memory_space<hbm>> -> memref<80x64xf32, #tpu.memory_space<hbm>>
        %dma_wait3A_822 = arith.constant 0 : i32
        %dma_wait3A_823 = tpu.memref_slice %arg11[%add3A_337, %dma_wait3A_822] : memref<5120x64xf32, #tpu.memory_space<vmem_shared>> -> memref<80x64xf32, #tpu.memory_space<vmem_shared>>
        tpu.wait_dma2 semaphore(%run_scoped3A : memref<!tpu.dma_semaphore, #tpu.memory_space<semaphore_mem>>) src(%dma_wait3A_823 : memref<80x64xf32, #tpu.memory_space<vmem_shared>>) dst(%dma_wait3A_821 : memref<80x64xf32, #tpu.memory_space<hbm>>)
        tpu.yield
      }) : () -> ()
      %add3A_338 = arith.constant 2 : i32
      %add3A_339 = arith.addi %add3A_194, %add3A_338 : i32
      %lt3A_340 = arith.constant 32 : i32
      %lt3A_341 = arith.cmpi slt, %add3A_339, %lt3A_340 : i32
      %convert_element_type3A_342 = arith.extui %lt3A_341 : i1 to i32
      %cond3A_343 = arith.constant 0 : i32
      %cond3A_344 = arith.cmpi ne, %convert_element_type3A_342, %cond3A_343 : i32
      scf.if %cond3A_344 {
        %mul3A_816 = arith.constant 320 : i32
        %mul3A_817 = arith.muli %arg1, %mul3A_816 : i32
        %add3A_818 = arith.constant 160 : i32
        %add3A_819 = arith.addi %mul3A_817, %add3A_818 : i32
        %dma_start3A_820 = arith.constant 0 : i32
        %dma_start3A_821 = tpu.memref_slice %arg11[%add3A_819, %dma_start3A_820] : memref<5120x64xf32, #tpu.memory_space<vmem_shared>> -> memref<80x64xf32, #tpu.memory_space<vmem_shared>>
        %dma_start3A_822 = arith.constant 0 : i32
        %dma_start3A_823 = tpu.memref_slice %arg11[%add3A_819, %dma_start3A_822] : memref<5120x64xf32, #tpu.memory_space<vmem_shared>> -> memref<80x64xf32, #tpu.memory_space<vmem_shared>>
        tpu.enqueue_dma source(%arg10 : memref<80x64xf32, #tpu.memory_space<vmem>>) target(%dma_start3A_823 : memref<80x64xf32, #tpu.memory_space<vmem_shared>>) target_semaphore(%arg17 : memref<!tpu.dma_semaphore, #tpu.memory_space<semaphore_mem>>)
      } else {
      }
      %mul3A_345 = arith.constant 4 : i32
      %mul3A_346 = arith.muli %mul3A_345, %scan3A_190 : i32
      %add3A_347 = arith.constant 1 : i32
      %add3A_348 = arith.addi %mul3A_346, %add3A_347 : i32
      %dma_wait3A_349 = arith.constant 8 : i32
      %dma_wait3A_350 = arith.constant 512 : i32
      %dma_wait3A_351 = arith.constant 0 : i32
      %dma_wait3A_352 = tpu.memref_slice %arg9[%dma_wait3A_350, %dma_wait3A_351] : memref<1024x64xf32, #tpu.memory_space<vmem>> -> memref<128x64xf32, #tpu.memory_space<vmem>>
      %dma_wait3A_353 = arith.constant 0 : i32
      %dma_wait3A_354 = tpu.memref_slice %arg8[%dma_wait3A_349, %dma_wait3A_353] : memref<16x128xi32, #tpu.memory_space<vmem>> -> memref<1x128xi32, #tpu.memory_space<vmem>>
      %dma_wait3A_355 = tpu.memref_squeeze %dma_wait3A_354 : memref<1x128xi32, #tpu.memory_space<vmem>> -> memref<128xi32, #tpu.memory_space<vmem>>
      %dma_wait3A_356 = arith.constant 0 : i32
      %dma_wait3A_357 = arith.constant 0 : i32
      %dma_wait3A_358 = tpu.memref_slice %arg2[%dma_wait3A_356, %dma_wait3A_357] : memref<65536x64xf32, #tpu.memory_space<hbm>> -> memref<65536x64xf32, #tpu.memory_space<hbm>>
      tpu.wait_indirect_dma semaphore(%arg13 : memref<!tpu.dma_semaphore, #tpu.memory_space<semaphore_mem>>) src(%dma_wait3A_358 : memref<65536x64xf32, #tpu.memory_space<hbm>>) dst(%dma_wait3A_352 : memref<128x64xf32, #tpu.memory_space<vmem>>)
      %dma_wait3A_359 = arith.constant 9 : i32
      %dma_wait3A_360 = arith.constant 640 : i32
      %dma_wait3A_361 = arith.constant 0 : i32
      %dma_wait3A_362 = tpu.memref_slice %arg9[%dma_wait3A_360, %dma_wait3A_361] : memref<1024x64xf32, #tpu.memory_space<vmem>> -> memref<128x64xf32, #tpu.memory_space<vmem>>
      %dma_wait3A_363 = arith.constant 0 : i32
      %dma_wait3A_364 = tpu.memref_slice %arg8[%dma_wait3A_359, %dma_wait3A_363] : memref<16x128xi32, #tpu.memory_space<vmem>> -> memref<1x128xi32, #tpu.memory_space<vmem>>
      %dma_wait3A_365 = tpu.memref_squeeze %dma_wait3A_364 : memref<1x128xi32, #tpu.memory_space<vmem>> -> memref<128xi32, #tpu.memory_space<vmem>>
      %dma_wait3A_366 = arith.constant 0 : i32
      %dma_wait3A_367 = arith.constant 0 : i32
      %dma_wait3A_368 = tpu.memref_slice %arg2[%dma_wait3A_366, %dma_wait3A_367] : memref<65536x64xf32, #tpu.memory_space<hbm>> -> memref<65536x64xf32, #tpu.memory_space<hbm>>
      tpu.wait_indirect_dma semaphore(%arg13 : memref<!tpu.dma_semaphore, #tpu.memory_space<semaphore_mem>>) src(%dma_wait3A_368 : memref<65536x64xf32, #tpu.memory_space<hbm>>) dst(%dma_wait3A_362 : memref<128x64xf32, #tpu.memory_space<vmem>>)
      %dma_wait3A_369 = arith.constant 10 : i32
      %dma_wait3A_370 = arith.constant 768 : i32
      %dma_wait3A_371 = arith.constant 0 : i32
      %dma_wait3A_372 = tpu.memref_slice %arg9[%dma_wait3A_370, %dma_wait3A_371] : memref<1024x64xf32, #tpu.memory_space<vmem>> -> memref<128x64xf32, #tpu.memory_space<vmem>>
      %dma_wait3A_373 = arith.constant 0 : i32
      %dma_wait3A_374 = tpu.memref_slice %arg8[%dma_wait3A_369, %dma_wait3A_373] : memref<16x128xi32, #tpu.memory_space<vmem>> -> memref<1x128xi32, #tpu.memory_space<vmem>>
      %dma_wait3A_375 = tpu.memref_squeeze %dma_wait3A_374 : memref<1x128xi32, #tpu.memory_space<vmem>> -> memref<128xi32, #tpu.memory_space<vmem>>
      %dma_wait3A_376 = arith.constant 0 : i32
      %dma_wait3A_377 = arith.constant 0 : i32
      %dma_wait3A_378 = tpu.memref_slice %arg2[%dma_wait3A_376, %dma_wait3A_377] : memref<65536x64xf32, #tpu.memory_space<hbm>> -> memref<65536x64xf32, #tpu.memory_space<hbm>>
      tpu.wait_indirect_dma semaphore(%arg13 : memref<!tpu.dma_semaphore, #tpu.memory_space<semaphore_mem>>) src(%dma_wait3A_378 : memref<65536x64xf32, #tpu.memory_space<hbm>>) dst(%dma_wait3A_372 : memref<128x64xf32, #tpu.memory_space<vmem>>)
      %dma_wait3A_379 = arith.constant 11 : i32
      %dma_wait3A_380 = arith.constant 896 : i32
      %dma_wait3A_381 = arith.constant 0 : i32
      %dma_wait3A_382 = tpu.memref_slice %arg9[%dma_wait3A_380, %dma_wait3A_381] : memref<1024x64xf32, #tpu.memory_space<vmem>> -> memref<128x64xf32, #tpu.memory_space<vmem>>
      %dma_wait3A_383 = arith.constant 0 : i32
      %dma_wait3A_384 = tpu.memref_slice %arg8[%dma_wait3A_379, %dma_wait3A_383] : memref<16x128xi32, #tpu.memory_space<vmem>> -> memref<1x128xi32, #tpu.memory_space<vmem>>
      %dma_wait3A_385 = tpu.memref_squeeze %dma_wait3A_384 : memref<1x128xi32, #tpu.memory_space<vmem>> -> memref<128xi32, #tpu.memory_space<vmem>>
      %dma_wait3A_386 = arith.constant 0 : i32
      %dma_wait3A_387 = arith.constant 0 : i32
      %dma_wait3A_388 = tpu.memref_slice %arg2[%dma_wait3A_386, %dma_wait3A_387] : memref<65536x64xf32, #tpu.memory_space<hbm>> -> memref<65536x64xf32, #tpu.memory_space<hbm>>
      tpu.wait_indirect_dma semaphore(%arg13 : memref<!tpu.dma_semaphore, #tpu.memory_space<semaphore_mem>>) src(%dma_wait3A_388 : memref<65536x64xf32, #tpu.memory_space<hbm>>) dst(%dma_wait3A_382 : memref<128x64xf32, #tpu.memory_space<vmem>>)
      %mul3A_389 = arith.constant 320 : i32
      %mul3A_390 = arith.muli %arg1, %mul3A_389 : i32
      %add3A_391 = arith.constant 80 : i32
      %add3A_392 = arith.addi %mul3A_390, %add3A_391 : i32
      %dma_wait3A_393 = arith.constant 0 : i32
      %dma_wait3A_394 = tpu.memref_slice %arg11[%add3A_392, %dma_wait3A_393] : memref<5120x64xf32, #tpu.memory_space<vmem_shared>> -> memref<80x64xf32, #tpu.memory_space<vmem_shared>>
      %dma_wait3A_395 = arith.constant 0 : i32
      %dma_wait3A_396 = tpu.memref_slice %arg11[%add3A_392, %dma_wait3A_395] : memref<5120x64xf32, #tpu.memory_space<vmem_shared>> -> memref<80x64xf32, #tpu.memory_space<vmem_shared>>
      tpu.wait_dma2 semaphore(%arg16 : memref<!tpu.dma_semaphore, #tpu.memory_space<semaphore_mem>>) src(%arg10 : memref<80x64xf32, #tpu.memory_space<vmem>>) dst(%dma_wait3A_396 : memref<80x64xf32, #tpu.memory_space<vmem_shared>>)
      %dma_start3A_397 = arith.constant 12 : i32
      %dma_start3A_398 = arith.constant 512 : i32
      %dma_start3A_399 = arith.constant 0 : i32
      %dma_start3A_400 = tpu.memref_slice %arg9[%dma_start3A_398, %dma_start3A_399] : memref<1024x64xf32, #tpu.memory_space<vmem>> -> memref<128x64xf32, #tpu.memory_space<vmem>>
      %dma_start3A_401 = arith.constant 0 : i32
      %dma_start3A_402 = tpu.memref_slice %arg8[%dma_start3A_397, %dma_start3A_401] : memref<16x128xi32, #tpu.memory_space<vmem>> -> memref<1x128xi32, #tpu.memory_space<vmem>>
      %dma_start3A_403 = tpu.memref_squeeze %dma_start3A_402 : memref<1x128xi32, #tpu.memory_space<vmem>> -> memref<128xi32, #tpu.memory_space<vmem>>
      %dma_start3A_404 = arith.constant 0 : i32
      %dma_start3A_405 = arith.constant 0 : i32
      %dma_start3A_406 = tpu.memref_slice %arg11[%dma_start3A_404, %dma_start3A_405] : memref<5120x64xf32, #tpu.memory_space<vmem_shared>> -> memref<5120x64xf32, #tpu.memory_space<vmem_shared>>
      tpu.enqueue_indirect_dma source(%dma_start3A_400 : memref<128x64xf32, #tpu.memory_space<vmem>>) target(%dma_start3A_406 : memref<5120x64xf32, #tpu.memory_space<vmem_shared>>) offsets(%dma_start3A_403 : memref<128xi32, #tpu.memory_space<vmem>>) semaphore(%arg14 : memref<!tpu.dma_semaphore, #tpu.memory_space<semaphore_mem>>) {add = true}
      %dma_start3A_407 = arith.constant 13 : i32
      %dma_start3A_408 = arith.constant 640 : i32
      %dma_start3A_409 = arith.constant 0 : i32
      %dma_start3A_410 = tpu.memref_slice %arg9[%dma_start3A_408, %dma_start3A_409] : memref<1024x64xf32, #tpu.memory_space<vmem>> -> memref<128x64xf32, #tpu.memory_space<vmem>>
      %dma_start3A_411 = arith.constant 0 : i32
      %dma_start3A_412 = tpu.memref_slice %arg8[%dma_start3A_407, %dma_start3A_411] : memref<16x128xi32, #tpu.memory_space<vmem>> -> memref<1x128xi32, #tpu.memory_space<vmem>>
      %dma_start3A_413 = tpu.memref_squeeze %dma_start3A_412 : memref<1x128xi32, #tpu.memory_space<vmem>> -> memref<128xi32, #tpu.memory_space<vmem>>
      %dma_start3A_414 = arith.constant 0 : i32
      %dma_start3A_415 = arith.constant 0 : i32
      %dma_start3A_416 = tpu.memref_slice %arg11[%dma_start3A_414, %dma_start3A_415] : memref<5120x64xf32, #tpu.memory_space<vmem_shared>> -> memref<5120x64xf32, #tpu.memory_space<vmem_shared>>
      tpu.enqueue_indirect_dma source(%dma_start3A_410 : memref<128x64xf32, #tpu.memory_space<vmem>>) target(%dma_start3A_416 : memref<5120x64xf32, #tpu.memory_space<vmem_shared>>) offsets(%dma_start3A_413 : memref<128xi32, #tpu.memory_space<vmem>>) semaphore(%arg14 : memref<!tpu.dma_semaphore, #tpu.memory_space<semaphore_mem>>) {add = true}
      %dma_start3A_417 = arith.constant 14 : i32
      %dma_start3A_418 = arith.constant 768 : i32
      %dma_start3A_419 = arith.constant 0 : i32
      %dma_start3A_420 = tpu.memref_slice %arg9[%dma_start3A_418, %dma_start3A_419] : memref<1024x64xf32, #tpu.memory_space<vmem>> -> memref<128x64xf32, #tpu.memory_space<vmem>>
      %dma_start3A_421 = arith.constant 0 : i32
      %dma_start3A_422 = tpu.memref_slice %arg8[%dma_start3A_417, %dma_start3A_421] : memref<16x128xi32, #tpu.memory_space<vmem>> -> memref<1x128xi32, #tpu.memory_space<vmem>>
      %dma_start3A_423 = tpu.memref_squeeze %dma_start3A_422 : memref<1x128xi32, #tpu.memory_space<vmem>> -> memref<128xi32, #tpu.memory_space<vmem>>
      %dma_start3A_424 = arith.constant 0 : i32
      %dma_start3A_425 = arith.constant 0 : i32
      %dma_start3A_426 = tpu.memref_slice %arg11[%dma_start3A_424, %dma_start3A_425] : memref<5120x64xf32, #tpu.memory_space<vmem_shared>> -> memref<5120x64xf32, #tpu.memory_space<vmem_shared>>
      tpu.enqueue_indirect_dma source(%dma_start3A_420 : memref<128x64xf32, #tpu.memory_space<vmem>>) target(%dma_start3A_426 : memref<5120x64xf32, #tpu.memory_space<vmem_shared>>) offsets(%dma_start3A_423 : memref<128xi32, #tpu.memory_space<vmem>>) semaphore(%arg14 : memref<!tpu.dma_semaphore, #tpu.memory_space<semaphore_mem>>) {add = true}
      %dma_start3A_427 = arith.constant 15 : i32
      %dma_start3A_428 = arith.constant 896 : i32
      %dma_start3A_429 = arith.constant 0 : i32
      %dma_start3A_430 = tpu.memref_slice %arg9[%dma_start3A_428, %dma_start3A_429] : memref<1024x64xf32, #tpu.memory_space<vmem>> -> memref<128x64xf32, #tpu.memory_space<vmem>>
      %dma_start3A_431 = arith.constant 0 : i32
      %dma_start3A_432 = tpu.memref_slice %arg8[%dma_start3A_427, %dma_start3A_431] : memref<16x128xi32, #tpu.memory_space<vmem>> -> memref<1x128xi32, #tpu.memory_space<vmem>>
      %dma_start3A_433 = tpu.memref_squeeze %dma_start3A_432 : memref<1x128xi32, #tpu.memory_space<vmem>> -> memref<128xi32, #tpu.memory_space<vmem>>
      %dma_start3A_434 = arith.constant 0 : i32
      %dma_start3A_435 = arith.constant 0 : i32
      %dma_start3A_436 = tpu.memref_slice %arg11[%dma_start3A_434, %dma_start3A_435] : memref<5120x64xf32, #tpu.memory_space<vmem_shared>> -> memref<5120x64xf32, #tpu.memory_space<vmem_shared>>
      tpu.enqueue_indirect_dma source(%dma_start3A_430 : memref<128x64xf32, #tpu.memory_space<vmem>>) target(%dma_start3A_436 : memref<5120x64xf32, #tpu.memory_space<vmem_shared>>) offsets(%dma_start3A_433 : memref<128xi32, #tpu.memory_space<vmem>>) semaphore(%arg14 : memref<!tpu.dma_semaphore, #tpu.memory_space<semaphore_mem>>) {add = true}
      %dma_wait3A_437 = arith.constant 12 : i32
      %dma_wait3A_438 = arith.constant 512 : i32
      %dma_wait3A_439 = arith.constant 0 : i32
      %dma_wait3A_440 = tpu.memref_slice %arg9[%dma_wait3A_438, %dma_wait3A_439] : memref<1024x64xf32, #tpu.memory_space<vmem>> -> memref<128x64xf32, #tpu.memory_space<vmem>>
      %dma_wait3A_441 = arith.constant 0 : i32
      %dma_wait3A_442 = tpu.memref_slice %arg8[%dma_wait3A_437, %dma_wait3A_441] : memref<16x128xi32, #tpu.memory_space<vmem>> -> memref<1x128xi32, #tpu.memory_space<vmem>>
      %dma_wait3A_443 = tpu.memref_squeeze %dma_wait3A_442 : memref<1x128xi32, #tpu.memory_space<vmem>> -> memref<128xi32, #tpu.memory_space<vmem>>
      %dma_wait3A_444 = arith.constant 0 : i32
      %dma_wait3A_445 = arith.constant 0 : i32
      %dma_wait3A_446 = tpu.memref_slice %arg11[%dma_wait3A_444, %dma_wait3A_445] : memref<5120x64xf32, #tpu.memory_space<vmem_shared>> -> memref<5120x64xf32, #tpu.memory_space<vmem_shared>>
      tpu.wait_indirect_dma semaphore(%arg14 : memref<!tpu.dma_semaphore, #tpu.memory_space<semaphore_mem>>) src(%dma_wait3A_440 : memref<128x64xf32, #tpu.memory_space<vmem>>) dst(%dma_wait3A_446 : memref<5120x64xf32, #tpu.memory_space<vmem_shared>>)
      %dma_wait3A_447 = arith.constant 13 : i32
      %dma_wait3A_448 = arith.constant 640 : i32
      %dma_wait3A_449 = arith.constant 0 : i32
      %dma_wait3A_450 = tpu.memref_slice %arg9[%dma_wait3A_448, %dma_wait3A_449] : memref<1024x64xf32, #tpu.memory_space<vmem>> -> memref<128x64xf32, #tpu.memory_space<vmem>>
      %dma_wait3A_451 = arith.constant 0 : i32
      %dma_wait3A_452 = tpu.memref_slice %arg8[%dma_wait3A_447, %dma_wait3A_451] : memref<16x128xi32, #tpu.memory_space<vmem>> -> memref<1x128xi32, #tpu.memory_space<vmem>>
      %dma_wait3A_453 = tpu.memref_squeeze %dma_wait3A_452 : memref<1x128xi32, #tpu.memory_space<vmem>> -> memref<128xi32, #tpu.memory_space<vmem>>
      %dma_wait3A_454 = arith.constant 0 : i32
      %dma_wait3A_455 = arith.constant 0 : i32
      %dma_wait3A_456 = tpu.memref_slice %arg11[%dma_wait3A_454, %dma_wait3A_455] : memref<5120x64xf32, #tpu.memory_space<vmem_shared>> -> memref<5120x64xf32, #tpu.memory_space<vmem_shared>>
      tpu.wait_indirect_dma semaphore(%arg14 : memref<!tpu.dma_semaphore, #tpu.memory_space<semaphore_mem>>) src(%dma_wait3A_450 : memref<128x64xf32, #tpu.memory_space<vmem>>) dst(%dma_wait3A_456 : memref<5120x64xf32, #tpu.memory_space<vmem_shared>>)
      %dma_wait3A_457 = arith.constant 14 : i32
      %dma_wait3A_458 = arith.constant 768 : i32
      %dma_wait3A_459 = arith.constant 0 : i32
      %dma_wait3A_460 = tpu.memref_slice %arg9[%dma_wait3A_458, %dma_wait3A_459] : memref<1024x64xf32, #tpu.memory_space<vmem>> -> memref<128x64xf32, #tpu.memory_space<vmem>>
      %dma_wait3A_461 = arith.constant 0 : i32
      %dma_wait3A_462 = tpu.memref_slice %arg8[%dma_wait3A_457, %dma_wait3A_461] : memref<16x128xi32, #tpu.memory_space<vmem>> -> memref<1x128xi32, #tpu.memory_space<vmem>>
      %dma_wait3A_463 = tpu.memref_squeeze %dma_wait3A_462 : memref<1x128xi32, #tpu.memory_space<vmem>> -> memref<128xi32, #tpu.memory_space<vmem>>
      %dma_wait3A_464 = arith.constant 0 : i32
      %dma_wait3A_465 = arith.constant 0 : i32
      %dma_wait3A_466 = tpu.memref_slice %arg11[%dma_wait3A_464, %dma_wait3A_465] : memref<5120x64xf32, #tpu.memory_space<vmem_shared>> -> memref<5120x64xf32, #tpu.memory_space<vmem_shared>>
      tpu.wait_indirect_dma semaphore(%arg14 : memref<!tpu.dma_semaphore, #tpu.memory_space<semaphore_mem>>) src(%dma_wait3A_460 : memref<128x64xf32, #tpu.memory_space<vmem>>) dst(%dma_wait3A_466 : memref<5120x64xf32, #tpu.memory_space<vmem_shared>>)
      %dma_wait3A_467 = arith.constant 15 : i32
      %dma_wait3A_468 = arith.constant 896 : i32
      %dma_wait3A_469 = arith.constant 0 : i32
      %dma_wait3A_470 = tpu.memref_slice %arg9[%dma_wait3A_468, %dma_wait3A_469] : memref<1024x64xf32, #tpu.memory_space<vmem>> -> memref<128x64xf32, #tpu.memory_space<vmem>>
      %dma_wait3A_471 = arith.constant 0 : i32
      %dma_wait3A_472 = tpu.memref_slice %arg8[%dma_wait3A_467, %dma_wait3A_471] : memref<16x128xi32, #tpu.memory_space<vmem>> -> memref<1x128xi32, #tpu.memory_space<vmem>>
      %dma_wait3A_473 = tpu.memref_squeeze %dma_wait3A_472 : memref<1x128xi32, #tpu.memory_space<vmem>> -> memref<128xi32, #tpu.memory_space<vmem>>
      %dma_wait3A_474 = arith.constant 0 : i32
      %dma_wait3A_475 = arith.constant 0 : i32
      %dma_wait3A_476 = tpu.memref_slice %arg11[%dma_wait3A_474, %dma_wait3A_475] : memref<5120x64xf32, #tpu.memory_space<vmem_shared>> -> memref<5120x64xf32, #tpu.memory_space<vmem_shared>>
      tpu.wait_indirect_dma semaphore(%arg14 : memref<!tpu.dma_semaphore, #tpu.memory_space<semaphore_mem>>) src(%dma_wait3A_470 : memref<128x64xf32, #tpu.memory_space<vmem>>) dst(%dma_wait3A_476 : memref<5120x64xf32, #tpu.memory_space<vmem_shared>>)
      %add3A_477 = arith.constant 2 : i32
      %add3A_478 = arith.addi %add3A_348, %add3A_477 : i32
      %lt3A_479 = arith.constant 32 : i32
      %lt3A_480 = arith.cmpi slt, %add3A_478, %lt3A_479 : i32
      %convert_element_type3A_481 = arith.extui %lt3A_480 : i1 to i32
      %cond3A_482 = arith.constant 0 : i32
      %cond3A_483 = arith.cmpi ne, %convert_element_type3A_481, %cond3A_482 : i32
      scf.if %cond3A_483 {
        %add3A_816 = arith.constant 2 : i32
        %add3A_817 = arith.addi %add3A_348, %add3A_816 : i32
        %mul3A_818 = arith.constant 2 : i32
        %mul3A_819 = arith.muli %add3A_817, %mul3A_818 : i32
        %mul3A_820 = arith.constant 4 : i32
        %mul3A_821 = arith.muli %mul3A_819, %mul3A_820 : i32
        %add3A_822 = arith.addi %mul3A_2, %mul3A_821 : i32
        "tpu.region"() ({
          %run_scoped3A = tpu.sem_alloc : memref<!tpu.dma_semaphore, #tpu.memory_space<semaphore_mem>>
          %dma_start3A_863 = arith.constant 8 : i32
          %dma_start3A_864 = arith.constant 0 : i32
          %dma_start3A_865 = tpu.memref_slice %arg8[%dma_start3A_863, %dma_start3A_864] : memref<16x128xi32, #tpu.memory_space<vmem>> -> memref<8x128xi32, #tpu.memory_space<vmem>>
          %dma_start3A_866 = arith.constant 0 : i32
          %dma_start3A_867 = tpu.memref_slice %arg3[%add3A_822, %dma_start3A_866] : memref<8192x128xi32, #tpu.memory_space<hbm>> -> memref<8x128xi32, #tpu.memory_space<hbm>>
          %dma_start3A_868 = arith.constant 8 : i32
          %dma_start3A_869 = arith.constant 0 : i32
          %dma_start3A_870 = tpu.memref_slice %arg8[%dma_start3A_868, %dma_start3A_869] : memref<16x128xi32, #tpu.memory_space<vmem>> -> memref<8x128xi32, #tpu.memory_space<vmem>>
          %dma_start3A_871 = arith.constant 0 : i32
          %dma_start3A_872 = tpu.memref_slice %arg3[%add3A_822, %dma_start3A_871] : memref<8192x128xi32, #tpu.memory_space<hbm>> -> memref<8x128xi32, #tpu.memory_space<hbm>>
          tpu.enqueue_dma source(%dma_start3A_872 : memref<8x128xi32, #tpu.memory_space<hbm>>) target(%dma_start3A_870 : memref<8x128xi32, #tpu.memory_space<vmem>>) target_semaphore(%run_scoped3A : memref<!tpu.dma_semaphore, #tpu.memory_space<semaphore_mem>>)
          %dma_wait3A_873 = arith.constant 8 : i32
          %dma_wait3A_874 = arith.constant 0 : i32
          %dma_wait3A_875 = tpu.memref_slice %arg8[%dma_wait3A_873, %dma_wait3A_874] : memref<16x128xi32, #tpu.memory_space<vmem>> -> memref<8x128xi32, #tpu.memory_space<vmem>>
          %dma_wait3A_876 = arith.constant 0 : i32
          %dma_wait3A_877 = tpu.memref_slice %arg3[%add3A_822, %dma_wait3A_876] : memref<8192x128xi32, #tpu.memory_space<hbm>> -> memref<8x128xi32, #tpu.memory_space<hbm>>
          %dma_wait3A_878 = arith.constant 8 : i32
          %dma_wait3A_879 = arith.constant 0 : i32
          %dma_wait3A_880 = tpu.memref_slice %arg8[%dma_wait3A_878, %dma_wait3A_879] : memref<16x128xi32, #tpu.memory_space<vmem>> -> memref<8x128xi32, #tpu.memory_space<vmem>>
          %dma_wait3A_881 = arith.constant 0 : i32
          %dma_wait3A_882 = tpu.memref_slice %arg3[%add3A_822, %dma_wait3A_881] : memref<8192x128xi32, #tpu.memory_space<hbm>> -> memref<8x128xi32, #tpu.memory_space<hbm>>
          tpu.wait_dma2 semaphore(%run_scoped3A : memref<!tpu.dma_semaphore, #tpu.memory_space<semaphore_mem>>) src(%dma_wait3A_882 : memref<8x128xi32, #tpu.memory_space<hbm>>) dst(%dma_wait3A_880 : memref<8x128xi32, #tpu.memory_space<vmem>>)
          tpu.yield
        }) : () -> ()
        %dma_start3A_823 = arith.constant 8 : i32
        %dma_start3A_824 = arith.constant 512 : i32
        %dma_start3A_825 = arith.constant 0 : i32
        %dma_start3A_826 = tpu.memref_slice %arg9[%dma_start3A_824, %dma_start3A_825] : memref<1024x64xf32, #tpu.memory_space<vmem>> -> memref<128x64xf32, #tpu.memory_space<vmem>>
        %dma_start3A_827 = arith.constant 0 : i32
        %dma_start3A_828 = tpu.memref_slice %arg8[%dma_start3A_823, %dma_start3A_827] : memref<16x128xi32, #tpu.memory_space<vmem>> -> memref<1x128xi32, #tpu.memory_space<vmem>>
        %dma_start3A_829 = tpu.memref_squeeze %dma_start3A_828 : memref<1x128xi32, #tpu.memory_space<vmem>> -> memref<128xi32, #tpu.memory_space<vmem>>
        %dma_start3A_830 = arith.constant 0 : i32
        %dma_start3A_831 = arith.constant 0 : i32
        %dma_start3A_832 = tpu.memref_slice %arg2[%dma_start3A_830, %dma_start3A_831] : memref<65536x64xf32, #tpu.memory_space<hbm>> -> memref<65536x64xf32, #tpu.memory_space<hbm>>
        tpu.enqueue_indirect_dma source(%dma_start3A_832 : memref<65536x64xf32, #tpu.memory_space<hbm>>) target(%dma_start3A_826 : memref<128x64xf32, #tpu.memory_space<vmem>>) offsets(%dma_start3A_829 : memref<128xi32, #tpu.memory_space<vmem>>) semaphore(%arg13 : memref<!tpu.dma_semaphore, #tpu.memory_space<semaphore_mem>>)
        %dma_start3A_833 = arith.constant 9 : i32
        %dma_start3A_834 = arith.constant 640 : i32
        %dma_start3A_835 = arith.constant 0 : i32
        %dma_start3A_836 = tpu.memref_slice %arg9[%dma_start3A_834, %dma_start3A_835] : memref<1024x64xf32, #tpu.memory_space<vmem>> -> memref<128x64xf32, #tpu.memory_space<vmem>>
        %dma_start3A_837 = arith.constant 0 : i32
        %dma_start3A_838 = tpu.memref_slice %arg8[%dma_start3A_833, %dma_start3A_837] : memref<16x128xi32, #tpu.memory_space<vmem>> -> memref<1x128xi32, #tpu.memory_space<vmem>>
        %dma_start3A_839 = tpu.memref_squeeze %dma_start3A_838 : memref<1x128xi32, #tpu.memory_space<vmem>> -> memref<128xi32, #tpu.memory_space<vmem>>
        %dma_start3A_840 = arith.constant 0 : i32
        %dma_start3A_841 = arith.constant 0 : i32
        %dma_start3A_842 = tpu.memref_slice %arg2[%dma_start3A_840, %dma_start3A_841] : memref<65536x64xf32, #tpu.memory_space<hbm>> -> memref<65536x64xf32, #tpu.memory_space<hbm>>
        tpu.enqueue_indirect_dma source(%dma_start3A_842 : memref<65536x64xf32, #tpu.memory_space<hbm>>) target(%dma_start3A_836 : memref<128x64xf32, #tpu.memory_space<vmem>>) offsets(%dma_start3A_839 : memref<128xi32, #tpu.memory_space<vmem>>) semaphore(%arg13 : memref<!tpu.dma_semaphore, #tpu.memory_space<semaphore_mem>>)
        %dma_start3A_843 = arith.constant 10 : i32
        %dma_start3A_844 = arith.constant 768 : i32
        %dma_start3A_845 = arith.constant 0 : i32
        %dma_start3A_846 = tpu.memref_slice %arg9[%dma_start3A_844, %dma_start3A_845] : memref<1024x64xf32, #tpu.memory_space<vmem>> -> memref<128x64xf32, #tpu.memory_space<vmem>>
        %dma_start3A_847 = arith.constant 0 : i32
        %dma_start3A_848 = tpu.memref_slice %arg8[%dma_start3A_843, %dma_start3A_847] : memref<16x128xi32, #tpu.memory_space<vmem>> -> memref<1x128xi32, #tpu.memory_space<vmem>>
        %dma_start3A_849 = tpu.memref_squeeze %dma_start3A_848 : memref<1x128xi32, #tpu.memory_space<vmem>> -> memref<128xi32, #tpu.memory_space<vmem>>
        %dma_start3A_850 = arith.constant 0 : i32
        %dma_start3A_851 = arith.constant 0 : i32
        %dma_start3A_852 = tpu.memref_slice %arg2[%dma_start3A_850, %dma_start3A_851] : memref<65536x64xf32, #tpu.memory_space<hbm>> -> memref<65536x64xf32, #tpu.memory_space<hbm>>
        tpu.enqueue_indirect_dma source(%dma_start3A_852 : memref<65536x64xf32, #tpu.memory_space<hbm>>) target(%dma_start3A_846 : memref<128x64xf32, #tpu.memory_space<vmem>>) offsets(%dma_start3A_849 : memref<128xi32, #tpu.memory_space<vmem>>) semaphore(%arg13 : memref<!tpu.dma_semaphore, #tpu.memory_space<semaphore_mem>>)
        %dma_start3A_853 = arith.constant 11 : i32
        %dma_start3A_854 = arith.constant 896 : i32
        %dma_start3A_855 = arith.constant 0 : i32
        %dma_start3A_856 = tpu.memref_slice %arg9[%dma_start3A_854, %dma_start3A_855] : memref<1024x64xf32, #tpu.memory_space<vmem>> -> memref<128x64xf32, #tpu.memory_space<vmem>>
        %dma_start3A_857 = arith.constant 0 : i32
        %dma_start3A_858 = tpu.memref_slice %arg8[%dma_start3A_853, %dma_start3A_857] : memref<16x128xi32, #tpu.memory_space<vmem>> -> memref<1x128xi32, #tpu.memory_space<vmem>>
        %dma_start3A_859 = tpu.memref_squeeze %dma_start3A_858 : memref<1x128xi32, #tpu.memory_space<vmem>> -> memref<128xi32, #tpu.memory_space<vmem>>
        %dma_start3A_860 = arith.constant 0 : i32
        %dma_start3A_861 = arith.constant 0 : i32
        %dma_start3A_862 = tpu.memref_slice %arg2[%dma_start3A_860, %dma_start3A_861] : memref<65536x64xf32, #tpu.memory_space<hbm>> -> memref<65536x64xf32, #tpu.memory_space<hbm>>
        tpu.enqueue_indirect_dma source(%dma_start3A_862 : memref<65536x64xf32, #tpu.memory_space<hbm>>) target(%dma_start3A_856 : memref<128x64xf32, #tpu.memory_space<vmem>>) offsets(%dma_start3A_859 : memref<128xi32, #tpu.memory_space<vmem>>) semaphore(%arg13 : memref<!tpu.dma_semaphore, #tpu.memory_space<semaphore_mem>>)
      } else {
      }
      %mul3A_484 = arith.constant 512 : i32
      %mul3A_485 = arith.muli %add3A, %mul3A_484 : i32
      %mul3A_486 = arith.constant 16 : i32
      %mul3A_487 = arith.muli %add3A_348, %mul3A_486 : i32
      %add3A_488 = arith.addi %mul3A_485, %mul3A_487 : i32
      %mul3A_489 = arith.constant 5 : i32
      %mul3A_490 = arith.muli %add3A_488, %mul3A_489 : i32
      %mul3A_491 = arith.constant 320 : i32
      %mul3A_492 = arith.muli %arg1, %mul3A_491 : i32
      %add3A_493 = arith.constant 80 : i32
      %add3A_494 = arith.addi %mul3A_492, %add3A_493 : i32
      "tpu.region"() ({
        %run_scoped3A = tpu.sem_alloc : memref<!tpu.dma_semaphore, #tpu.memory_space<semaphore_mem>>
        %dma_start3A_816 = arith.constant 0 : i32
        %dma_start3A_817 = tpu.memref_slice %arg6[%mul3A_490, %dma_start3A_816] : memref<81920x64xf32, #tpu.memory_space<hbm>> -> memref<80x64xf32, #tpu.memory_space<hbm>>
        %dma_start3A_818 = arith.constant 0 : i32
        %dma_start3A_819 = tpu.memref_slice %arg11[%add3A_494, %dma_start3A_818] : memref<5120x64xf32, #tpu.memory_space<vmem_shared>> -> memref<80x64xf32, #tpu.memory_space<vmem_shared>>
        tpu.enqueue_dma source(%dma_start3A_819 : memref<80x64xf32, #tpu.memory_space<vmem_shared>>) target(%dma_start3A_817 : memref<80x64xf32, #tpu.memory_space<hbm>>) target_semaphore(%run_scoped3A : memref<!tpu.dma_semaphore, #tpu.memory_space<semaphore_mem>>)
        %dma_wait3A_820 = arith.constant 0 : i32
        %dma_wait3A_821 = tpu.memref_slice %arg6[%mul3A_490, %dma_wait3A_820] : memref<81920x64xf32, #tpu.memory_space<hbm>> -> memref<80x64xf32, #tpu.memory_space<hbm>>
        %dma_wait3A_822 = arith.constant 0 : i32
        %dma_wait3A_823 = tpu.memref_slice %arg11[%add3A_494, %dma_wait3A_822] : memref<5120x64xf32, #tpu.memory_space<vmem_shared>> -> memref<80x64xf32, #tpu.memory_space<vmem_shared>>
        tpu.wait_dma2 semaphore(%run_scoped3A : memref<!tpu.dma_semaphore, #tpu.memory_space<semaphore_mem>>) src(%dma_wait3A_823 : memref<80x64xf32, #tpu.memory_space<vmem_shared>>) dst(%dma_wait3A_821 : memref<80x64xf32, #tpu.memory_space<hbm>>)
        tpu.yield
      }) : () -> ()
      %add3A_495 = arith.constant 2 : i32
      %add3A_496 = arith.addi %add3A_348, %add3A_495 : i32
      %lt3A_497 = arith.constant 32 : i32
      %lt3A_498 = arith.cmpi slt, %add3A_496, %lt3A_497 : i32
      %convert_element_type3A_499 = arith.extui %lt3A_498 : i1 to i32
      %cond3A_500 = arith.constant 0 : i32
      %cond3A_501 = arith.cmpi ne, %convert_element_type3A_499, %cond3A_500 : i32
      scf.if %cond3A_501 {
        %mul3A_816 = arith.constant 320 : i32
        %mul3A_817 = arith.muli %arg1, %mul3A_816 : i32
        %add3A_818 = arith.constant 240 : i32
        %add3A_819 = arith.addi %mul3A_817, %add3A_818 : i32
        %dma_start3A_820 = arith.constant 0 : i32
        %dma_start3A_821 = tpu.memref_slice %arg11[%add3A_819, %dma_start3A_820] : memref<5120x64xf32, #tpu.memory_space<vmem_shared>> -> memref<80x64xf32, #tpu.memory_space<vmem_shared>>
        %dma_start3A_822 = arith.constant 0 : i32
        %dma_start3A_823 = tpu.memref_slice %arg11[%add3A_819, %dma_start3A_822] : memref<5120x64xf32, #tpu.memory_space<vmem_shared>> -> memref<80x64xf32, #tpu.memory_space<vmem_shared>>
        tpu.enqueue_dma source(%arg10 : memref<80x64xf32, #tpu.memory_space<vmem>>) target(%dma_start3A_823 : memref<80x64xf32, #tpu.memory_space<vmem_shared>>) target_semaphore(%arg18 : memref<!tpu.dma_semaphore, #tpu.memory_space<semaphore_mem>>)
      } else {
      }
      %mul3A_502 = arith.constant 4 : i32
      %mul3A_503 = arith.muli %mul3A_502, %scan3A_190 : i32
      %add3A_504 = arith.constant 2 : i32
      %add3A_505 = arith.addi %mul3A_503, %add3A_504 : i32
      %dma_wait3A_506 = arith.constant 0 : i32
      %dma_wait3A_507 = arith.constant 0 : i32
      %dma_wait3A_508 = arith.constant 0 : i32
      %dma_wait3A_509 = tpu.memref_slice %arg9[%dma_wait3A_507, %dma_wait3A_508] : memref<1024x64xf32, #tpu.memory_space<vmem>> -> memref<128x64xf32, #tpu.memory_space<vmem>>
      %dma_wait3A_510 = arith.constant 0 : i32
      %dma_wait3A_511 = tpu.memref_slice %arg8[%dma_wait3A_506, %dma_wait3A_510] : memref<16x128xi32, #tpu.memory_space<vmem>> -> memref<1x128xi32, #tpu.memory_space<vmem>>
      %dma_wait3A_512 = tpu.memref_squeeze %dma_wait3A_511 : memref<1x128xi32, #tpu.memory_space<vmem>> -> memref<128xi32, #tpu.memory_space<vmem>>
      %dma_wait3A_513 = arith.constant 0 : i32
      %dma_wait3A_514 = arith.constant 0 : i32
      %dma_wait3A_515 = tpu.memref_slice %arg2[%dma_wait3A_513, %dma_wait3A_514] : memref<65536x64xf32, #tpu.memory_space<hbm>> -> memref<65536x64xf32, #tpu.memory_space<hbm>>
      tpu.wait_indirect_dma semaphore(%arg12 : memref<!tpu.dma_semaphore, #tpu.memory_space<semaphore_mem>>) src(%dma_wait3A_515 : memref<65536x64xf32, #tpu.memory_space<hbm>>) dst(%dma_wait3A_509 : memref<128x64xf32, #tpu.memory_space<vmem>>)
      %dma_wait3A_516 = arith.constant 1 : i32
      %dma_wait3A_517 = arith.constant 128 : i32
      %dma_wait3A_518 = arith.constant 0 : i32
      %dma_wait3A_519 = tpu.memref_slice %arg9[%dma_wait3A_517, %dma_wait3A_518] : memref<1024x64xf32, #tpu.memory_space<vmem>> -> memref<128x64xf32, #tpu.memory_space<vmem>>
      %dma_wait3A_520 = arith.constant 0 : i32
      %dma_wait3A_521 = tpu.memref_slice %arg8[%dma_wait3A_516, %dma_wait3A_520] : memref<16x128xi32, #tpu.memory_space<vmem>> -> memref<1x128xi32, #tpu.memory_space<vmem>>
      %dma_wait3A_522 = tpu.memref_squeeze %dma_wait3A_521 : memref<1x128xi32, #tpu.memory_space<vmem>> -> memref<128xi32, #tpu.memory_space<vmem>>
      %dma_wait3A_523 = arith.constant 0 : i32
      %dma_wait3A_524 = arith.constant 0 : i32
      %dma_wait3A_525 = tpu.memref_slice %arg2[%dma_wait3A_523, %dma_wait3A_524] : memref<65536x64xf32, #tpu.memory_space<hbm>> -> memref<65536x64xf32, #tpu.memory_space<hbm>>
      tpu.wait_indirect_dma semaphore(%arg12 : memref<!tpu.dma_semaphore, #tpu.memory_space<semaphore_mem>>) src(%dma_wait3A_525 : memref<65536x64xf32, #tpu.memory_space<hbm>>) dst(%dma_wait3A_519 : memref<128x64xf32, #tpu.memory_space<vmem>>)
      %dma_wait3A_526 = arith.constant 2 : i32
      %dma_wait3A_527 = arith.constant 256 : i32
      %dma_wait3A_528 = arith.constant 0 : i32
      %dma_wait3A_529 = tpu.memref_slice %arg9[%dma_wait3A_527, %dma_wait3A_528] : memref<1024x64xf32, #tpu.memory_space<vmem>> -> memref<128x64xf32, #tpu.memory_space<vmem>>
      %dma_wait3A_530 = arith.constant 0 : i32
      %dma_wait3A_531 = tpu.memref_slice %arg8[%dma_wait3A_526, %dma_wait3A_530] : memref<16x128xi32, #tpu.memory_space<vmem>> -> memref<1x128xi32, #tpu.memory_space<vmem>>
      %dma_wait3A_532 = tpu.memref_squeeze %dma_wait3A_531 : memref<1x128xi32, #tpu.memory_space<vmem>> -> memref<128xi32, #tpu.memory_space<vmem>>
      %dma_wait3A_533 = arith.constant 0 : i32
      %dma_wait3A_534 = arith.constant 0 : i32
      %dma_wait3A_535 = tpu.memref_slice %arg2[%dma_wait3A_533, %dma_wait3A_534] : memref<65536x64xf32, #tpu.memory_space<hbm>> -> memref<65536x64xf32, #tpu.memory_space<hbm>>
      tpu.wait_indirect_dma semaphore(%arg12 : memref<!tpu.dma_semaphore, #tpu.memory_space<semaphore_mem>>) src(%dma_wait3A_535 : memref<65536x64xf32, #tpu.memory_space<hbm>>) dst(%dma_wait3A_529 : memref<128x64xf32, #tpu.memory_space<vmem>>)
      %dma_wait3A_536 = arith.constant 3 : i32
      %dma_wait3A_537 = arith.constant 384 : i32
      %dma_wait3A_538 = arith.constant 0 : i32
      %dma_wait3A_539 = tpu.memref_slice %arg9[%dma_wait3A_537, %dma_wait3A_538] : memref<1024x64xf32, #tpu.memory_space<vmem>> -> memref<128x64xf32, #tpu.memory_space<vmem>>
      %dma_wait3A_540 = arith.constant 0 : i32
      %dma_wait3A_541 = tpu.memref_slice %arg8[%dma_wait3A_536, %dma_wait3A_540] : memref<16x128xi32, #tpu.memory_space<vmem>> -> memref<1x128xi32, #tpu.memory_space<vmem>>
      %dma_wait3A_542 = tpu.memref_squeeze %dma_wait3A_541 : memref<1x128xi32, #tpu.memory_space<vmem>> -> memref<128xi32, #tpu.memory_space<vmem>>
      %dma_wait3A_543 = arith.constant 0 : i32
      %dma_wait3A_544 = arith.constant 0 : i32
      %dma_wait3A_545 = tpu.memref_slice %arg2[%dma_wait3A_543, %dma_wait3A_544] : memref<65536x64xf32, #tpu.memory_space<hbm>> -> memref<65536x64xf32, #tpu.memory_space<hbm>>
      tpu.wait_indirect_dma semaphore(%arg12 : memref<!tpu.dma_semaphore, #tpu.memory_space<semaphore_mem>>) src(%dma_wait3A_545 : memref<65536x64xf32, #tpu.memory_space<hbm>>) dst(%dma_wait3A_539 : memref<128x64xf32, #tpu.memory_space<vmem>>)
      %mul3A_546 = arith.constant 320 : i32
      %mul3A_547 = arith.muli %arg1, %mul3A_546 : i32
      %add3A_548 = arith.constant 160 : i32
      %add3A_549 = arith.addi %mul3A_547, %add3A_548 : i32
      %dma_wait3A_550 = arith.constant 0 : i32
      %dma_wait3A_551 = tpu.memref_slice %arg11[%add3A_549, %dma_wait3A_550] : memref<5120x64xf32, #tpu.memory_space<vmem_shared>> -> memref<80x64xf32, #tpu.memory_space<vmem_shared>>
      %dma_wait3A_552 = arith.constant 0 : i32
      %dma_wait3A_553 = tpu.memref_slice %arg11[%add3A_549, %dma_wait3A_552] : memref<5120x64xf32, #tpu.memory_space<vmem_shared>> -> memref<80x64xf32, #tpu.memory_space<vmem_shared>>
      tpu.wait_dma2 semaphore(%arg17 : memref<!tpu.dma_semaphore, #tpu.memory_space<semaphore_mem>>) src(%arg10 : memref<80x64xf32, #tpu.memory_space<vmem>>) dst(%dma_wait3A_553 : memref<80x64xf32, #tpu.memory_space<vmem_shared>>)
      %dma_start3A_554 = arith.constant 4 : i32
      %dma_start3A_555 = arith.constant 0 : i32
      %dma_start3A_556 = arith.constant 0 : i32
      %dma_start3A_557 = tpu.memref_slice %arg9[%dma_start3A_555, %dma_start3A_556] : memref<1024x64xf32, #tpu.memory_space<vmem>> -> memref<128x64xf32, #tpu.memory_space<vmem>>
      %dma_start3A_558 = arith.constant 0 : i32
      %dma_start3A_559 = tpu.memref_slice %arg8[%dma_start3A_554, %dma_start3A_558] : memref<16x128xi32, #tpu.memory_space<vmem>> -> memref<1x128xi32, #tpu.memory_space<vmem>>
      %dma_start3A_560 = tpu.memref_squeeze %dma_start3A_559 : memref<1x128xi32, #tpu.memory_space<vmem>> -> memref<128xi32, #tpu.memory_space<vmem>>
      %dma_start3A_561 = arith.constant 0 : i32
      %dma_start3A_562 = arith.constant 0 : i32
      %dma_start3A_563 = tpu.memref_slice %arg11[%dma_start3A_561, %dma_start3A_562] : memref<5120x64xf32, #tpu.memory_space<vmem_shared>> -> memref<5120x64xf32, #tpu.memory_space<vmem_shared>>
      tpu.enqueue_indirect_dma source(%dma_start3A_557 : memref<128x64xf32, #tpu.memory_space<vmem>>) target(%dma_start3A_563 : memref<5120x64xf32, #tpu.memory_space<vmem_shared>>) offsets(%dma_start3A_560 : memref<128xi32, #tpu.memory_space<vmem>>) semaphore(%arg14 : memref<!tpu.dma_semaphore, #tpu.memory_space<semaphore_mem>>) {add = true}
      %dma_start3A_564 = arith.constant 5 : i32
      %dma_start3A_565 = arith.constant 128 : i32
      %dma_start3A_566 = arith.constant 0 : i32
      %dma_start3A_567 = tpu.memref_slice %arg9[%dma_start3A_565, %dma_start3A_566] : memref<1024x64xf32, #tpu.memory_space<vmem>> -> memref<128x64xf32, #tpu.memory_space<vmem>>
      %dma_start3A_568 = arith.constant 0 : i32
      %dma_start3A_569 = tpu.memref_slice %arg8[%dma_start3A_564, %dma_start3A_568] : memref<16x128xi32, #tpu.memory_space<vmem>> -> memref<1x128xi32, #tpu.memory_space<vmem>>
      %dma_start3A_570 = tpu.memref_squeeze %dma_start3A_569 : memref<1x128xi32, #tpu.memory_space<vmem>> -> memref<128xi32, #tpu.memory_space<vmem>>
      %dma_start3A_571 = arith.constant 0 : i32
      %dma_start3A_572 = arith.constant 0 : i32
      %dma_start3A_573 = tpu.memref_slice %arg11[%dma_start3A_571, %dma_start3A_572] : memref<5120x64xf32, #tpu.memory_space<vmem_shared>> -> memref<5120x64xf32, #tpu.memory_space<vmem_shared>>
      tpu.enqueue_indirect_dma source(%dma_start3A_567 : memref<128x64xf32, #tpu.memory_space<vmem>>) target(%dma_start3A_573 : memref<5120x64xf32, #tpu.memory_space<vmem_shared>>) offsets(%dma_start3A_570 : memref<128xi32, #tpu.memory_space<vmem>>) semaphore(%arg14 : memref<!tpu.dma_semaphore, #tpu.memory_space<semaphore_mem>>) {add = true}
      %dma_start3A_574 = arith.constant 6 : i32
      %dma_start3A_575 = arith.constant 256 : i32
      %dma_start3A_576 = arith.constant 0 : i32
      %dma_start3A_577 = tpu.memref_slice %arg9[%dma_start3A_575, %dma_start3A_576] : memref<1024x64xf32, #tpu.memory_space<vmem>> -> memref<128x64xf32, #tpu.memory_space<vmem>>
      %dma_start3A_578 = arith.constant 0 : i32
      %dma_start3A_579 = tpu.memref_slice %arg8[%dma_start3A_574, %dma_start3A_578] : memref<16x128xi32, #tpu.memory_space<vmem>> -> memref<1x128xi32, #tpu.memory_space<vmem>>
      %dma_start3A_580 = tpu.memref_squeeze %dma_start3A_579 : memref<1x128xi32, #tpu.memory_space<vmem>> -> memref<128xi32, #tpu.memory_space<vmem>>
      %dma_start3A_581 = arith.constant 0 : i32
      %dma_start3A_582 = arith.constant 0 : i32
      %dma_start3A_583 = tpu.memref_slice %arg11[%dma_start3A_581, %dma_start3A_582] : memref<5120x64xf32, #tpu.memory_space<vmem_shared>> -> memref<5120x64xf32, #tpu.memory_space<vmem_shared>>
      tpu.enqueue_indirect_dma source(%dma_start3A_577 : memref<128x64xf32, #tpu.memory_space<vmem>>) target(%dma_start3A_583 : memref<5120x64xf32, #tpu.memory_space<vmem_shared>>) offsets(%dma_start3A_580 : memref<128xi32, #tpu.memory_space<vmem>>) semaphore(%arg14 : memref<!tpu.dma_semaphore, #tpu.memory_space<semaphore_mem>>) {add = true}
      %dma_start3A_584 = arith.constant 7 : i32
      %dma_start3A_585 = arith.constant 384 : i32
      %dma_start3A_586 = arith.constant 0 : i32
      %dma_start3A_587 = tpu.memref_slice %arg9[%dma_start3A_585, %dma_start3A_586] : memref<1024x64xf32, #tpu.memory_space<vmem>> -> memref<128x64xf32, #tpu.memory_space<vmem>>
      %dma_start3A_588 = arith.constant 0 : i32
      %dma_start3A_589 = tpu.memref_slice %arg8[%dma_start3A_584, %dma_start3A_588] : memref<16x128xi32, #tpu.memory_space<vmem>> -> memref<1x128xi32, #tpu.memory_space<vmem>>
      %dma_start3A_590 = tpu.memref_squeeze %dma_start3A_589 : memref<1x128xi32, #tpu.memory_space<vmem>> -> memref<128xi32, #tpu.memory_space<vmem>>
      %dma_start3A_591 = arith.constant 0 : i32
      %dma_start3A_592 = arith.constant 0 : i32
      %dma_start3A_593 = tpu.memref_slice %arg11[%dma_start3A_591, %dma_start3A_592] : memref<5120x64xf32, #tpu.memory_space<vmem_shared>> -> memref<5120x64xf32, #tpu.memory_space<vmem_shared>>
      tpu.enqueue_indirect_dma source(%dma_start3A_587 : memref<128x64xf32, #tpu.memory_space<vmem>>) target(%dma_start3A_593 : memref<5120x64xf32, #tpu.memory_space<vmem_shared>>) offsets(%dma_start3A_590 : memref<128xi32, #tpu.memory_space<vmem>>) semaphore(%arg14 : memref<!tpu.dma_semaphore, #tpu.memory_space<semaphore_mem>>) {add = true}
      %dma_wait3A_594 = arith.constant 4 : i32
      %dma_wait3A_595 = arith.constant 0 : i32
      %dma_wait3A_596 = arith.constant 0 : i32
      %dma_wait3A_597 = tpu.memref_slice %arg9[%dma_wait3A_595, %dma_wait3A_596] : memref<1024x64xf32, #tpu.memory_space<vmem>> -> memref<128x64xf32, #tpu.memory_space<vmem>>
      %dma_wait3A_598 = arith.constant 0 : i32
      %dma_wait3A_599 = tpu.memref_slice %arg8[%dma_wait3A_594, %dma_wait3A_598] : memref<16x128xi32, #tpu.memory_space<vmem>> -> memref<1x128xi32, #tpu.memory_space<vmem>>
      %dma_wait3A_600 = tpu.memref_squeeze %dma_wait3A_599 : memref<1x128xi32, #tpu.memory_space<vmem>> -> memref<128xi32, #tpu.memory_space<vmem>>
      %dma_wait3A_601 = arith.constant 0 : i32
      %dma_wait3A_602 = arith.constant 0 : i32
      %dma_wait3A_603 = tpu.memref_slice %arg11[%dma_wait3A_601, %dma_wait3A_602] : memref<5120x64xf32, #tpu.memory_space<vmem_shared>> -> memref<5120x64xf32, #tpu.memory_space<vmem_shared>>
      tpu.wait_indirect_dma semaphore(%arg14 : memref<!tpu.dma_semaphore, #tpu.memory_space<semaphore_mem>>) src(%dma_wait3A_597 : memref<128x64xf32, #tpu.memory_space<vmem>>) dst(%dma_wait3A_603 : memref<5120x64xf32, #tpu.memory_space<vmem_shared>>)
      %dma_wait3A_604 = arith.constant 5 : i32
      %dma_wait3A_605 = arith.constant 128 : i32
      %dma_wait3A_606 = arith.constant 0 : i32
      %dma_wait3A_607 = tpu.memref_slice %arg9[%dma_wait3A_605, %dma_wait3A_606] : memref<1024x64xf32, #tpu.memory_space<vmem>> -> memref<128x64xf32, #tpu.memory_space<vmem>>
      %dma_wait3A_608 = arith.constant 0 : i32
      %dma_wait3A_609 = tpu.memref_slice %arg8[%dma_wait3A_604, %dma_wait3A_608] : memref<16x128xi32, #tpu.memory_space<vmem>> -> memref<1x128xi32, #tpu.memory_space<vmem>>
      %dma_wait3A_610 = tpu.memref_squeeze %dma_wait3A_609 : memref<1x128xi32, #tpu.memory_space<vmem>> -> memref<128xi32, #tpu.memory_space<vmem>>
      %dma_wait3A_611 = arith.constant 0 : i32
      %dma_wait3A_612 = arith.constant 0 : i32
      %dma_wait3A_613 = tpu.memref_slice %arg11[%dma_wait3A_611, %dma_wait3A_612] : memref<5120x64xf32, #tpu.memory_space<vmem_shared>> -> memref<5120x64xf32, #tpu.memory_space<vmem_shared>>
      tpu.wait_indirect_dma semaphore(%arg14 : memref<!tpu.dma_semaphore, #tpu.memory_space<semaphore_mem>>) src(%dma_wait3A_607 : memref<128x64xf32, #tpu.memory_space<vmem>>) dst(%dma_wait3A_613 : memref<5120x64xf32, #tpu.memory_space<vmem_shared>>)
      %dma_wait3A_614 = arith.constant 6 : i32
      %dma_wait3A_615 = arith.constant 256 : i32
      %dma_wait3A_616 = arith.constant 0 : i32
      %dma_wait3A_617 = tpu.memref_slice %arg9[%dma_wait3A_615, %dma_wait3A_616] : memref<1024x64xf32, #tpu.memory_space<vmem>> -> memref<128x64xf32, #tpu.memory_space<vmem>>
      %dma_wait3A_618 = arith.constant 0 : i32
      %dma_wait3A_619 = tpu.memref_slice %arg8[%dma_wait3A_614, %dma_wait3A_618] : memref<16x128xi32, #tpu.memory_space<vmem>> -> memref<1x128xi32, #tpu.memory_space<vmem>>
      %dma_wait3A_620 = tpu.memref_squeeze %dma_wait3A_619 : memref<1x128xi32, #tpu.memory_space<vmem>> -> memref<128xi32, #tpu.memory_space<vmem>>
      %dma_wait3A_621 = arith.constant 0 : i32
      %dma_wait3A_622 = arith.constant 0 : i32
      %dma_wait3A_623 = tpu.memref_slice %arg11[%dma_wait3A_621, %dma_wait3A_622] : memref<5120x64xf32, #tpu.memory_space<vmem_shared>> -> memref<5120x64xf32, #tpu.memory_space<vmem_shared>>
      tpu.wait_indirect_dma semaphore(%arg14 : memref<!tpu.dma_semaphore, #tpu.memory_space<semaphore_mem>>) src(%dma_wait3A_617 : memref<128x64xf32, #tpu.memory_space<vmem>>) dst(%dma_wait3A_623 : memref<5120x64xf32, #tpu.memory_space<vmem_shared>>)
      %dma_wait3A_624 = arith.constant 7 : i32
      %dma_wait3A_625 = arith.constant 384 : i32
      %dma_wait3A_626 = arith.constant 0 : i32
      %dma_wait3A_627 = tpu.memref_slice %arg9[%dma_wait3A_625, %dma_wait3A_626] : memref<1024x64xf32, #tpu.memory_space<vmem>> -> memref<128x64xf32, #tpu.memory_space<vmem>>
      %dma_wait3A_628 = arith.constant 0 : i32
      %dma_wait3A_629 = tpu.memref_slice %arg8[%dma_wait3A_624, %dma_wait3A_628] : memref<16x128xi32, #tpu.memory_space<vmem>> -> memref<1x128xi32, #tpu.memory_space<vmem>>
      %dma_wait3A_630 = tpu.memref_squeeze %dma_wait3A_629 : memref<1x128xi32, #tpu.memory_space<vmem>> -> memref<128xi32, #tpu.memory_space<vmem>>
      %dma_wait3A_631 = arith.constant 0 : i32
      %dma_wait3A_632 = arith.constant 0 : i32
      %dma_wait3A_633 = tpu.memref_slice %arg11[%dma_wait3A_631, %dma_wait3A_632] : memref<5120x64xf32, #tpu.memory_space<vmem_shared>> -> memref<5120x64xf32, #tpu.memory_space<vmem_shared>>
      tpu.wait_indirect_dma semaphore(%arg14 : memref<!tpu.dma_semaphore, #tpu.memory_space<semaphore_mem>>) src(%dma_wait3A_627 : memref<128x64xf32, #tpu.memory_space<vmem>>) dst(%dma_wait3A_633 : memref<5120x64xf32, #tpu.memory_space<vmem_shared>>)
      %add3A_634 = arith.constant 2 : i32
      %add3A_635 = arith.addi %add3A_505, %add3A_634 : i32
      %lt3A_636 = arith.constant 32 : i32
      %lt3A_637 = arith.cmpi slt, %add3A_635, %lt3A_636 : i32
      %convert_element_type3A_638 = arith.extui %lt3A_637 : i1 to i32
      %cond3A_639 = arith.constant 0 : i32
      %cond3A_640 = arith.cmpi ne, %convert_element_type3A_638, %cond3A_639 : i32
      scf.if %cond3A_640 {
        %add3A_816 = arith.constant 2 : i32
        %add3A_817 = arith.addi %add3A_505, %add3A_816 : i32
        %mul3A_818 = arith.constant 2 : i32
        %mul3A_819 = arith.muli %add3A_817, %mul3A_818 : i32
        %mul3A_820 = arith.constant 4 : i32
        %mul3A_821 = arith.muli %mul3A_819, %mul3A_820 : i32
        %add3A_822 = arith.addi %mul3A_2, %mul3A_821 : i32
        "tpu.region"() ({
          %run_scoped3A = tpu.sem_alloc : memref<!tpu.dma_semaphore, #tpu.memory_space<semaphore_mem>>
          %dma_start3A_863 = arith.constant 0 : i32
          %dma_start3A_864 = arith.constant 0 : i32
          %dma_start3A_865 = tpu.memref_slice %arg8[%dma_start3A_863, %dma_start3A_864] : memref<16x128xi32, #tpu.memory_space<vmem>> -> memref<8x128xi32, #tpu.memory_space<vmem>>
          %dma_start3A_866 = arith.constant 0 : i32
          %dma_start3A_867 = tpu.memref_slice %arg3[%add3A_822, %dma_start3A_866] : memref<8192x128xi32, #tpu.memory_space<hbm>> -> memref<8x128xi32, #tpu.memory_space<hbm>>
          %dma_start3A_868 = arith.constant 0 : i32
          %dma_start3A_869 = arith.constant 0 : i32
          %dma_start3A_870 = tpu.memref_slice %arg8[%dma_start3A_868, %dma_start3A_869] : memref<16x128xi32, #tpu.memory_space<vmem>> -> memref<8x128xi32, #tpu.memory_space<vmem>>
          %dma_start3A_871 = arith.constant 0 : i32
          %dma_start3A_872 = tpu.memref_slice %arg3[%add3A_822, %dma_start3A_871] : memref<8192x128xi32, #tpu.memory_space<hbm>> -> memref<8x128xi32, #tpu.memory_space<hbm>>
          tpu.enqueue_dma source(%dma_start3A_872 : memref<8x128xi32, #tpu.memory_space<hbm>>) target(%dma_start3A_870 : memref<8x128xi32, #tpu.memory_space<vmem>>) target_semaphore(%run_scoped3A : memref<!tpu.dma_semaphore, #tpu.memory_space<semaphore_mem>>)
          %dma_wait3A_873 = arith.constant 0 : i32
          %dma_wait3A_874 = arith.constant 0 : i32
          %dma_wait3A_875 = tpu.memref_slice %arg8[%dma_wait3A_873, %dma_wait3A_874] : memref<16x128xi32, #tpu.memory_space<vmem>> -> memref<8x128xi32, #tpu.memory_space<vmem>>
          %dma_wait3A_876 = arith.constant 0 : i32
          %dma_wait3A_877 = tpu.memref_slice %arg3[%add3A_822, %dma_wait3A_876] : memref<8192x128xi32, #tpu.memory_space<hbm>> -> memref<8x128xi32, #tpu.memory_space<hbm>>
          %dma_wait3A_878 = arith.constant 0 : i32
          %dma_wait3A_879 = arith.constant 0 : i32
          %dma_wait3A_880 = tpu.memref_slice %arg8[%dma_wait3A_878, %dma_wait3A_879] : memref<16x128xi32, #tpu.memory_space<vmem>> -> memref<8x128xi32, #tpu.memory_space<vmem>>
          %dma_wait3A_881 = arith.constant 0 : i32
          %dma_wait3A_882 = tpu.memref_slice %arg3[%add3A_822, %dma_wait3A_881] : memref<8192x128xi32, #tpu.memory_space<hbm>> -> memref<8x128xi32, #tpu.memory_space<hbm>>
          tpu.wait_dma2 semaphore(%run_scoped3A : memref<!tpu.dma_semaphore, #tpu.memory_space<semaphore_mem>>) src(%dma_wait3A_882 : memref<8x128xi32, #tpu.memory_space<hbm>>) dst(%dma_wait3A_880 : memref<8x128xi32, #tpu.memory_space<vmem>>)
          tpu.yield
        }) : () -> ()
        %dma_start3A_823 = arith.constant 0 : i32
        %dma_start3A_824 = arith.constant 0 : i32
        %dma_start3A_825 = arith.constant 0 : i32
        %dma_start3A_826 = tpu.memref_slice %arg9[%dma_start3A_824, %dma_start3A_825] : memref<1024x64xf32, #tpu.memory_space<vmem>> -> memref<128x64xf32, #tpu.memory_space<vmem>>
        %dma_start3A_827 = arith.constant 0 : i32
        %dma_start3A_828 = tpu.memref_slice %arg8[%dma_start3A_823, %dma_start3A_827] : memref<16x128xi32, #tpu.memory_space<vmem>> -> memref<1x128xi32, #tpu.memory_space<vmem>>
        %dma_start3A_829 = tpu.memref_squeeze %dma_start3A_828 : memref<1x128xi32, #tpu.memory_space<vmem>> -> memref<128xi32, #tpu.memory_space<vmem>>
        %dma_start3A_830 = arith.constant 0 : i32
        %dma_start3A_831 = arith.constant 0 : i32
        %dma_start3A_832 = tpu.memref_slice %arg2[%dma_start3A_830, %dma_start3A_831] : memref<65536x64xf32, #tpu.memory_space<hbm>> -> memref<65536x64xf32, #tpu.memory_space<hbm>>
        tpu.enqueue_indirect_dma source(%dma_start3A_832 : memref<65536x64xf32, #tpu.memory_space<hbm>>) target(%dma_start3A_826 : memref<128x64xf32, #tpu.memory_space<vmem>>) offsets(%dma_start3A_829 : memref<128xi32, #tpu.memory_space<vmem>>) semaphore(%arg12 : memref<!tpu.dma_semaphore, #tpu.memory_space<semaphore_mem>>)
        %dma_start3A_833 = arith.constant 1 : i32
        %dma_start3A_834 = arith.constant 128 : i32
        %dma_start3A_835 = arith.constant 0 : i32
        %dma_start3A_836 = tpu.memref_slice %arg9[%dma_start3A_834, %dma_start3A_835] : memref<1024x64xf32, #tpu.memory_space<vmem>> -> memref<128x64xf32, #tpu.memory_space<vmem>>
        %dma_start3A_837 = arith.constant 0 : i32
        %dma_start3A_838 = tpu.memref_slice %arg8[%dma_start3A_833, %dma_start3A_837] : memref<16x128xi32, #tpu.memory_space<vmem>> -> memref<1x128xi32, #tpu.memory_space<vmem>>
        %dma_start3A_839 = tpu.memref_squeeze %dma_start3A_838 : memref<1x128xi32, #tpu.memory_space<vmem>> -> memref<128xi32, #tpu.memory_space<vmem>>
        %dma_start3A_840 = arith.constant 0 : i32
        %dma_start3A_841 = arith.constant 0 : i32
        %dma_start3A_842 = tpu.memref_slice %arg2[%dma_start3A_840, %dma_start3A_841] : memref<65536x64xf32, #tpu.memory_space<hbm>> -> memref<65536x64xf32, #tpu.memory_space<hbm>>
        tpu.enqueue_indirect_dma source(%dma_start3A_842 : memref<65536x64xf32, #tpu.memory_space<hbm>>) target(%dma_start3A_836 : memref<128x64xf32, #tpu.memory_space<vmem>>) offsets(%dma_start3A_839 : memref<128xi32, #tpu.memory_space<vmem>>) semaphore(%arg12 : memref<!tpu.dma_semaphore, #tpu.memory_space<semaphore_mem>>)
        %dma_start3A_843 = arith.constant 2 : i32
        %dma_start3A_844 = arith.constant 256 : i32
        %dma_start3A_845 = arith.constant 0 : i32
        %dma_start3A_846 = tpu.memref_slice %arg9[%dma_start3A_844, %dma_start3A_845] : memref<1024x64xf32, #tpu.memory_space<vmem>> -> memref<128x64xf32, #tpu.memory_space<vmem>>
        %dma_start3A_847 = arith.constant 0 : i32
        %dma_start3A_848 = tpu.memref_slice %arg8[%dma_start3A_843, %dma_start3A_847] : memref<16x128xi32, #tpu.memory_space<vmem>> -> memref<1x128xi32, #tpu.memory_space<vmem>>
        %dma_start3A_849 = tpu.memref_squeeze %dma_start3A_848 : memref<1x128xi32, #tpu.memory_space<vmem>> -> memref<128xi32, #tpu.memory_space<vmem>>
        %dma_start3A_850 = arith.constant 0 : i32
        %dma_start3A_851 = arith.constant 0 : i32
        %dma_start3A_852 = tpu.memref_slice %arg2[%dma_start3A_850, %dma_start3A_851] : memref<65536x64xf32, #tpu.memory_space<hbm>> -> memref<65536x64xf32, #tpu.memory_space<hbm>>
        tpu.enqueue_indirect_dma source(%dma_start3A_852 : memref<65536x64xf32, #tpu.memory_space<hbm>>) target(%dma_start3A_846 : memref<128x64xf32, #tpu.memory_space<vmem>>) offsets(%dma_start3A_849 : memref<128xi32, #tpu.memory_space<vmem>>) semaphore(%arg12 : memref<!tpu.dma_semaphore, #tpu.memory_space<semaphore_mem>>)
        %dma_start3A_853 = arith.constant 3 : i32
        %dma_start3A_854 = arith.constant 384 : i32
        %dma_start3A_855 = arith.constant 0 : i32
        %dma_start3A_856 = tpu.memref_slice %arg9[%dma_start3A_854, %dma_start3A_855] : memref<1024x64xf32, #tpu.memory_space<vmem>> -> memref<128x64xf32, #tpu.memory_space<vmem>>
        %dma_start3A_857 = arith.constant 0 : i32
        %dma_start3A_858 = tpu.memref_slice %arg8[%dma_start3A_853, %dma_start3A_857] : memref<16x128xi32, #tpu.memory_space<vmem>> -> memref<1x128xi32, #tpu.memory_space<vmem>>
        %dma_start3A_859 = tpu.memref_squeeze %dma_start3A_858 : memref<1x128xi32, #tpu.memory_space<vmem>> -> memref<128xi32, #tpu.memory_space<vmem>>
        %dma_start3A_860 = arith.constant 0 : i32
        %dma_start3A_861 = arith.constant 0 : i32
        %dma_start3A_862 = tpu.memref_slice %arg2[%dma_start3A_860, %dma_start3A_861] : memref<65536x64xf32, #tpu.memory_space<hbm>> -> memref<65536x64xf32, #tpu.memory_space<hbm>>
        tpu.enqueue_indirect_dma source(%dma_start3A_862 : memref<65536x64xf32, #tpu.memory_space<hbm>>) target(%dma_start3A_856 : memref<128x64xf32, #tpu.memory_space<vmem>>) offsets(%dma_start3A_859 : memref<128xi32, #tpu.memory_space<vmem>>) semaphore(%arg12 : memref<!tpu.dma_semaphore, #tpu.memory_space<semaphore_mem>>)
      } else {
      }
      %mul3A_641 = arith.constant 512 : i32
      %mul3A_642 = arith.muli %add3A, %mul3A_641 : i32
      %mul3A_643 = arith.constant 16 : i32
      %mul3A_644 = arith.muli %add3A_505, %mul3A_643 : i32
      %add3A_645 = arith.addi %mul3A_642, %mul3A_644 : i32
      %mul3A_646 = arith.constant 5 : i32
      %mul3A_647 = arith.muli %add3A_645, %mul3A_646 : i32
      %mul3A_648 = arith.constant 320 : i32
      %mul3A_649 = arith.muli %arg1, %mul3A_648 : i32
      %add3A_650 = arith.constant 160 : i32
      %add3A_651 = arith.addi %mul3A_649, %add3A_650 : i32
      "tpu.region"() ({
        %run_scoped3A = tpu.sem_alloc : memref<!tpu.dma_semaphore, #tpu.memory_space<semaphore_mem>>
        %dma_start3A_816 = arith.constant 0 : i32
        %dma_start3A_817 = tpu.memref_slice %arg6[%mul3A_647, %dma_start3A_816] : memref<81920x64xf32, #tpu.memory_space<hbm>> -> memref<80x64xf32, #tpu.memory_space<hbm>>
        %dma_start3A_818 = arith.constant 0 : i32
        %dma_start3A_819 = tpu.memref_slice %arg11[%add3A_651, %dma_start3A_818] : memref<5120x64xf32, #tpu.memory_space<vmem_shared>> -> memref<80x64xf32, #tpu.memory_space<vmem_shared>>
        tpu.enqueue_dma source(%dma_start3A_819 : memref<80x64xf32, #tpu.memory_space<vmem_shared>>) target(%dma_start3A_817 : memref<80x64xf32, #tpu.memory_space<hbm>>) target_semaphore(%run_scoped3A : memref<!tpu.dma_semaphore, #tpu.memory_space<semaphore_mem>>)
        %dma_wait3A_820 = arith.constant 0 : i32
        %dma_wait3A_821 = tpu.memref_slice %arg6[%mul3A_647, %dma_wait3A_820] : memref<81920x64xf32, #tpu.memory_space<hbm>> -> memref<80x64xf32, #tpu.memory_space<hbm>>
        %dma_wait3A_822 = arith.constant 0 : i32
        %dma_wait3A_823 = tpu.memref_slice %arg11[%add3A_651, %dma_wait3A_822] : memref<5120x64xf32, #tpu.memory_space<vmem_shared>> -> memref<80x64xf32, #tpu.memory_space<vmem_shared>>
        tpu.wait_dma2 semaphore(%run_scoped3A : memref<!tpu.dma_semaphore, #tpu.memory_space<semaphore_mem>>) src(%dma_wait3A_823 : memref<80x64xf32, #tpu.memory_space<vmem_shared>>) dst(%dma_wait3A_821 : memref<80x64xf32, #tpu.memory_space<hbm>>)
        tpu.yield
      }) : () -> ()
      %add3A_652 = arith.constant 2 : i32
      %add3A_653 = arith.addi %add3A_505, %add3A_652 : i32
      %lt3A_654 = arith.constant 32 : i32
      %lt3A_655 = arith.cmpi slt, %add3A_653, %lt3A_654 : i32
      %convert_element_type3A_656 = arith.extui %lt3A_655 : i1 to i32
      %cond3A_657 = arith.constant 0 : i32
      %cond3A_658 = arith.cmpi ne, %convert_element_type3A_656, %cond3A_657 : i32
      scf.if %cond3A_658 {
        %mul3A_816 = arith.constant 320 : i32
        %mul3A_817 = arith.muli %arg1, %mul3A_816 : i32
        %add3A_818 = arith.constant 0 : i32
        %add3A_819 = arith.addi %mul3A_817, %add3A_818 : i32
        %dma_start3A_820 = arith.constant 0 : i32
        %dma_start3A_821 = tpu.memref_slice %arg11[%add3A_819, %dma_start3A_820] : memref<5120x64xf32, #tpu.memory_space<vmem_shared>> -> memref<80x64xf32, #tpu.memory_space<vmem_shared>>
        %dma_start3A_822 = arith.constant 0 : i32
        %dma_start3A_823 = tpu.memref_slice %arg11[%add3A_819, %dma_start3A_822] : memref<5120x64xf32, #tpu.memory_space<vmem_shared>> -> memref<80x64xf32, #tpu.memory_space<vmem_shared>>
        tpu.enqueue_dma source(%arg10 : memref<80x64xf32, #tpu.memory_space<vmem>>) target(%dma_start3A_823 : memref<80x64xf32, #tpu.memory_space<vmem_shared>>) target_semaphore(%arg15 : memref<!tpu.dma_semaphore, #tpu.memory_space<semaphore_mem>>)
      } else {
      }
      %mul3A_659 = arith.constant 4 : i32
      %mul3A_660 = arith.muli %mul3A_659, %scan3A_190 : i32
      %add3A_661 = arith.constant 3 : i32
      %add3A_662 = arith.addi %mul3A_660, %add3A_661 : i32
      %dma_wait3A_663 = arith.constant 8 : i32
      %dma_wait3A_664 = arith.constant 512 : i32
      %dma_wait3A_665 = arith.constant 0 : i32
      %dma_wait3A_666 = tpu.memref_slice %arg9[%dma_wait3A_664, %dma_wait3A_665] : memref<1024x64xf32, #tpu.memory_space<vmem>> -> memref<128x64xf32, #tpu.memory_space<vmem>>
      %dma_wait3A_667 = arith.constant 0 : i32
      %dma_wait3A_668 = tpu.memref_slice %arg8[%dma_wait3A_663, %dma_wait3A_667] : memref<16x128xi32, #tpu.memory_space<vmem>> -> memref<1x128xi32, #tpu.memory_space<vmem>>
      %dma_wait3A_669 = tpu.memref_squeeze %dma_wait3A_668 : memref<1x128xi32, #tpu.memory_space<vmem>> -> memref<128xi32, #tpu.memory_space<vmem>>
      %dma_wait3A_670 = arith.constant 0 : i32
      %dma_wait3A_671 = arith.constant 0 : i32
      %dma_wait3A_672 = tpu.memref_slice %arg2[%dma_wait3A_670, %dma_wait3A_671] : memref<65536x64xf32, #tpu.memory_space<hbm>> -> memref<65536x64xf32, #tpu.memory_space<hbm>>
      tpu.wait_indirect_dma semaphore(%arg13 : memref<!tpu.dma_semaphore, #tpu.memory_space<semaphore_mem>>) src(%dma_wait3A_672 : memref<65536x64xf32, #tpu.memory_space<hbm>>) dst(%dma_wait3A_666 : memref<128x64xf32, #tpu.memory_space<vmem>>)
      %dma_wait3A_673 = arith.constant 9 : i32
      %dma_wait3A_674 = arith.constant 640 : i32
      %dma_wait3A_675 = arith.constant 0 : i32
      %dma_wait3A_676 = tpu.memref_slice %arg9[%dma_wait3A_674, %dma_wait3A_675] : memref<1024x64xf32, #tpu.memory_space<vmem>> -> memref<128x64xf32, #tpu.memory_space<vmem>>
      %dma_wait3A_677 = arith.constant 0 : i32
      %dma_wait3A_678 = tpu.memref_slice %arg8[%dma_wait3A_673, %dma_wait3A_677] : memref<16x128xi32, #tpu.memory_space<vmem>> -> memref<1x128xi32, #tpu.memory_space<vmem>>
      %dma_wait3A_679 = tpu.memref_squeeze %dma_wait3A_678 : memref<1x128xi32, #tpu.memory_space<vmem>> -> memref<128xi32, #tpu.memory_space<vmem>>
      %dma_wait3A_680 = arith.constant 0 : i32
      %dma_wait3A_681 = arith.constant 0 : i32
      %dma_wait3A_682 = tpu.memref_slice %arg2[%dma_wait3A_680, %dma_wait3A_681] : memref<65536x64xf32, #tpu.memory_space<hbm>> -> memref<65536x64xf32, #tpu.memory_space<hbm>>
      tpu.wait_indirect_dma semaphore(%arg13 : memref<!tpu.dma_semaphore, #tpu.memory_space<semaphore_mem>>) src(%dma_wait3A_682 : memref<65536x64xf32, #tpu.memory_space<hbm>>) dst(%dma_wait3A_676 : memref<128x64xf32, #tpu.memory_space<vmem>>)
      %dma_wait3A_683 = arith.constant 10 : i32
      %dma_wait3A_684 = arith.constant 768 : i32
      %dma_wait3A_685 = arith.constant 0 : i32
      %dma_wait3A_686 = tpu.memref_slice %arg9[%dma_wait3A_684, %dma_wait3A_685] : memref<1024x64xf32, #tpu.memory_space<vmem>> -> memref<128x64xf32, #tpu.memory_space<vmem>>
      %dma_wait3A_687 = arith.constant 0 : i32
      %dma_wait3A_688 = tpu.memref_slice %arg8[%dma_wait3A_683, %dma_wait3A_687] : memref<16x128xi32, #tpu.memory_space<vmem>> -> memref<1x128xi32, #tpu.memory_space<vmem>>
      %dma_wait3A_689 = tpu.memref_squeeze %dma_wait3A_688 : memref<1x128xi32, #tpu.memory_space<vmem>> -> memref<128xi32, #tpu.memory_space<vmem>>
      %dma_wait3A_690 = arith.constant 0 : i32
      %dma_wait3A_691 = arith.constant 0 : i32
      %dma_wait3A_692 = tpu.memref_slice %arg2[%dma_wait3A_690, %dma_wait3A_691] : memref<65536x64xf32, #tpu.memory_space<hbm>> -> memref<65536x64xf32, #tpu.memory_space<hbm>>
      tpu.wait_indirect_dma semaphore(%arg13 : memref<!tpu.dma_semaphore, #tpu.memory_space<semaphore_mem>>) src(%dma_wait3A_692 : memref<65536x64xf32, #tpu.memory_space<hbm>>) dst(%dma_wait3A_686 : memref<128x64xf32, #tpu.memory_space<vmem>>)
      %dma_wait3A_693 = arith.constant 11 : i32
      %dma_wait3A_694 = arith.constant 896 : i32
      %dma_wait3A_695 = arith.constant 0 : i32
      %dma_wait3A_696 = tpu.memref_slice %arg9[%dma_wait3A_694, %dma_wait3A_695] : memref<1024x64xf32, #tpu.memory_space<vmem>> -> memref<128x64xf32, #tpu.memory_space<vmem>>
      %dma_wait3A_697 = arith.constant 0 : i32
      %dma_wait3A_698 = tpu.memref_slice %arg8[%dma_wait3A_693, %dma_wait3A_697] : memref<16x128xi32, #tpu.memory_space<vmem>> -> memref<1x128xi32, #tpu.memory_space<vmem>>
      %dma_wait3A_699 = tpu.memref_squeeze %dma_wait3A_698 : memref<1x128xi32, #tpu.memory_space<vmem>> -> memref<128xi32, #tpu.memory_space<vmem>>
      %dma_wait3A_700 = arith.constant 0 : i32
      %dma_wait3A_701 = arith.constant 0 : i32
      %dma_wait3A_702 = tpu.memref_slice %arg2[%dma_wait3A_700, %dma_wait3A_701] : memref<65536x64xf32, #tpu.memory_space<hbm>> -> memref<65536x64xf32, #tpu.memory_space<hbm>>
      tpu.wait_indirect_dma semaphore(%arg13 : memref<!tpu.dma_semaphore, #tpu.memory_space<semaphore_mem>>) src(%dma_wait3A_702 : memref<65536x64xf32, #tpu.memory_space<hbm>>) dst(%dma_wait3A_696 : memref<128x64xf32, #tpu.memory_space<vmem>>)
      %mul3A_703 = arith.constant 320 : i32
      %mul3A_704 = arith.muli %arg1, %mul3A_703 : i32
      %add3A_705 = arith.constant 240 : i32
      %add3A_706 = arith.addi %mul3A_704, %add3A_705 : i32
      %dma_wait3A_707 = arith.constant 0 : i32
      %dma_wait3A_708 = tpu.memref_slice %arg11[%add3A_706, %dma_wait3A_707] : memref<5120x64xf32, #tpu.memory_space<vmem_shared>> -> memref<80x64xf32, #tpu.memory_space<vmem_shared>>
      %dma_wait3A_709 = arith.constant 0 : i32
      %dma_wait3A_710 = tpu.memref_slice %arg11[%add3A_706, %dma_wait3A_709] : memref<5120x64xf32, #tpu.memory_space<vmem_shared>> -> memref<80x64xf32, #tpu.memory_space<vmem_shared>>
      tpu.wait_dma2 semaphore(%arg18 : memref<!tpu.dma_semaphore, #tpu.memory_space<semaphore_mem>>) src(%arg10 : memref<80x64xf32, #tpu.memory_space<vmem>>) dst(%dma_wait3A_710 : memref<80x64xf32, #tpu.memory_space<vmem_shared>>)
      %dma_start3A_711 = arith.constant 12 : i32
      %dma_start3A_712 = arith.constant 512 : i32
      %dma_start3A_713 = arith.constant 0 : i32
      %dma_start3A_714 = tpu.memref_slice %arg9[%dma_start3A_712, %dma_start3A_713] : memref<1024x64xf32, #tpu.memory_space<vmem>> -> memref<128x64xf32, #tpu.memory_space<vmem>>
      %dma_start3A_715 = arith.constant 0 : i32
      %dma_start3A_716 = tpu.memref_slice %arg8[%dma_start3A_711, %dma_start3A_715] : memref<16x128xi32, #tpu.memory_space<vmem>> -> memref<1x128xi32, #tpu.memory_space<vmem>>
      %dma_start3A_717 = tpu.memref_squeeze %dma_start3A_716 : memref<1x128xi32, #tpu.memory_space<vmem>> -> memref<128xi32, #tpu.memory_space<vmem>>
      %dma_start3A_718 = arith.constant 0 : i32
      %dma_start3A_719 = arith.constant 0 : i32
      %dma_start3A_720 = tpu.memref_slice %arg11[%dma_start3A_718, %dma_start3A_719] : memref<5120x64xf32, #tpu.memory_space<vmem_shared>> -> memref<5120x64xf32, #tpu.memory_space<vmem_shared>>
      tpu.enqueue_indirect_dma source(%dma_start3A_714 : memref<128x64xf32, #tpu.memory_space<vmem>>) target(%dma_start3A_720 : memref<5120x64xf32, #tpu.memory_space<vmem_shared>>) offsets(%dma_start3A_717 : memref<128xi32, #tpu.memory_space<vmem>>) semaphore(%arg14 : memref<!tpu.dma_semaphore, #tpu.memory_space<semaphore_mem>>) {add = true}
      %dma_start3A_721 = arith.constant 13 : i32
      %dma_start3A_722 = arith.constant 640 : i32
      %dma_start3A_723 = arith.constant 0 : i32
      %dma_start3A_724 = tpu.memref_slice %arg9[%dma_start3A_722, %dma_start3A_723] : memref<1024x64xf32, #tpu.memory_space<vmem>> -> memref<128x64xf32, #tpu.memory_space<vmem>>
      %dma_start3A_725 = arith.constant 0 : i32
      %dma_start3A_726 = tpu.memref_slice %arg8[%dma_start3A_721, %dma_start3A_725] : memref<16x128xi32, #tpu.memory_space<vmem>> -> memref<1x128xi32, #tpu.memory_space<vmem>>
      %dma_start3A_727 = tpu.memref_squeeze %dma_start3A_726 : memref<1x128xi32, #tpu.memory_space<vmem>> -> memref<128xi32, #tpu.memory_space<vmem>>
      %dma_start3A_728 = arith.constant 0 : i32
      %dma_start3A_729 = arith.constant 0 : i32
      %dma_start3A_730 = tpu.memref_slice %arg11[%dma_start3A_728, %dma_start3A_729] : memref<5120x64xf32, #tpu.memory_space<vmem_shared>> -> memref<5120x64xf32, #tpu.memory_space<vmem_shared>>
      tpu.enqueue_indirect_dma source(%dma_start3A_724 : memref<128x64xf32, #tpu.memory_space<vmem>>) target(%dma_start3A_730 : memref<5120x64xf32, #tpu.memory_space<vmem_shared>>) offsets(%dma_start3A_727 : memref<128xi32, #tpu.memory_space<vmem>>) semaphore(%arg14 : memref<!tpu.dma_semaphore, #tpu.memory_space<semaphore_mem>>) {add = true}
      %dma_start3A_731 = arith.constant 14 : i32
      %dma_start3A_732 = arith.constant 768 : i32
      %dma_start3A_733 = arith.constant 0 : i32
      %dma_start3A_734 = tpu.memref_slice %arg9[%dma_start3A_732, %dma_start3A_733] : memref<1024x64xf32, #tpu.memory_space<vmem>> -> memref<128x64xf32, #tpu.memory_space<vmem>>
      %dma_start3A_735 = arith.constant 0 : i32
      %dma_start3A_736 = tpu.memref_slice %arg8[%dma_start3A_731, %dma_start3A_735] : memref<16x128xi32, #tpu.memory_space<vmem>> -> memref<1x128xi32, #tpu.memory_space<vmem>>
      %dma_start3A_737 = tpu.memref_squeeze %dma_start3A_736 : memref<1x128xi32, #tpu.memory_space<vmem>> -> memref<128xi32, #tpu.memory_space<vmem>>
      %dma_start3A_738 = arith.constant 0 : i32
      %dma_start3A_739 = arith.constant 0 : i32
      %dma_start3A_740 = tpu.memref_slice %arg11[%dma_start3A_738, %dma_start3A_739] : memref<5120x64xf32, #tpu.memory_space<vmem_shared>> -> memref<5120x64xf32, #tpu.memory_space<vmem_shared>>
      tpu.enqueue_indirect_dma source(%dma_start3A_734 : memref<128x64xf32, #tpu.memory_space<vmem>>) target(%dma_start3A_740 : memref<5120x64xf32, #tpu.memory_space<vmem_shared>>) offsets(%dma_start3A_737 : memref<128xi32, #tpu.memory_space<vmem>>) semaphore(%arg14 : memref<!tpu.dma_semaphore, #tpu.memory_space<semaphore_mem>>) {add = true}
      %dma_start3A_741 = arith.constant 15 : i32
      %dma_start3A_742 = arith.constant 896 : i32
      %dma_start3A_743 = arith.constant 0 : i32
      %dma_start3A_744 = tpu.memref_slice %arg9[%dma_start3A_742, %dma_start3A_743] : memref<1024x64xf32, #tpu.memory_space<vmem>> -> memref<128x64xf32, #tpu.memory_space<vmem>>
      %dma_start3A_745 = arith.constant 0 : i32
      %dma_start3A_746 = tpu.memref_slice %arg8[%dma_start3A_741, %dma_start3A_745] : memref<16x128xi32, #tpu.memory_space<vmem>> -> memref<1x128xi32, #tpu.memory_space<vmem>>
      %dma_start3A_747 = tpu.memref_squeeze %dma_start3A_746 : memref<1x128xi32, #tpu.memory_space<vmem>> -> memref<128xi32, #tpu.memory_space<vmem>>
      %dma_start3A_748 = arith.constant 0 : i32
      %dma_start3A_749 = arith.constant 0 : i32
      %dma_start3A_750 = tpu.memref_slice %arg11[%dma_start3A_748, %dma_start3A_749] : memref<5120x64xf32, #tpu.memory_space<vmem_shared>> -> memref<5120x64xf32, #tpu.memory_space<vmem_shared>>
      tpu.enqueue_indirect_dma source(%dma_start3A_744 : memref<128x64xf32, #tpu.memory_space<vmem>>) target(%dma_start3A_750 : memref<5120x64xf32, #tpu.memory_space<vmem_shared>>) offsets(%dma_start3A_747 : memref<128xi32, #tpu.memory_space<vmem>>) semaphore(%arg14 : memref<!tpu.dma_semaphore, #tpu.memory_space<semaphore_mem>>) {add = true}
      %dma_wait3A_751 = arith.constant 12 : i32
      %dma_wait3A_752 = arith.constant 512 : i32
      %dma_wait3A_753 = arith.constant 0 : i32
      %dma_wait3A_754 = tpu.memref_slice %arg9[%dma_wait3A_752, %dma_wait3A_753] : memref<1024x64xf32, #tpu.memory_space<vmem>> -> memref<128x64xf32, #tpu.memory_space<vmem>>
      %dma_wait3A_755 = arith.constant 0 : i32
      %dma_wait3A_756 = tpu.memref_slice %arg8[%dma_wait3A_751, %dma_wait3A_755] : memref<16x128xi32, #tpu.memory_space<vmem>> -> memref<1x128xi32, #tpu.memory_space<vmem>>
      %dma_wait3A_757 = tpu.memref_squeeze %dma_wait3A_756 : memref<1x128xi32, #tpu.memory_space<vmem>> -> memref<128xi32, #tpu.memory_space<vmem>>
      %dma_wait3A_758 = arith.constant 0 : i32
      %dma_wait3A_759 = arith.constant 0 : i32
      %dma_wait3A_760 = tpu.memref_slice %arg11[%dma_wait3A_758, %dma_wait3A_759] : memref<5120x64xf32, #tpu.memory_space<vmem_shared>> -> memref<5120x64xf32, #tpu.memory_space<vmem_shared>>
      tpu.wait_indirect_dma semaphore(%arg14 : memref<!tpu.dma_semaphore, #tpu.memory_space<semaphore_mem>>) src(%dma_wait3A_754 : memref<128x64xf32, #tpu.memory_space<vmem>>) dst(%dma_wait3A_760 : memref<5120x64xf32, #tpu.memory_space<vmem_shared>>)
      %dma_wait3A_761 = arith.constant 13 : i32
      %dma_wait3A_762 = arith.constant 640 : i32
      %dma_wait3A_763 = arith.constant 0 : i32
      %dma_wait3A_764 = tpu.memref_slice %arg9[%dma_wait3A_762, %dma_wait3A_763] : memref<1024x64xf32, #tpu.memory_space<vmem>> -> memref<128x64xf32, #tpu.memory_space<vmem>>
      %dma_wait3A_765 = arith.constant 0 : i32
      %dma_wait3A_766 = tpu.memref_slice %arg8[%dma_wait3A_761, %dma_wait3A_765] : memref<16x128xi32, #tpu.memory_space<vmem>> -> memref<1x128xi32, #tpu.memory_space<vmem>>
      %dma_wait3A_767 = tpu.memref_squeeze %dma_wait3A_766 : memref<1x128xi32, #tpu.memory_space<vmem>> -> memref<128xi32, #tpu.memory_space<vmem>>
      %dma_wait3A_768 = arith.constant 0 : i32
      %dma_wait3A_769 = arith.constant 0 : i32
      %dma_wait3A_770 = tpu.memref_slice %arg11[%dma_wait3A_768, %dma_wait3A_769] : memref<5120x64xf32, #tpu.memory_space<vmem_shared>> -> memref<5120x64xf32, #tpu.memory_space<vmem_shared>>
      tpu.wait_indirect_dma semaphore(%arg14 : memref<!tpu.dma_semaphore, #tpu.memory_space<semaphore_mem>>) src(%dma_wait3A_764 : memref<128x64xf32, #tpu.memory_space<vmem>>) dst(%dma_wait3A_770 : memref<5120x64xf32, #tpu.memory_space<vmem_shared>>)
      %dma_wait3A_771 = arith.constant 14 : i32
      %dma_wait3A_772 = arith.constant 768 : i32
      %dma_wait3A_773 = arith.constant 0 : i32
      %dma_wait3A_774 = tpu.memref_slice %arg9[%dma_wait3A_772, %dma_wait3A_773] : memref<1024x64xf32, #tpu.memory_space<vmem>> -> memref<128x64xf32, #tpu.memory_space<vmem>>
      %dma_wait3A_775 = arith.constant 0 : i32
      %dma_wait3A_776 = tpu.memref_slice %arg8[%dma_wait3A_771, %dma_wait3A_775] : memref<16x128xi32, #tpu.memory_space<vmem>> -> memref<1x128xi32, #tpu.memory_space<vmem>>
      %dma_wait3A_777 = tpu.memref_squeeze %dma_wait3A_776 : memref<1x128xi32, #tpu.memory_space<vmem>> -> memref<128xi32, #tpu.memory_space<vmem>>
      %dma_wait3A_778 = arith.constant 0 : i32
      %dma_wait3A_779 = arith.constant 0 : i32
      %dma_wait3A_780 = tpu.memref_slice %arg11[%dma_wait3A_778, %dma_wait3A_779] : memref<5120x64xf32, #tpu.memory_space<vmem_shared>> -> memref<5120x64xf32, #tpu.memory_space<vmem_shared>>
      tpu.wait_indirect_dma semaphore(%arg14 : memref<!tpu.dma_semaphore, #tpu.memory_space<semaphore_mem>>) src(%dma_wait3A_774 : memref<128x64xf32, #tpu.memory_space<vmem>>) dst(%dma_wait3A_780 : memref<5120x64xf32, #tpu.memory_space<vmem_shared>>)
      %dma_wait3A_781 = arith.constant 15 : i32
      %dma_wait3A_782 = arith.constant 896 : i32
      %dma_wait3A_783 = arith.constant 0 : i32
      %dma_wait3A_784 = tpu.memref_slice %arg9[%dma_wait3A_782, %dma_wait3A_783] : memref<1024x64xf32, #tpu.memory_space<vmem>> -> memref<128x64xf32, #tpu.memory_space<vmem>>
      %dma_wait3A_785 = arith.constant 0 : i32
      %dma_wait3A_786 = tpu.memref_slice %arg8[%dma_wait3A_781, %dma_wait3A_785] : memref<16x128xi32, #tpu.memory_space<vmem>> -> memref<1x128xi32, #tpu.memory_space<vmem>>
      %dma_wait3A_787 = tpu.memref_squeeze %dma_wait3A_786 : memref<1x128xi32, #tpu.memory_space<vmem>> -> memref<128xi32, #tpu.memory_space<vmem>>
      %dma_wait3A_788 = arith.constant 0 : i32
      %dma_wait3A_789 = arith.constant 0 : i32
      %dma_wait3A_790 = tpu.memref_slice %arg11[%dma_wait3A_788, %dma_wait3A_789] : memref<5120x64xf32, #tpu.memory_space<vmem_shared>> -> memref<5120x64xf32, #tpu.memory_space<vmem_shared>>
      tpu.wait_indirect_dma semaphore(%arg14 : memref<!tpu.dma_semaphore, #tpu.memory_space<semaphore_mem>>) src(%dma_wait3A_784 : memref<128x64xf32, #tpu.memory_space<vmem>>) dst(%dma_wait3A_790 : memref<5120x64xf32, #tpu.memory_space<vmem_shared>>)
      %add3A_791 = arith.constant 2 : i32
      %add3A_792 = arith.addi %add3A_662, %add3A_791 : i32
      %lt3A_793 = arith.constant 32 : i32
      %lt3A_794 = arith.cmpi slt, %add3A_792, %lt3A_793 : i32
      %convert_element_type3A_795 = arith.extui %lt3A_794 : i1 to i32
      %cond3A_796 = arith.constant 0 : i32
      %cond3A_797 = arith.cmpi ne, %convert_element_type3A_795, %cond3A_796 : i32
      scf.if %cond3A_797 {
        %add3A_816 = arith.constant 2 : i32
        %add3A_817 = arith.addi %add3A_662, %add3A_816 : i32
        %mul3A_818 = arith.constant 2 : i32
        %mul3A_819 = arith.muli %add3A_817, %mul3A_818 : i32
        %mul3A_820 = arith.constant 4 : i32
        %mul3A_821 = arith.muli %mul3A_819, %mul3A_820 : i32
        %add3A_822 = arith.addi %mul3A_2, %mul3A_821 : i32
        "tpu.region"() ({
          %run_scoped3A = tpu.sem_alloc : memref<!tpu.dma_semaphore, #tpu.memory_space<semaphore_mem>>
          %dma_start3A_863 = arith.constant 8 : i32
          %dma_start3A_864 = arith.constant 0 : i32
          %dma_start3A_865 = tpu.memref_slice %arg8[%dma_start3A_863, %dma_start3A_864] : memref<16x128xi32, #tpu.memory_space<vmem>> -> memref<8x128xi32, #tpu.memory_space<vmem>>
          %dma_start3A_866 = arith.constant 0 : i32
          %dma_start3A_867 = tpu.memref_slice %arg3[%add3A_822, %dma_start3A_866] : memref<8192x128xi32, #tpu.memory_space<hbm>> -> memref<8x128xi32, #tpu.memory_space<hbm>>
          %dma_start3A_868 = arith.constant 8 : i32
          %dma_start3A_869 = arith.constant 0 : i32
          %dma_start3A_870 = tpu.memref_slice %arg8[%dma_start3A_868, %dma_start3A_869] : memref<16x128xi32, #tpu.memory_space<vmem>> -> memref<8x128xi32, #tpu.memory_space<vmem>>
          %dma_start3A_871 = arith.constant 0 : i32
          %dma_start3A_872 = tpu.memref_slice %arg3[%add3A_822, %dma_start3A_871] : memref<8192x128xi32, #tpu.memory_space<hbm>> -> memref<8x128xi32, #tpu.memory_space<hbm>>
          tpu.enqueue_dma source(%dma_start3A_872 : memref<8x128xi32, #tpu.memory_space<hbm>>) target(%dma_start3A_870 : memref<8x128xi32, #tpu.memory_space<vmem>>) target_semaphore(%run_scoped3A : memref<!tpu.dma_semaphore, #tpu.memory_space<semaphore_mem>>)
          %dma_wait3A_873 = arith.constant 8 : i32
          %dma_wait3A_874 = arith.constant 0 : i32
          %dma_wait3A_875 = tpu.memref_slice %arg8[%dma_wait3A_873, %dma_wait3A_874] : memref<16x128xi32, #tpu.memory_space<vmem>> -> memref<8x128xi32, #tpu.memory_space<vmem>>
          %dma_wait3A_876 = arith.constant 0 : i32
          %dma_wait3A_877 = tpu.memref_slice %arg3[%add3A_822, %dma_wait3A_876] : memref<8192x128xi32, #tpu.memory_space<hbm>> -> memref<8x128xi32, #tpu.memory_space<hbm>>
          %dma_wait3A_878 = arith.constant 8 : i32
          %dma_wait3A_879 = arith.constant 0 : i32
          %dma_wait3A_880 = tpu.memref_slice %arg8[%dma_wait3A_878, %dma_wait3A_879] : memref<16x128xi32, #tpu.memory_space<vmem>> -> memref<8x128xi32, #tpu.memory_space<vmem>>
          %dma_wait3A_881 = arith.constant 0 : i32
          %dma_wait3A_882 = tpu.memref_slice %arg3[%add3A_822, %dma_wait3A_881] : memref<8192x128xi32, #tpu.memory_space<hbm>> -> memref<8x128xi32, #tpu.memory_space<hbm>>
          tpu.wait_dma2 semaphore(%run_scoped3A : memref<!tpu.dma_semaphore, #tpu.memory_space<semaphore_mem>>) src(%dma_wait3A_882 : memref<8x128xi32, #tpu.memory_space<hbm>>) dst(%dma_wait3A_880 : memref<8x128xi32, #tpu.memory_space<vmem>>)
          tpu.yield
        }) : () -> ()
        %dma_start3A_823 = arith.constant 8 : i32
        %dma_start3A_824 = arith.constant 512 : i32
        %dma_start3A_825 = arith.constant 0 : i32
        %dma_start3A_826 = tpu.memref_slice %arg9[%dma_start3A_824, %dma_start3A_825] : memref<1024x64xf32, #tpu.memory_space<vmem>> -> memref<128x64xf32, #tpu.memory_space<vmem>>
        %dma_start3A_827 = arith.constant 0 : i32
        %dma_start3A_828 = tpu.memref_slice %arg8[%dma_start3A_823, %dma_start3A_827] : memref<16x128xi32, #tpu.memory_space<vmem>> -> memref<1x128xi32, #tpu.memory_space<vmem>>
        %dma_start3A_829 = tpu.memref_squeeze %dma_start3A_828 : memref<1x128xi32, #tpu.memory_space<vmem>> -> memref<128xi32, #tpu.memory_space<vmem>>
        %dma_start3A_830 = arith.constant 0 : i32
        %dma_start3A_831 = arith.constant 0 : i32
        %dma_start3A_832 = tpu.memref_slice %arg2[%dma_start3A_830, %dma_start3A_831] : memref<65536x64xf32, #tpu.memory_space<hbm>> -> memref<65536x64xf32, #tpu.memory_space<hbm>>
        tpu.enqueue_indirect_dma source(%dma_start3A_832 : memref<65536x64xf32, #tpu.memory_space<hbm>>) target(%dma_start3A_826 : memref<128x64xf32, #tpu.memory_space<vmem>>) offsets(%dma_start3A_829 : memref<128xi32, #tpu.memory_space<vmem>>) semaphore(%arg13 : memref<!tpu.dma_semaphore, #tpu.memory_space<semaphore_mem>>)
        %dma_start3A_833 = arith.constant 9 : i32
        %dma_start3A_834 = arith.constant 640 : i32
        %dma_start3A_835 = arith.constant 0 : i32
        %dma_start3A_836 = tpu.memref_slice %arg9[%dma_start3A_834, %dma_start3A_835] : memref<1024x64xf32, #tpu.memory_space<vmem>> -> memref<128x64xf32, #tpu.memory_space<vmem>>
        %dma_start3A_837 = arith.constant 0 : i32
        %dma_start3A_838 = tpu.memref_slice %arg8[%dma_start3A_833, %dma_start3A_837] : memref<16x128xi32, #tpu.memory_space<vmem>> -> memref<1x128xi32, #tpu.memory_space<vmem>>
        %dma_start3A_839 = tpu.memref_squeeze %dma_start3A_838 : memref<1x128xi32, #tpu.memory_space<vmem>> -> memref<128xi32, #tpu.memory_space<vmem>>
        %dma_start3A_840 = arith.constant 0 : i32
        %dma_start3A_841 = arith.constant 0 : i32
        %dma_start3A_842 = tpu.memref_slice %arg2[%dma_start3A_840, %dma_start3A_841] : memref<65536x64xf32, #tpu.memory_space<hbm>> -> memref<65536x64xf32, #tpu.memory_space<hbm>>
        tpu.enqueue_indirect_dma source(%dma_start3A_842 : memref<65536x64xf32, #tpu.memory_space<hbm>>) target(%dma_start3A_836 : memref<128x64xf32, #tpu.memory_space<vmem>>) offsets(%dma_start3A_839 : memref<128xi32, #tpu.memory_space<vmem>>) semaphore(%arg13 : memref<!tpu.dma_semaphore, #tpu.memory_space<semaphore_mem>>)
        %dma_start3A_843 = arith.constant 10 : i32
        %dma_start3A_844 = arith.constant 768 : i32
        %dma_start3A_845 = arith.constant 0 : i32
        %dma_start3A_846 = tpu.memref_slice %arg9[%dma_start3A_844, %dma_start3A_845] : memref<1024x64xf32, #tpu.memory_space<vmem>> -> memref<128x64xf32, #tpu.memory_space<vmem>>
        %dma_start3A_847 = arith.constant 0 : i32
        %dma_start3A_848 = tpu.memref_slice %arg8[%dma_start3A_843, %dma_start3A_847] : memref<16x128xi32, #tpu.memory_space<vmem>> -> memref<1x128xi32, #tpu.memory_space<vmem>>
        %dma_start3A_849 = tpu.memref_squeeze %dma_start3A_848 : memref<1x128xi32, #tpu.memory_space<vmem>> -> memref<128xi32, #tpu.memory_space<vmem>>
        %dma_start3A_850 = arith.constant 0 : i32
        %dma_start3A_851 = arith.constant 0 : i32
        %dma_start3A_852 = tpu.memref_slice %arg2[%dma_start3A_850, %dma_start3A_851] : memref<65536x64xf32, #tpu.memory_space<hbm>> -> memref<65536x64xf32, #tpu.memory_space<hbm>>
        tpu.enqueue_indirect_dma source(%dma_start3A_852 : memref<65536x64xf32, #tpu.memory_space<hbm>>) target(%dma_start3A_846 : memref<128x64xf32, #tpu.memory_space<vmem>>) offsets(%dma_start3A_849 : memref<128xi32, #tpu.memory_space<vmem>>) semaphore(%arg13 : memref<!tpu.dma_semaphore, #tpu.memory_space<semaphore_mem>>)
        %dma_start3A_853 = arith.constant 11 : i32
        %dma_start3A_854 = arith.constant 896 : i32
        %dma_start3A_855 = arith.constant 0 : i32
        %dma_start3A_856 = tpu.memref_slice %arg9[%dma_start3A_854, %dma_start3A_855] : memref<1024x64xf32, #tpu.memory_space<vmem>> -> memref<128x64xf32, #tpu.memory_space<vmem>>
        %dma_start3A_857 = arith.constant 0 : i32
        %dma_start3A_858 = tpu.memref_slice %arg8[%dma_start3A_853, %dma_start3A_857] : memref<16x128xi32, #tpu.memory_space<vmem>> -> memref<1x128xi32, #tpu.memory_space<vmem>>
        %dma_start3A_859 = tpu.memref_squeeze %dma_start3A_858 : memref<1x128xi32, #tpu.memory_space<vmem>> -> memref<128xi32, #tpu.memory_space<vmem>>
        %dma_start3A_860 = arith.constant 0 : i32
        %dma_start3A_861 = arith.constant 0 : i32
        %dma_start3A_862 = tpu.memref_slice %arg2[%dma_start3A_860, %dma_start3A_861] : memref<65536x64xf32, #tpu.memory_space<hbm>> -> memref<65536x64xf32, #tpu.memory_space<hbm>>
        tpu.enqueue_indirect_dma source(%dma_start3A_862 : memref<65536x64xf32, #tpu.memory_space<hbm>>) target(%dma_start3A_856 : memref<128x64xf32, #tpu.memory_space<vmem>>) offsets(%dma_start3A_859 : memref<128xi32, #tpu.memory_space<vmem>>) semaphore(%arg13 : memref<!tpu.dma_semaphore, #tpu.memory_space<semaphore_mem>>)
      } else {
      }
      %mul3A_798 = arith.constant 512 : i32
      %mul3A_799 = arith.muli %add3A, %mul3A_798 : i32
      %mul3A_800 = arith.constant 16 : i32
      %mul3A_801 = arith.muli %add3A_662, %mul3A_800 : i32
      %add3A_802 = arith.addi %mul3A_799, %mul3A_801 : i32
      %mul3A_803 = arith.constant 5 : i32
      %mul3A_804 = arith.muli %add3A_802, %mul3A_803 : i32
      %mul3A_805 = arith.constant 320 : i32
      %mul3A_806 = arith.muli %arg1, %mul3A_805 : i32
      %add3A_807 = arith.constant 240 : i32
      %add3A_808 = arith.addi %mul3A_806, %add3A_807 : i32
      "tpu.region"() ({
        %run_scoped3A = tpu.sem_alloc : memref<!tpu.dma_semaphore, #tpu.memory_space<semaphore_mem>>
        %dma_start3A_816 = arith.constant 0 : i32
        %dma_start3A_817 = tpu.memref_slice %arg6[%mul3A_804, %dma_start3A_816] : memref<81920x64xf32, #tpu.memory_space<hbm>> -> memref<80x64xf32, #tpu.memory_space<hbm>>
        %dma_start3A_818 = arith.constant 0 : i32
        %dma_start3A_819 = tpu.memref_slice %arg11[%add3A_808, %dma_start3A_818] : memref<5120x64xf32, #tpu.memory_space<vmem_shared>> -> memref<80x64xf32, #tpu.memory_space<vmem_shared>>
        tpu.enqueue_dma source(%dma_start3A_819 : memref<80x64xf32, #tpu.memory_space<vmem_shared>>) target(%dma_start3A_817 : memref<80x64xf32, #tpu.memory_space<hbm>>) target_semaphore(%run_scoped3A : memref<!tpu.dma_semaphore, #tpu.memory_space<semaphore_mem>>)
        %dma_wait3A_820 = arith.constant 0 : i32
        %dma_wait3A_821 = tpu.memref_slice %arg6[%mul3A_804, %dma_wait3A_820] : memref<81920x64xf32, #tpu.memory_space<hbm>> -> memref<80x64xf32, #tpu.memory_space<hbm>>
        %dma_wait3A_822 = arith.constant 0 : i32
        %dma_wait3A_823 = tpu.memref_slice %arg11[%add3A_808, %dma_wait3A_822] : memref<5120x64xf32, #tpu.memory_space<vmem_shared>> -> memref<80x64xf32, #tpu.memory_space<vmem_shared>>
        tpu.wait_dma2 semaphore(%run_scoped3A : memref<!tpu.dma_semaphore, #tpu.memory_space<semaphore_mem>>) src(%dma_wait3A_823 : memref<80x64xf32, #tpu.memory_space<vmem_shared>>) dst(%dma_wait3A_821 : memref<80x64xf32, #tpu.memory_space<hbm>>)
        tpu.yield
      }) : () -> ()
      %add3A_809 = arith.constant 2 : i32
      %add3A_810 = arith.addi %add3A_662, %add3A_809 : i32
      %lt3A_811 = arith.constant 32 : i32
      %lt3A_812 = arith.cmpi slt, %add3A_810, %lt3A_811 : i32
      %convert_element_type3A_813 = arith.extui %lt3A_812 : i1 to i32
      %cond3A_814 = arith.constant 0 : i32
      %cond3A_815 = arith.cmpi ne, %convert_element_type3A_813, %cond3A_814 : i32
      scf.if %cond3A_815 {
        %mul3A_816 = arith.constant 320 : i32
        %mul3A_817 = arith.muli %arg1, %mul3A_816 : i32
        %add3A_818 = arith.constant 80 : i32
        %add3A_819 = arith.addi %mul3A_817, %add3A_818 : i32
        %dma_start3A_820 = arith.constant 0 : i32
        %dma_start3A_821 = tpu.memref_slice %arg11[%add3A_819, %dma_start3A_820] : memref<5120x64xf32, #tpu.memory_space<vmem_shared>> -> memref<80x64xf32, #tpu.memory_space<vmem_shared>>
        %dma_start3A_822 = arith.constant 0 : i32
        %dma_start3A_823 = tpu.memref_slice %arg11[%add3A_819, %dma_start3A_822] : memref<5120x64xf32, #tpu.memory_space<vmem_shared>> -> memref<80x64xf32, #tpu.memory_space<vmem_shared>>
        tpu.enqueue_dma source(%arg10 : memref<80x64xf32, #tpu.memory_space<vmem>>) target(%dma_start3A_823 : memref<80x64xf32, #tpu.memory_space<vmem_shared>>) target_semaphore(%arg16 : memref<!tpu.dma_semaphore, #tpu.memory_space<semaphore_mem>>)
      } else {
      }
    }
    %scan3A_106 = arith.constant 8 : i32
    %mul3A_107 = arith.constant 4 : i32
    %mul3A_108 = arith.muli %add3A, %mul3A_107 : i32
    "tpu.region"() ({
      %run_scoped3A = tpu.sem_alloc : memref<!tpu.dma_semaphore, #tpu.memory_space<semaphore_mem>>
      %dma_start3A_190 = arith.constant 0 : i32
      %dma_start3A_191 = arith.constant 0 : i32
      %dma_start3A_192 = tpu.memref_slice %arg8[%dma_start3A_190, %dma_start3A_191] : memref<16x128xi32, #tpu.memory_space<vmem>> -> memref<4x128xi32, #tpu.memory_space<vmem>>
      %dma_start3A_193 = arith.constant 0 : i32
      %dma_start3A_194 = tpu.memref_slice %arg4[%mul3A_108, %dma_start3A_193] : memref<128x128xi32, #tpu.memory_space<hbm>> -> memref<4x128xi32, #tpu.memory_space<hbm>>
      %dma_start3A_195 = arith.constant 0 : i32
      %dma_start3A_196 = arith.constant 0 : i32
      %dma_start3A_197 = tpu.memref_slice %arg8[%dma_start3A_195, %dma_start3A_196] : memref<16x128xi32, #tpu.memory_space<vmem>> -> memref<4x128xi32, #tpu.memory_space<vmem>>
      %dma_start3A_198 = arith.constant 0 : i32
      %dma_start3A_199 = tpu.memref_slice %arg4[%mul3A_108, %dma_start3A_198] : memref<128x128xi32, #tpu.memory_space<hbm>> -> memref<4x128xi32, #tpu.memory_space<hbm>>
      tpu.enqueue_dma source(%dma_start3A_199 : memref<4x128xi32, #tpu.memory_space<hbm>>) target(%dma_start3A_197 : memref<4x128xi32, #tpu.memory_space<vmem>>) target_semaphore(%run_scoped3A : memref<!tpu.dma_semaphore, #tpu.memory_space<semaphore_mem>>)
      %dma_wait3A_200 = arith.constant 0 : i32
      %dma_wait3A_201 = arith.constant 0 : i32
      %dma_wait3A_202 = tpu.memref_slice %arg8[%dma_wait3A_200, %dma_wait3A_201] : memref<16x128xi32, #tpu.memory_space<vmem>> -> memref<4x128xi32, #tpu.memory_space<vmem>>
      %dma_wait3A_203 = arith.constant 0 : i32
      %dma_wait3A_204 = tpu.memref_slice %arg4[%mul3A_108, %dma_wait3A_203] : memref<128x128xi32, #tpu.memory_space<hbm>> -> memref<4x128xi32, #tpu.memory_space<hbm>>
      %dma_wait3A_205 = arith.constant 0 : i32
      %dma_wait3A_206 = arith.constant 0 : i32
      %dma_wait3A_207 = tpu.memref_slice %arg8[%dma_wait3A_205, %dma_wait3A_206] : memref<16x128xi32, #tpu.memory_space<vmem>> -> memref<4x128xi32, #tpu.memory_space<vmem>>
      %dma_wait3A_208 = arith.constant 0 : i32
      %dma_wait3A_209 = tpu.memref_slice %arg4[%mul3A_108, %dma_wait3A_208] : memref<128x128xi32, #tpu.memory_space<hbm>> -> memref<4x128xi32, #tpu.memory_space<hbm>>
      tpu.wait_dma2 semaphore(%run_scoped3A : memref<!tpu.dma_semaphore, #tpu.memory_space<semaphore_mem>>) src(%dma_wait3A_209 : memref<4x128xi32, #tpu.memory_space<hbm>>) dst(%dma_wait3A_207 : memref<4x128xi32, #tpu.memory_space<vmem>>)
      tpu.yield
    }) : () -> ()
    %dma_start3A_109 = arith.constant 0 : i32
    %dma_start3A_110 = arith.constant 0 : i32
    %dma_start3A_111 = arith.constant 0 : i32
    %dma_start3A_112 = tpu.memref_slice %arg9[%dma_start3A_110, %dma_start3A_111] : memref<1024x64xf32, #tpu.memory_space<vmem>> -> memref<128x64xf32, #tpu.memory_space<vmem>>
    %dma_start3A_113 = arith.constant 0 : i32
    %dma_start3A_114 = tpu.memref_slice %arg8[%dma_start3A_109, %dma_start3A_113] : memref<16x128xi32, #tpu.memory_space<vmem>> -> memref<1x128xi32, #tpu.memory_space<vmem>>
    %dma_start3A_115 = tpu.memref_squeeze %dma_start3A_114 : memref<1x128xi32, #tpu.memory_space<vmem>> -> memref<128xi32, #tpu.memory_space<vmem>>
    %dma_start3A_116 = arith.constant 0 : i32
    %dma_start3A_117 = arith.constant 0 : i32
    %dma_start3A_118 = tpu.memref_slice %arg2[%dma_start3A_116, %dma_start3A_117] : memref<65536x64xf32, #tpu.memory_space<hbm>> -> memref<65536x64xf32, #tpu.memory_space<hbm>>
    tpu.enqueue_indirect_dma source(%dma_start3A_118 : memref<65536x64xf32, #tpu.memory_space<hbm>>) target(%dma_start3A_112 : memref<128x64xf32, #tpu.memory_space<vmem>>) offsets(%dma_start3A_115 : memref<128xi32, #tpu.memory_space<vmem>>) semaphore(%arg12 : memref<!tpu.dma_semaphore, #tpu.memory_space<semaphore_mem>>)
    %dma_start3A_119 = arith.constant 1 : i32
    %dma_start3A_120 = arith.constant 128 : i32
    %dma_start3A_121 = arith.constant 0 : i32
    %dma_start3A_122 = tpu.memref_slice %arg9[%dma_start3A_120, %dma_start3A_121] : memref<1024x64xf32, #tpu.memory_space<vmem>> -> memref<128x64xf32, #tpu.memory_space<vmem>>
    %dma_start3A_123 = arith.constant 0 : i32
    %dma_start3A_124 = tpu.memref_slice %arg8[%dma_start3A_119, %dma_start3A_123] : memref<16x128xi32, #tpu.memory_space<vmem>> -> memref<1x128xi32, #tpu.memory_space<vmem>>
    %dma_start3A_125 = tpu.memref_squeeze %dma_start3A_124 : memref<1x128xi32, #tpu.memory_space<vmem>> -> memref<128xi32, #tpu.memory_space<vmem>>
    %dma_start3A_126 = arith.constant 0 : i32
    %dma_start3A_127 = arith.constant 0 : i32
    %dma_start3A_128 = tpu.memref_slice %arg2[%dma_start3A_126, %dma_start3A_127] : memref<65536x64xf32, #tpu.memory_space<hbm>> -> memref<65536x64xf32, #tpu.memory_space<hbm>>
    tpu.enqueue_indirect_dma source(%dma_start3A_128 : memref<65536x64xf32, #tpu.memory_space<hbm>>) target(%dma_start3A_122 : memref<128x64xf32, #tpu.memory_space<vmem>>) offsets(%dma_start3A_125 : memref<128xi32, #tpu.memory_space<vmem>>) semaphore(%arg12 : memref<!tpu.dma_semaphore, #tpu.memory_space<semaphore_mem>>)
    %dma_start3A_129 = arith.constant 2 : i32
    %dma_start3A_130 = arith.constant 256 : i32
    %dma_start3A_131 = arith.constant 0 : i32
    %dma_start3A_132 = tpu.memref_slice %arg9[%dma_start3A_130, %dma_start3A_131] : memref<1024x64xf32, #tpu.memory_space<vmem>> -> memref<128x64xf32, #tpu.memory_space<vmem>>
    %dma_start3A_133 = arith.constant 0 : i32
    %dma_start3A_134 = tpu.memref_slice %arg8[%dma_start3A_129, %dma_start3A_133] : memref<16x128xi32, #tpu.memory_space<vmem>> -> memref<1x128xi32, #tpu.memory_space<vmem>>
    %dma_start3A_135 = tpu.memref_squeeze %dma_start3A_134 : memref<1x128xi32, #tpu.memory_space<vmem>> -> memref<128xi32, #tpu.memory_space<vmem>>
    %dma_start3A_136 = arith.constant 0 : i32
    %dma_start3A_137 = arith.constant 0 : i32
    %dma_start3A_138 = tpu.memref_slice %arg2[%dma_start3A_136, %dma_start3A_137] : memref<65536x64xf32, #tpu.memory_space<hbm>> -> memref<65536x64xf32, #tpu.memory_space<hbm>>
    tpu.enqueue_indirect_dma source(%dma_start3A_138 : memref<65536x64xf32, #tpu.memory_space<hbm>>) target(%dma_start3A_132 : memref<128x64xf32, #tpu.memory_space<vmem>>) offsets(%dma_start3A_135 : memref<128xi32, #tpu.memory_space<vmem>>) semaphore(%arg12 : memref<!tpu.dma_semaphore, #tpu.memory_space<semaphore_mem>>)
    %dma_start3A_139 = arith.constant 3 : i32
    %dma_start3A_140 = arith.constant 384 : i32
    %dma_start3A_141 = arith.constant 0 : i32
    %dma_start3A_142 = tpu.memref_slice %arg9[%dma_start3A_140, %dma_start3A_141] : memref<1024x64xf32, #tpu.memory_space<vmem>> -> memref<128x64xf32, #tpu.memory_space<vmem>>
    %dma_start3A_143 = arith.constant 0 : i32
    %dma_start3A_144 = tpu.memref_slice %arg8[%dma_start3A_139, %dma_start3A_143] : memref<16x128xi32, #tpu.memory_space<vmem>> -> memref<1x128xi32, #tpu.memory_space<vmem>>
    %dma_start3A_145 = tpu.memref_squeeze %dma_start3A_144 : memref<1x128xi32, #tpu.memory_space<vmem>> -> memref<128xi32, #tpu.memory_space<vmem>>
    %dma_start3A_146 = arith.constant 0 : i32
    %dma_start3A_147 = arith.constant 0 : i32
    %dma_start3A_148 = tpu.memref_slice %arg2[%dma_start3A_146, %dma_start3A_147] : memref<65536x64xf32, #tpu.memory_space<hbm>> -> memref<65536x64xf32, #tpu.memory_space<hbm>>
    tpu.enqueue_indirect_dma source(%dma_start3A_148 : memref<65536x64xf32, #tpu.memory_space<hbm>>) target(%dma_start3A_142 : memref<128x64xf32, #tpu.memory_space<vmem>>) offsets(%dma_start3A_145 : memref<128xi32, #tpu.memory_space<vmem>>) semaphore(%arg12 : memref<!tpu.dma_semaphore, #tpu.memory_space<semaphore_mem>>)
    %dma_wait3A = arith.constant 0 : i32
    %dma_wait3A_149 = arith.constant 0 : i32
    %dma_wait3A_150 = arith.constant 0 : i32
    %dma_wait3A_151 = tpu.memref_slice %arg9[%dma_wait3A_149, %dma_wait3A_150] : memref<1024x64xf32, #tpu.memory_space<vmem>> -> memref<128x64xf32, #tpu.memory_space<vmem>>
    %dma_wait3A_152 = arith.constant 0 : i32
    %dma_wait3A_153 = tpu.memref_slice %arg8[%dma_wait3A, %dma_wait3A_152] : memref<16x128xi32, #tpu.memory_space<vmem>> -> memref<1x128xi32, #tpu.memory_space<vmem>>
    %dma_wait3A_154 = tpu.memref_squeeze %dma_wait3A_153 : memref<1x128xi32, #tpu.memory_space<vmem>> -> memref<128xi32, #tpu.memory_space<vmem>>
    %dma_wait3A_155 = arith.constant 0 : i32
    %dma_wait3A_156 = arith.constant 0 : i32
    %dma_wait3A_157 = tpu.memref_slice %arg2[%dma_wait3A_155, %dma_wait3A_156] : memref<65536x64xf32, #tpu.memory_space<hbm>> -> memref<65536x64xf32, #tpu.memory_space<hbm>>
    tpu.wait_indirect_dma semaphore(%arg12 : memref<!tpu.dma_semaphore, #tpu.memory_space<semaphore_mem>>) src(%dma_wait3A_157 : memref<65536x64xf32, #tpu.memory_space<hbm>>) dst(%dma_wait3A_151 : memref<128x64xf32, #tpu.memory_space<vmem>>)
    %dma_wait3A_158 = arith.constant 1 : i32
    %dma_wait3A_159 = arith.constant 128 : i32
    %dma_wait3A_160 = arith.constant 0 : i32
    %dma_wait3A_161 = tpu.memref_slice %arg9[%dma_wait3A_159, %dma_wait3A_160] : memref<1024x64xf32, #tpu.memory_space<vmem>> -> memref<128x64xf32, #tpu.memory_space<vmem>>
    %dma_wait3A_162 = arith.constant 0 : i32
    %dma_wait3A_163 = tpu.memref_slice %arg8[%dma_wait3A_158, %dma_wait3A_162] : memref<16x128xi32, #tpu.memory_space<vmem>> -> memref<1x128xi32, #tpu.memory_space<vmem>>
    %dma_wait3A_164 = tpu.memref_squeeze %dma_wait3A_163 : memref<1x128xi32, #tpu.memory_space<vmem>> -> memref<128xi32, #tpu.memory_space<vmem>>
    %dma_wait3A_165 = arith.constant 0 : i32
    %dma_wait3A_166 = arith.constant 0 : i32
    %dma_wait3A_167 = tpu.memref_slice %arg2[%dma_wait3A_165, %dma_wait3A_166] : memref<65536x64xf32, #tpu.memory_space<hbm>> -> memref<65536x64xf32, #tpu.memory_space<hbm>>
    tpu.wait_indirect_dma semaphore(%arg12 : memref<!tpu.dma_semaphore, #tpu.memory_space<semaphore_mem>>) src(%dma_wait3A_167 : memref<65536x64xf32, #tpu.memory_space<hbm>>) dst(%dma_wait3A_161 : memref<128x64xf32, #tpu.memory_space<vmem>>)
    %dma_wait3A_168 = arith.constant 2 : i32
    %dma_wait3A_169 = arith.constant 256 : i32
    %dma_wait3A_170 = arith.constant 0 : i32
    %dma_wait3A_171 = tpu.memref_slice %arg9[%dma_wait3A_169, %dma_wait3A_170] : memref<1024x64xf32, #tpu.memory_space<vmem>> -> memref<128x64xf32, #tpu.memory_space<vmem>>
    %dma_wait3A_172 = arith.constant 0 : i32
    %dma_wait3A_173 = tpu.memref_slice %arg8[%dma_wait3A_168, %dma_wait3A_172] : memref<16x128xi32, #tpu.memory_space<vmem>> -> memref<1x128xi32, #tpu.memory_space<vmem>>
    %dma_wait3A_174 = tpu.memref_squeeze %dma_wait3A_173 : memref<1x128xi32, #tpu.memory_space<vmem>> -> memref<128xi32, #tpu.memory_space<vmem>>
    %dma_wait3A_175 = arith.constant 0 : i32
    %dma_wait3A_176 = arith.constant 0 : i32
    %dma_wait3A_177 = tpu.memref_slice %arg2[%dma_wait3A_175, %dma_wait3A_176] : memref<65536x64xf32, #tpu.memory_space<hbm>> -> memref<65536x64xf32, #tpu.memory_space<hbm>>
    tpu.wait_indirect_dma semaphore(%arg12 : memref<!tpu.dma_semaphore, #tpu.memory_space<semaphore_mem>>) src(%dma_wait3A_177 : memref<65536x64xf32, #tpu.memory_space<hbm>>) dst(%dma_wait3A_171 : memref<128x64xf32, #tpu.memory_space<vmem>>)
    %dma_wait3A_178 = arith.constant 3 : i32
    %dma_wait3A_179 = arith.constant 384 : i32
    %dma_wait3A_180 = arith.constant 0 : i32
    %dma_wait3A_181 = tpu.memref_slice %arg9[%dma_wait3A_179, %dma_wait3A_180] : memref<1024x64xf32, #tpu.memory_space<vmem>> -> memref<128x64xf32, #tpu.memory_space<vmem>>
    %dma_wait3A_182 = arith.constant 0 : i32
    %dma_wait3A_183 = tpu.memref_slice %arg8[%dma_wait3A_178, %dma_wait3A_182] : memref<16x128xi32, #tpu.memory_space<vmem>> -> memref<1x128xi32, #tpu.memory_space<vmem>>
    %dma_wait3A_184 = tpu.memref_squeeze %dma_wait3A_183 : memref<1x128xi32, #tpu.memory_space<vmem>> -> memref<128xi32, #tpu.memory_space<vmem>>
    %dma_wait3A_185 = arith.constant 0 : i32
    %dma_wait3A_186 = arith.constant 0 : i32
    %dma_wait3A_187 = tpu.memref_slice %arg2[%dma_wait3A_185, %dma_wait3A_186] : memref<65536x64xf32, #tpu.memory_space<hbm>> -> memref<65536x64xf32, #tpu.memory_space<hbm>>
    tpu.wait_indirect_dma semaphore(%arg12 : memref<!tpu.dma_semaphore, #tpu.memory_space<semaphore_mem>>) src(%dma_wait3A_187 : memref<65536x64xf32, #tpu.memory_space<hbm>>) dst(%dma_wait3A_181 : memref<128x64xf32, #tpu.memory_space<vmem>>)
    %mul3A_188 = arith.constant 512 : i32
    %mul3A_189 = arith.muli %add3A, %mul3A_188 : i32
    "tpu.region"() ({
      %run_scoped3A = tpu.sem_alloc : memref<!tpu.dma_semaphore, #tpu.memory_space<semaphore_mem>>
      %dma_start3A_190 = arith.constant 0 : i32
      %dma_start3A_191 = arith.constant 0 : i32
      %dma_start3A_192 = tpu.memref_slice %arg9[%dma_start3A_190, %dma_start3A_191] : memref<1024x64xf32, #tpu.memory_space<vmem>> -> memref<512x64xf32, #tpu.memory_space<vmem>>
      %dma_start3A_193 = arith.constant 0 : i32
      %dma_start3A_194 = tpu.memref_slice %arg7[%mul3A_189, %dma_start3A_193] : memref<16384x64xf32, #tpu.memory_space<hbm>> -> memref<512x64xf32, #tpu.memory_space<hbm>>
      %dma_start3A_195 = arith.constant 0 : i32
      %dma_start3A_196 = tpu.memref_slice %arg7[%mul3A_189, %dma_start3A_195] : memref<16384x64xf32, #tpu.memory_space<hbm>> -> memref<512x64xf32, #tpu.memory_space<hbm>>
      %dma_start3A_197 = arith.constant 0 : i32
      %dma_start3A_198 = arith.constant 0 : i32
      %dma_start3A_199 = tpu.memref_slice %arg9[%dma_start3A_197, %dma_start3A_198] : memref<1024x64xf32, #tpu.memory_space<vmem>> -> memref<512x64xf32, #tpu.memory_space<vmem>>
      tpu.enqueue_dma source(%dma_start3A_199 : memref<512x64xf32, #tpu.memory_space<vmem>>) target(%dma_start3A_196 : memref<512x64xf32, #tpu.memory_space<hbm>>) target_semaphore(%run_scoped3A : memref<!tpu.dma_semaphore, #tpu.memory_space<semaphore_mem>>)
      %dma_wait3A_200 = arith.constant 0 : i32
      %dma_wait3A_201 = arith.constant 0 : i32
      %dma_wait3A_202 = tpu.memref_slice %arg9[%dma_wait3A_200, %dma_wait3A_201] : memref<1024x64xf32, #tpu.memory_space<vmem>> -> memref<512x64xf32, #tpu.memory_space<vmem>>
      %dma_wait3A_203 = arith.constant 0 : i32
      %dma_wait3A_204 = tpu.memref_slice %arg7[%mul3A_189, %dma_wait3A_203] : memref<16384x64xf32, #tpu.memory_space<hbm>> -> memref<512x64xf32, #tpu.memory_space<hbm>>
      %dma_wait3A_205 = arith.constant 0 : i32
      %dma_wait3A_206 = tpu.memref_slice %arg7[%mul3A_189, %dma_wait3A_205] : memref<16384x64xf32, #tpu.memory_space<hbm>> -> memref<512x64xf32, #tpu.memory_space<hbm>>
      %dma_wait3A_207 = arith.constant 0 : i32
      %dma_wait3A_208 = arith.constant 0 : i32
      %dma_wait3A_209 = tpu.memref_slice %arg9[%dma_wait3A_207, %dma_wait3A_208] : memref<1024x64xf32, #tpu.memory_space<vmem>> -> memref<512x64xf32, #tpu.memory_space<vmem>>
      tpu.wait_dma2 semaphore(%run_scoped3A : memref<!tpu.dma_semaphore, #tpu.memory_space<semaphore_mem>>) src(%dma_wait3A_209 : memref<512x64xf32, #tpu.memory_space<vmem>>) dst(%dma_wait3A_206 : memref<512x64xf32, #tpu.memory_space<hbm>>)
      tpu.yield
    }) : () -> ()
    return
  }
}

module attributes {stable_mosaic.version = 14 : i64} {
  func.func @_prologue_body(%arg0: i32, %arg1: memref<512x128xf32, #tpu.memory_space<vmem>>, %arg2: memref<512x128xf32, #tpu.memory_space<vmem>>, %arg3: memref<512x128xi32, #tpu.memory_space<vmem>>, %arg4: memref<16x128xi32, #tpu.memory_space<vmem>>, %arg5: memref<512x128xi32, #tpu.memory_space<vmem>>, %arg6: memref<512x128xi32, #tpu.memory_space<vmem>>, %arg7: memref<16x128xi32, #tpu.memory_space<vmem>>) attributes {dimension_semantics = [#tpu.dimension_semantics<arbitrary>], iteration_bounds = array<i64: 8>, scalar_prefetch = 0 : i64, scratch_operands = 0 : i64, tpu.core_type = #tpu.core_type<tc>, window_params = [{transform_indices = @transform_0, window_bounds = array<i64: 512, 128>}, {transform_indices = @transform_1, window_bounds = array<i64: 512, 128>}, {transform_indices = @transform_2, window_bounds = array<i64: 512, 128>}, {transform_indices = @transform_3, window_bounds = array<i64: 16, 128>}, {transform_indices = @transform_4, window_bounds = array<i64: 512, 128>}, {transform_indices = @transform_5, window_bounds = array<i64: 512, 128>}, {transform_indices = @transform_6, window_bounds = array<i64: 16, 128>}]} {
    %iota3A = tpu.iota {dimensions = array<i32: 0>} : vector<512x128xi32>
    %mul3A = arith.constant 128 : i32
    %mul3A_0 = vector.broadcast %mul3A : i32 to vector<512x128xi32>
    %mul3A_1 = arith.muli %iota3A, %mul3A_0 : vector<512x128xi32>
    %iota3A_2 = tpu.iota {dimensions = array<i32: 1>} : vector<512x128xi32>
    %add3A = arith.addi %mul3A_1, %iota3A_2 : vector<512x128xi32>
    %mul3A_3 = arith.constant 65536 : i32
    %mul3A_4 = arith.muli %arg0, %mul3A_3 : i32
    %add3A_5 = vector.broadcast %mul3A_4 : i32 to vector<512x128xi32>
    %add3A_6 = arith.addi %add3A, %add3A_5 : vector<512x128xi32>
    %get3A = arith.constant 0 : index
    %get3A_7 = arith.constant 0 : index
    %get3A_8 = vector.load %arg1[%get3A, %get3A_7] : memref<512x128xf32, #tpu.memory_space<vmem>>, vector<512x128xf32>
    %get3A_9 = arith.constant 0 : index
    %get3A_10 = arith.constant 0 : index
    %get3A_11 = vector.load %arg2[%get3A_9, %get3A_10] : memref<512x128xf32, #tpu.memory_space<vmem>>, vector<512x128xf32>
    %mul3A_12 = arith.mulf %get3A_8, %get3A_8 : vector<512x128xf32>
    %mul3A_13 = arith.mulf %get3A_11, %get3A_11 : vector<512x128xf32>
    %add3A_14 = arith.addf %mul3A_12, %mul3A_13 : vector<512x128xf32>
    %sqrt3A = math.sqrt %add3A_14 : vector<512x128xf32>
    %div3A = arith.constant 1.500000e+00 : f32
    %div3A_15 = vector.broadcast %div3A : f32 to vector<512x128xf32>
    %div3A_16 = arith.divf %sqrt3A, %div3A_15 : vector<512x128xf32>
    %min3A = arith.constant 9.900000e-01 : f32
    %min3A_17 = vector.broadcast %min3A : f32 to vector<512x128xf32>
    %min3A_18 = arith.minimumf %div3A_16, %min3A_17 : vector<512x128xf32>
    %mul3A_19 = arith.constant 5.000000e+00 : f32
    %mul3A_20 = vector.broadcast %mul3A_19 : f32 to vector<512x128xf32>
    %mul3A_21 = arith.mulf %min3A_18, %mul3A_20 : vector<512x128xf32>
    %floor3A = math.floor %mul3A_21 : vector<512x128xf32>
    %convert_element_type3A = arith.fptosi %floor3A : vector<512x128xf32> to vector<512x128xi32>
    %jit3A = arith.constant 32 : i32
    %div3A_22 = vector.broadcast %jit3A : i32 to vector<512x128xi32>
    %div3A_23 = arith.divsi %add3A_6, %div3A_22 : vector<512x128xi32>
    %sign3A = arith.constant 0 : i32
    %sign3A_24 = vector.broadcast %sign3A : i32 to vector<512x128xi32>
    %sign3A_25 = arith.cmpi sgt, %add3A_6, %sign3A_24 : vector<512x128xi32>
    %sign3A_26 = arith.extui %sign3A_25 : vector<512x128xi1> to vector<512x128xi32>
    %sign3A_27 = arith.constant 0 : i32
    %sign3A_28 = vector.broadcast %sign3A_27 : i32 to vector<512x128xi32>
    %sign3A_29 = arith.cmpi slt, %add3A_6, %sign3A_28 : vector<512x128xi32>
    %sign3A_30 = arith.extui %sign3A_29 : vector<512x128xi1> to vector<512x128xi32>
    %sign3A_31 = arith.subi %sign3A_26, %sign3A_30 : vector<512x128xi32>
    %sign3A_32 = arith.constant 0 : i32
    %sign3A_33 = arith.cmpi sgt, %jit3A, %sign3A_32 : i32
    %sign3A_34 = arith.extui %sign3A_33 : i1 to i32
    %sign3A_35 = arith.constant 0 : i32
    %sign3A_36 = arith.cmpi slt, %jit3A, %sign3A_35 : i32
    %sign3A_37 = arith.extui %sign3A_36 : i1 to i32
    %sign3A_38 = arith.subi %sign3A_34, %sign3A_37 : i32
    %ne3A = vector.broadcast %sign3A_38 : i32 to vector<512x128xi32>
    %ne3A_39 = arith.cmpi ne, %sign3A_31, %ne3A : vector<512x128xi32>
    %rem3A = vector.broadcast %jit3A : i32 to vector<512x128xi32>
    %rem3A_40 = arith.remsi %add3A_6, %rem3A : vector<512x128xi32>
    %ne3A_41 = arith.constant 0 : i32
    %ne3A_42 = vector.broadcast %ne3A_41 : i32 to vector<512x128xi32>
    %ne3A_43 = arith.cmpi ne, %rem3A_40, %ne3A_42 : vector<512x128xi32>
    %and3A = arith.andi %ne3A_39, %ne3A_43 : vector<512x128xi1>
    %sub3A = arith.constant 1 : i32
    %sub3A_44 = vector.broadcast %sub3A : i32 to vector<512x128xi32>
    %sub3A_45 = arith.subi %div3A_23, %sub3A_44 : vector<512x128xi32>
    %select_n3A = arith.select %and3A, %sub3A_45, %div3A_23 : vector<512x128xi1>, vector<512x128xi32>
    %jit3A_46 = arith.constant 512 : i32
    %div3A_47 = vector.broadcast %jit3A_46 : i32 to vector<512x128xi32>
    %div3A_48 = arith.divsi %select_n3A, %div3A_47 : vector<512x128xi32>
    %sign3A_49 = arith.constant 0 : i32
    %sign3A_50 = vector.broadcast %sign3A_49 : i32 to vector<512x128xi32>
    %sign3A_51 = arith.cmpi sgt, %select_n3A, %sign3A_50 : vector<512x128xi32>
    %sign3A_52 = arith.extui %sign3A_51 : vector<512x128xi1> to vector<512x128xi32>
    %sign3A_53 = arith.constant 0 : i32
    %sign3A_54 = vector.broadcast %sign3A_53 : i32 to vector<512x128xi32>
    %sign3A_55 = arith.cmpi slt, %select_n3A, %sign3A_54 : vector<512x128xi32>
    %sign3A_56 = arith.extui %sign3A_55 : vector<512x128xi1> to vector<512x128xi32>
    %sign3A_57 = arith.subi %sign3A_52, %sign3A_56 : vector<512x128xi32>
    %sign3A_58 = arith.constant 0 : i32
    %sign3A_59 = arith.cmpi sgt, %jit3A_46, %sign3A_58 : i32
    %sign3A_60 = arith.extui %sign3A_59 : i1 to i32
    %sign3A_61 = arith.constant 0 : i32
    %sign3A_62 = arith.cmpi slt, %jit3A_46, %sign3A_61 : i32
    %sign3A_63 = arith.extui %sign3A_62 : i1 to i32
    %sign3A_64 = arith.subi %sign3A_60, %sign3A_63 : i32
    %ne3A_65 = vector.broadcast %sign3A_64 : i32 to vector<512x128xi32>
    %ne3A_66 = arith.cmpi ne, %sign3A_57, %ne3A_65 : vector<512x128xi32>
    %rem3A_67 = vector.broadcast %jit3A_46 : i32 to vector<512x128xi32>
    %rem3A_68 = arith.remsi %select_n3A, %rem3A_67 : vector<512x128xi32>
    %ne3A_69 = arith.constant 0 : i32
    %ne3A_70 = vector.broadcast %ne3A_69 : i32 to vector<512x128xi32>
    %ne3A_71 = arith.cmpi ne, %rem3A_68, %ne3A_70 : vector<512x128xi32>
    %and3A_72 = arith.andi %ne3A_66, %ne3A_71 : vector<512x128xi1>
    %sub3A_73 = arith.constant 1 : i32
    %sub3A_74 = vector.broadcast %sub3A_73 : i32 to vector<512x128xi32>
    %sub3A_75 = arith.subi %div3A_48, %sub3A_74 : vector<512x128xi32>
    %select_n3A_76 = arith.select %and3A_72, %sub3A_75, %div3A_48 : vector<512x128xi1>, vector<512x128xi32>
    %jit3A_77 = arith.constant 16 : i32
    %eq3A = arith.constant 0 : i32
    %eq3A_78 = arith.cmpi eq, %jit3A_77, %eq3A : i32
    %jit3A_79 = arith.constant 1 : i32
    %select_n3A_80 = arith.select %eq3A_78, %jit3A_79, %jit3A_77 : i32
    %rem3A_81 = vector.broadcast %select_n3A_80 : i32 to vector<512x128xi32>
    %rem3A_82 = arith.remsi %select_n3A_76, %rem3A_81 : vector<512x128xi32>
    %ne3A_83 = arith.constant 0 : i32
    %ne3A_84 = vector.broadcast %ne3A_83 : i32 to vector<512x128xi32>
    %ne3A_85 = arith.cmpi ne, %rem3A_82, %ne3A_84 : vector<512x128xi32>
    %lt3A = arith.constant 0 : i32
    %lt3A_86 = vector.broadcast %lt3A : i32 to vector<512x128xi32>
    %lt3A_87 = arith.cmpi slt, %rem3A_82, %lt3A_86 : vector<512x128xi32>
    %lt3A_88 = arith.constant 0 : i32
    %lt3A_89 = arith.cmpi slt, %select_n3A_80, %lt3A_88 : i32
    %ne3A_90 = vector.broadcast %lt3A_89 : i1 to vector<512x128xi1>
    %ne3A_91 = vector.broadcast %ne3A_90 : vector<512x128xi1> to vector<512x128xi1>
    %ne3A_92 = arith.xori %lt3A_87, %ne3A_91 : vector<512x128xi1>
    %and3A_93 = arith.andi %ne3A_92, %ne3A_85 : vector<512x128xi1>
    %add3A_94 = vector.broadcast %select_n3A_80 : i32 to vector<512x128xi32>
    %add3A_95 = arith.addi %rem3A_82, %add3A_94 : vector<512x128xi32>
    %select_n3A_96 = arith.select %and3A_93, %add3A_95, %rem3A_82 : vector<512x128xi1>, vector<512x128xi32>
    %jit3A_97 = arith.constant 16 : i32
    %div3A_98 = vector.broadcast %jit3A_97 : i32 to vector<512x128xi32>
    %div3A_99 = arith.divsi %select_n3A, %div3A_98 : vector<512x128xi32>
    %sign3A_100 = arith.constant 0 : i32
    %sign3A_101 = vector.broadcast %sign3A_100 : i32 to vector<512x128xi32>
    %sign3A_102 = arith.cmpi sgt, %select_n3A, %sign3A_101 : vector<512x128xi32>
    %sign3A_103 = arith.extui %sign3A_102 : vector<512x128xi1> to vector<512x128xi32>
    %sign3A_104 = arith.constant 0 : i32
    %sign3A_105 = vector.broadcast %sign3A_104 : i32 to vector<512x128xi32>
    %sign3A_106 = arith.cmpi slt, %select_n3A, %sign3A_105 : vector<512x128xi32>
    %sign3A_107 = arith.extui %sign3A_106 : vector<512x128xi1> to vector<512x128xi32>
    %sign3A_108 = arith.subi %sign3A_103, %sign3A_107 : vector<512x128xi32>
    %sign3A_109 = arith.constant 0 : i32
    %sign3A_110 = arith.cmpi sgt, %jit3A_97, %sign3A_109 : i32
    %sign3A_111 = arith.extui %sign3A_110 : i1 to i32
    %sign3A_112 = arith.constant 0 : i32
    %sign3A_113 = arith.cmpi slt, %jit3A_97, %sign3A_112 : i32
    %sign3A_114 = arith.extui %sign3A_113 : i1 to i32
    %sign3A_115 = arith.subi %sign3A_111, %sign3A_114 : i32
    %ne3A_116 = vector.broadcast %sign3A_115 : i32 to vector<512x128xi32>
    %ne3A_117 = arith.cmpi ne, %sign3A_108, %ne3A_116 : vector<512x128xi32>
    %rem3A_118 = vector.broadcast %jit3A_97 : i32 to vector<512x128xi32>
    %rem3A_119 = arith.remsi %select_n3A, %rem3A_118 : vector<512x128xi32>
    %ne3A_120 = arith.constant 0 : i32
    %ne3A_121 = vector.broadcast %ne3A_120 : i32 to vector<512x128xi32>
    %ne3A_122 = arith.cmpi ne, %rem3A_119, %ne3A_121 : vector<512x128xi32>
    %and3A_123 = arith.andi %ne3A_117, %ne3A_122 : vector<512x128xi1>
    %sub3A_124 = arith.constant 1 : i32
    %sub3A_125 = vector.broadcast %sub3A_124 : i32 to vector<512x128xi32>
    %sub3A_126 = arith.subi %div3A_99, %sub3A_125 : vector<512x128xi32>
    %select_n3A_127 = arith.select %and3A_123, %sub3A_126, %div3A_99 : vector<512x128xi1>, vector<512x128xi32>
    %jit3A_128 = arith.constant 4 : i32
    %eq3A_129 = arith.constant 0 : i32
    %eq3A_130 = arith.cmpi eq, %jit3A_128, %eq3A_129 : i32
    %jit3A_131 = arith.constant 1 : i32
    %select_n3A_132 = arith.select %eq3A_130, %jit3A_131, %jit3A_128 : i32
    %rem3A_133 = vector.broadcast %select_n3A_132 : i32 to vector<512x128xi32>
    %rem3A_134 = arith.remsi %select_n3A_127, %rem3A_133 : vector<512x128xi32>
    %ne3A_135 = arith.constant 0 : i32
    %ne3A_136 = vector.broadcast %ne3A_135 : i32 to vector<512x128xi32>
    %ne3A_137 = arith.cmpi ne, %rem3A_134, %ne3A_136 : vector<512x128xi32>
    %lt3A_138 = arith.constant 0 : i32
    %lt3A_139 = vector.broadcast %lt3A_138 : i32 to vector<512x128xi32>
    %lt3A_140 = arith.cmpi slt, %rem3A_134, %lt3A_139 : vector<512x128xi32>
    %lt3A_141 = arith.constant 0 : i32
    %lt3A_142 = arith.cmpi slt, %select_n3A_132, %lt3A_141 : i32
    %ne3A_143 = vector.broadcast %lt3A_142 : i1 to vector<512x128xi1>
    %ne3A_144 = vector.broadcast %ne3A_143 : vector<512x128xi1> to vector<512x128xi1>
    %ne3A_145 = arith.xori %lt3A_140, %ne3A_144 : vector<512x128xi1>
    %and3A_146 = arith.andi %ne3A_145, %ne3A_137 : vector<512x128xi1>
    %add3A_147 = vector.broadcast %select_n3A_132 : i32 to vector<512x128xi32>
    %add3A_148 = arith.addi %rem3A_134, %add3A_147 : vector<512x128xi32>
    %select_n3A_149 = arith.select %and3A_146, %add3A_148, %rem3A_134 : vector<512x128xi1>, vector<512x128xi32>
    %mul3A_150 = arith.constant 320 : i32
    %mul3A_151 = vector.broadcast %mul3A_150 : i32 to vector<512x128xi32>
    %mul3A_152 = arith.muli %select_n3A_96, %mul3A_151 : vector<512x128xi32>
    %mul3A_153 = arith.constant 80 : i32
    %mul3A_154 = vector.broadcast %mul3A_153 : i32 to vector<512x128xi32>
    %mul3A_155 = arith.muli %select_n3A_149, %mul3A_154 : vector<512x128xi32>
    %add3A_156 = arith.addi %mul3A_152, %mul3A_155 : vector<512x128xi32>
    %jit3A_157 = arith.constant 16 : i32
    %eq3A_158 = arith.constant 0 : i32
    %eq3A_159 = arith.cmpi eq, %jit3A_157, %eq3A_158 : i32
    %jit3A_160 = arith.constant 1 : i32
    %select_n3A_161 = arith.select %eq3A_159, %jit3A_160, %jit3A_157 : i32
    %rem3A_162 = vector.broadcast %select_n3A_161 : i32 to vector<512x128xi32>
    %rem3A_163 = arith.remsi %select_n3A, %rem3A_162 : vector<512x128xi32>
    %ne3A_164 = arith.constant 0 : i32
    %ne3A_165 = vector.broadcast %ne3A_164 : i32 to vector<512x128xi32>
    %ne3A_166 = arith.cmpi ne, %rem3A_163, %ne3A_165 : vector<512x128xi32>
    %lt3A_167 = arith.constant 0 : i32
    %lt3A_168 = vector.broadcast %lt3A_167 : i32 to vector<512x128xi32>
    %lt3A_169 = arith.cmpi slt, %rem3A_163, %lt3A_168 : vector<512x128xi32>
    %lt3A_170 = arith.constant 0 : i32
    %lt3A_171 = arith.cmpi slt, %select_n3A_161, %lt3A_170 : i32
    %ne3A_172 = vector.broadcast %lt3A_171 : i1 to vector<512x128xi1>
    %ne3A_173 = vector.broadcast %ne3A_172 : vector<512x128xi1> to vector<512x128xi1>
    %ne3A_174 = arith.xori %lt3A_169, %ne3A_173 : vector<512x128xi1>
    %and3A_175 = arith.andi %ne3A_174, %ne3A_166 : vector<512x128xi1>
    %add3A_176 = vector.broadcast %select_n3A_161 : i32 to vector<512x128xi32>
    %add3A_177 = arith.addi %rem3A_163, %add3A_176 : vector<512x128xi32>
    %select_n3A_178 = arith.select %and3A_175, %add3A_177, %rem3A_163 : vector<512x128xi1>, vector<512x128xi32>
    %mul3A_179 = arith.constant 5 : i32
    %mul3A_180 = vector.broadcast %mul3A_179 : i32 to vector<512x128xi32>
    %mul3A_181 = arith.muli %select_n3A_178, %mul3A_180 : vector<512x128xi32>
    %add3A_182 = arith.addi %add3A_156, %mul3A_181 : vector<512x128xi32>
    %add3A_183 = arith.addi %add3A_182, %convert_element_type3A : vector<512x128xi32>
    %swap3A = arith.constant 0 : index
    %swap3A_184 = arith.constant 0 : index
    %swap3A_185 = vector.load %arg6[%swap3A, %swap3A_184] : memref<512x128xi32, #tpu.memory_space<vmem>>, vector<512x128xi32>
    tpu.vector_store %arg6[%swap3A, %swap3A_184], %add3A_183 {strides = array<i32>} : memref<512x128xi32, #tpu.memory_space<vmem>>, vector<512x128xi32>,
    %jit3A_186 = arith.constant 65536 : i32
    %div3A_187 = vector.broadcast %jit3A_186 : i32 to vector<512x128xi32>
    %div3A_188 = arith.divsi %add3A_6, %div3A_187 : vector<512x128xi32>
    %sign3A_189 = arith.constant 0 : i32
    %sign3A_190 = vector.broadcast %sign3A_189 : i32 to vector<512x128xi32>
    %sign3A_191 = arith.cmpi sgt, %add3A_6, %sign3A_190 : vector<512x128xi32>
    %sign3A_192 = arith.extui %sign3A_191 : vector<512x128xi1> to vector<512x128xi32>
    %sign3A_193 = arith.constant 0 : i32
    %sign3A_194 = vector.broadcast %sign3A_193 : i32 to vector<512x128xi32>
    %sign3A_195 = arith.cmpi slt, %add3A_6, %sign3A_194 : vector<512x128xi32>
    %sign3A_196 = arith.extui %sign3A_195 : vector<512x128xi1> to vector<512x128xi32>
    %sign3A_197 = arith.subi %sign3A_192, %sign3A_196 : vector<512x128xi32>
    %sign3A_198 = arith.constant 0 : i32
    %sign3A_199 = arith.cmpi sgt, %jit3A_186, %sign3A_198 : i32
    %sign3A_200 = arith.extui %sign3A_199 : i1 to i32
    %sign3A_201 = arith.constant 0 : i32
    %sign3A_202 = arith.cmpi slt, %jit3A_186, %sign3A_201 : i32
    %sign3A_203 = arith.extui %sign3A_202 : i1 to i32
    %sign3A_204 = arith.subi %sign3A_200, %sign3A_203 : i32
    %ne3A_205 = vector.broadcast %sign3A_204 : i32 to vector<512x128xi32>
    %ne3A_206 = arith.cmpi ne, %sign3A_197, %ne3A_205 : vector<512x128xi32>
    %rem3A_207 = vector.broadcast %jit3A_186 : i32 to vector<512x128xi32>
    %rem3A_208 = arith.remsi %add3A_6, %rem3A_207 : vector<512x128xi32>
    %ne3A_209 = arith.constant 0 : i32
    %ne3A_210 = vector.broadcast %ne3A_209 : i32 to vector<512x128xi32>
    %ne3A_211 = arith.cmpi ne, %rem3A_208, %ne3A_210 : vector<512x128xi32>
    %and3A_212 = arith.andi %ne3A_206, %ne3A_211 : vector<512x128xi1>
    %sub3A_213 = arith.constant 1 : i32
    %sub3A_214 = vector.broadcast %sub3A_213 : i32 to vector<512x128xi32>
    %sub3A_215 = arith.subi %div3A_188, %sub3A_214 : vector<512x128xi32>
    %select_n3A_216 = arith.select %and3A_212, %sub3A_215, %div3A_188 : vector<512x128xi1>, vector<512x128xi32>
    %get3A_217 = arith.constant 0 : index
    %get3A_218 = arith.constant 0 : index
    %get3A_219 = vector.load %arg3[%get3A_217, %get3A_218] : memref<512x128xi32, #tpu.memory_space<vmem>>, vector<512x128xi32>
    %mul3A_220 = arith.constant 8192 : i32
    %mul3A_221 = vector.broadcast %mul3A_220 : i32 to vector<512x128xi32>
    %mul3A_222 = arith.muli %select_n3A_216, %mul3A_221 : vector<512x128xi32>
    %add3A_223 = arith.addi %get3A_219, %mul3A_222 : vector<512x128xi32>
    %swap3A_224 = arith.constant 0 : index
    %swap3A_225 = arith.constant 0 : index
    %swap3A_226 = vector.load %arg5[%swap3A_224, %swap3A_225] : memref<512x128xi32, #tpu.memory_space<vmem>>, vector<512x128xi32>
    tpu.vector_store %arg5[%swap3A_224, %swap3A_225], %add3A_223 {strides = array<i32>} : memref<512x128xi32, #tpu.memory_space<vmem>>, vector<512x128xi32>,
    %iota3A_227 = tpu.iota {dimensions = array<i32: 0>} : vector<16x128xi32>
    %mul3A_228 = arith.constant 128 : i32
    %mul3A_229 = vector.broadcast %mul3A_228 : i32 to vector<16x128xi32>
    %mul3A_230 = arith.muli %iota3A_227, %mul3A_229 : vector<16x128xi32>
    %iota3A_231 = tpu.iota {dimensions = array<i32: 1>} : vector<16x128xi32>
    %add3A_232 = arith.addi %mul3A_230, %iota3A_231 : vector<16x128xi32>
    %mul3A_233 = arith.constant 2048 : i32
    %mul3A_234 = arith.muli %arg0, %mul3A_233 : i32
    %add3A_235 = vector.broadcast %mul3A_234 : i32 to vector<16x128xi32>
    %add3A_236 = arith.addi %add3A_232, %add3A_235 : vector<16x128xi32>
    %get3A_237 = arith.constant 0 : index
    %get3A_238 = arith.constant 0 : index
    %get3A_239 = vector.load %arg4[%get3A_237, %get3A_238] : memref<16x128xi32, #tpu.memory_space<vmem>>, vector<16x128xi32>
    %jit3A_240 = arith.constant 2048 : i32
    %div3A_241 = vector.broadcast %jit3A_240 : i32 to vector<16x128xi32>
    %div3A_242 = arith.divsi %add3A_236, %div3A_241 : vector<16x128xi32>
    %sign3A_243 = arith.constant 0 : i32
    %sign3A_244 = vector.broadcast %sign3A_243 : i32 to vector<16x128xi32>
    %sign3A_245 = arith.cmpi sgt, %add3A_236, %sign3A_244 : vector<16x128xi32>
    %sign3A_246 = arith.extui %sign3A_245 : vector<16x128xi1> to vector<16x128xi32>
    %sign3A_247 = arith.constant 0 : i32
    %sign3A_248 = vector.broadcast %sign3A_247 : i32 to vector<16x128xi32>
    %sign3A_249 = arith.cmpi slt, %add3A_236, %sign3A_248 : vector<16x128xi32>
    %sign3A_250 = arith.extui %sign3A_249 : vector<16x128xi1> to vector<16x128xi32>
    %sign3A_251 = arith.subi %sign3A_246, %sign3A_250 : vector<16x128xi32>
    %sign3A_252 = arith.constant 0 : i32
    %sign3A_253 = arith.cmpi sgt, %jit3A_240, %sign3A_252 : i32
    %sign3A_254 = arith.extui %sign3A_253 : i1 to i32
    %sign3A_255 = arith.constant 0 : i32
    %sign3A_256 = arith.cmpi slt, %jit3A_240, %sign3A_255 : i32
    %sign3A_257 = arith.extui %sign3A_256 : i1 to i32
    %sign3A_258 = arith.subi %sign3A_254, %sign3A_257 : i32
    %ne3A_259 = vector.broadcast %sign3A_258 : i32 to vector<16x128xi32>
    %ne3A_260 = arith.cmpi ne, %sign3A_251, %ne3A_259 : vector<16x128xi32>
    %rem3A_261 = vector.broadcast %jit3A_240 : i32 to vector<16x128xi32>
    %rem3A_262 = arith.remsi %add3A_236, %rem3A_261 : vector<16x128xi32>
    %ne3A_263 = arith.constant 0 : i32
    %ne3A_264 = vector.broadcast %ne3A_263 : i32 to vector<16x128xi32>
    %ne3A_265 = arith.cmpi ne, %rem3A_262, %ne3A_264 : vector<16x128xi32>
    %and3A_266 = arith.andi %ne3A_260, %ne3A_265 : vector<16x128xi1>
    %sub3A_267 = arith.constant 1 : i32
    %sub3A_268 = vector.broadcast %sub3A_267 : i32 to vector<16x128xi32>
    %sub3A_269 = arith.subi %div3A_242, %sub3A_268 : vector<16x128xi32>
    %select_n3A_270 = arith.select %and3A_266, %sub3A_269, %div3A_242 : vector<16x128xi1>, vector<16x128xi32>
    %mul3A_271 = arith.constant 8192 : i32
    %mul3A_272 = vector.broadcast %mul3A_271 : i32 to vector<16x128xi32>
    %mul3A_273 = arith.muli %select_n3A_270, %mul3A_272 : vector<16x128xi32>
    %add3A_274 = arith.addi %get3A_239, %mul3A_273 : vector<16x128xi32>
    %swap3A_275 = arith.constant 0 : index
    %swap3A_276 = arith.constant 0 : index
    %swap3A_277 = vector.load %arg7[%swap3A_275, %swap3A_276] : memref<16x128xi32, #tpu.memory_space<vmem>>, vector<16x128xi32>
    tpu.vector_store %arg7[%swap3A_275, %swap3A_276], %add3A_274 {strides = array<i32>} : memref<16x128xi32, #tpu.memory_space<vmem>>, vector<16x128xi32>,
    return
  }
  func.func @transform_0(%arg0: i32) -> (i32, i32) {
    %c0_i32 = arith.constant 0 : i32
    %c0_i32_0 = arith.constant 0 : i32
    return %arg0, %c0_i32 : i32, i32
  }
  func.func @transform_1(%arg0: i32) -> (i32, i32) {
    %c0_i32 = arith.constant 0 : i32
    %c0_i32_0 = arith.constant 0 : i32
    return %arg0, %c0_i32 : i32, i32
  }
  func.func @transform_2(%arg0: i32) -> (i32, i32) {
    %c0_i32 = arith.constant 0 : i32
    %c0_i32_0 = arith.constant 0 : i32
    return %arg0, %c0_i32 : i32, i32
  }
  func.func @transform_3(%arg0: i32) -> (i32, i32) {
    %c0_i32 = arith.constant 0 : i32
    %c0_i32_0 = arith.constant 0 : i32
    return %arg0, %c0_i32 : i32, i32
  }
  func.func @transform_4(%arg0: i32) -> (i32, i32) {
    %c0_i32 = arith.constant 0 : i32
    %c0_i32_0 = arith.constant 0 : i32
    return %arg0, %c0_i32 : i32, i32
  }
  func.func @transform_5(%arg0: i32) -> (i32, i32) {
    %c0_i32 = arith.constant 0 : i32
    %c0_i32_0 = arith.constant 0 : i32
    return %arg0, %c0_i32 : i32, i32
  }
  func.func @transform_6(%arg0: i32) -> (i32, i32) {
    %c0_i32 = arith.constant 0 : i32
    %c0_i32_0 = arith.constant 0 : i32
    return %arg0, %c0_i32 : i32, i32
  }
}

module attributes {stable_mosaic.version = 14 : i64} {
  func.func @_c1_body(%arg0: i32, %arg1: memref<1024x320xf32, #tpu.memory_space<vmem>>, %arg2: memref<320x64xf32, #tpu.memory_space<vmem>>, %arg3: memref<1x64xf32, #tpu.memory_space<vmem>>, %arg4: memref<1024x64xf32, #tpu.memory_space<vmem>>, %arg5: memref<2x64xf32, #tpu.memory_space<vmem>>) attributes {dimension_semantics = [#tpu.dimension_semantics<arbitrary>], iteration_bounds = array<i64: 16>, scalar_prefetch = 0 : i64, scratch_operands = 0 : i64, tpu.core_type = #tpu.core_type<tc>, window_params = [{transform_indices = @transform_0, window_bounds = array<i64: 1024, 320>}, {pipeline_mode = #tpu.pipeline_mode<synchronous>, transform_indices = @transform_1, window_bounds = array<i64: 320, 64>}, {pipeline_mode = #tpu.pipeline_mode<synchronous>, transform_indices = @transform_2, window_bounds = array<i64: 1, 64>}, {transform_indices = @transform_3, window_bounds = array<i64: 1024, 64>}, {pipeline_mode = #tpu.pipeline_mode<synchronous>, transform_indices = @transform_4, window_bounds = array<i64: 2, 64>}]} {
    %get3A = arith.constant 0 : index
    %get3A_0 = arith.constant 0 : index
    %get3A_1 = vector.load %arg1[%get3A, %get3A_0] : memref<1024x320xf32, #tpu.memory_space<vmem>>, vector<1024x320xf32>
    %get3A_2 = arith.constant 0 : index
    %get3A_3 = arith.constant 0 : index
    %get3A_4 = vector.load %arg2[%get3A_2, %get3A_3] : memref<320x64xf32, #tpu.memory_space<vmem>>, vector<320x64xf32>
    %dot_general3A = arith.constant dense<0.000000e+00> : vector<1024x64xf32>
    %dot_general3A_5 = tpu.matmul %get3A_1, %get3A_4, %dot_general3A {dimension_numbers = #tpu.dot_dimension_numbers<[1], [0], [0], [1], [0, 0, 1, 1], [], []>, transpose_lhs_hint = false} : vector<1024x320xf32>, vector<320x64xf32>, vector<1024x64xf32> -> vector<1024x64xf32>
    %get3A_6 = arith.constant 0 : index
    %get3A_7 = arith.constant 0 : index
    %get3A_8 = vector.load %arg3[%get3A_6, %get3A_7] : memref<1x64xf32, #tpu.memory_space<vmem>>, vector<1x64xf32>
    %add3A = vector.broadcast %get3A_8 : vector<1x64xf32> to vector<1024x64xf32>
    %add3A_9 = arith.addf %dot_general3A_5, %add3A : vector<1024x64xf32>
    %swap3A = arith.constant 0 : index
    %swap3A_10 = arith.constant 0 : index
    %swap3A_11 = vector.load %arg4[%swap3A, %swap3A_10] : memref<1024x64xf32, #tpu.memory_space<vmem>>, vector<1024x64xf32>
    tpu.vector_store %arg4[%swap3A, %swap3A_10], %add3A_9 {strides = array<i32>} : memref<1024x64xf32, #tpu.memory_space<vmem>>, vector<1024x64xf32>,
    %reduce_sum3A = arith.constant dense<0.000000e+00> : vector<64xf32>
    %reduce_sum3A_12 = vector.multi_reduction <add>, %add3A_9, %reduce_sum3A [0] : vector<1024x64xf32> to vector<64xf32>
    %broadcast_in_dim3A = vector.shape_cast %reduce_sum3A_12 : vector<64xf32> to vector<1x64xf32>
    %mul3A = arith.mulf %add3A_9, %add3A_9 : vector<1024x64xf32>
    %reduce_sum3A_13 = arith.constant dense<0.000000e+00> : vector<64xf32>
    %reduce_sum3A_14 = vector.multi_reduction <add>, %mul3A, %reduce_sum3A_13 [0] : vector<1024x64xf32> to vector<64xf32>
    %broadcast_in_dim3A_15 = vector.shape_cast %reduce_sum3A_14 : vector<64xf32> to vector<1x64xf32>
    %concatenate3A = tpu.concatenate %broadcast_in_dim3A, %broadcast_in_dim3A_15 in 0 : vector<1x64xf32>, vector<1x64xf32> -> vector<2x64xf32>
    %eq3A = arith.constant 0 : i32
    %eq3A_16 = arith.cmpi eq, %arg0, %eq3A : i32
    %convert_element_type3A = arith.extui %eq3A_16 : i1 to i32
    %cond3A = arith.constant 0 : i32
    %cond3A_17 = arith.cmpi ne, %convert_element_type3A, %cond3A : i32
    scf.if %cond3A_17 {
      %swap3A_22 = arith.constant 0 : index
      %swap3A_23 = arith.constant 0 : index
      %swap3A_24 = vector.load %arg5[%swap3A_22, %swap3A_23] : memref<2x64xf32, #tpu.memory_space<vmem>>, vector<2x64xf32>
      tpu.vector_store %arg5[%swap3A_22, %swap3A_23], %concatenate3A {strides = array<i32>} : memref<2x64xf32, #tpu.memory_space<vmem>>, vector<2x64xf32>,
    } else {
    }
    %ne3A = arith.constant 0 : i32
    %ne3A_18 = arith.cmpi ne, %arg0, %ne3A : i32
    %convert_element_type3A_19 = arith.extui %ne3A_18 : i1 to i32
    %cond3A_20 = arith.constant 0 : i32
    %cond3A_21 = arith.cmpi ne, %convert_element_type3A_19, %cond3A_20 : i32
    scf.if %cond3A_21 {
      %get3A_22 = arith.constant 0 : index
      %get3A_23 = arith.constant 0 : index
      %get3A_24 = vector.load %arg5[%get3A_22, %get3A_23] : memref<2x64xf32, #tpu.memory_space<vmem>>, vector<2x64xf32>
      %add3A_25 = arith.addf %get3A_24, %concatenate3A : vector<2x64xf32>
      %swap3A_26 = arith.constant 0 : index
      %swap3A_27 = arith.constant 0 : index
      %swap3A_28 = vector.load %arg5[%swap3A_26, %swap3A_27] : memref<2x64xf32, #tpu.memory_space<vmem>>, vector<2x64xf32>
      tpu.vector_store %arg5[%swap3A_26, %swap3A_27], %add3A_25 {strides = array<i32>} : memref<2x64xf32, #tpu.memory_space<vmem>>, vector<2x64xf32>,
    } else {
    }
    return
  }
  func.func @transform_0(%arg0: i32) -> (i32, i32) {
    %c0_i32 = arith.constant 0 : i32
    %c0_i32_0 = arith.constant 0 : i32
    return %arg0, %c0_i32 : i32, i32
  }
  func.func @transform_1(%arg0: i32) -> (i32, i32) {
    %c0_i32 = arith.constant 0 : i32
    %c0_i32_0 = arith.constant 0 : i32
    %c0_i32_1 = arith.constant 0 : i32
    return %c0_i32, %c0_i32_0 : i32, i32
  }
  func.func @transform_2(%arg0: i32) -> (i32, i32) {
    %c0_i32 = arith.constant 0 : i32
    %c0_i32_0 = arith.constant 0 : i32
    %c0_i32_1 = arith.constant 0 : i32
    return %c0_i32, %c0_i32_0 : i32, i32
  }
  func.func @transform_3(%arg0: i32) -> (i32, i32) {
    %c0_i32 = arith.constant 0 : i32
    %c0_i32_0 = arith.constant 0 : i32
    return %arg0, %c0_i32 : i32, i32
  }
  func.func @transform_4(%arg0: i32) -> (i32, i32) {
    %c0_i32 = arith.constant 0 : i32
    %c0_i32_0 = arith.constant 0 : i32
    %c0_i32_1 = arith.constant 0 : i32
    return %c0_i32, %c0_i32_0 : i32, i32
  }
}

module attributes {stable_mosaic.version = 14 : i64} {
  func.func @_c2_body(%arg0: i32, %arg1: memref<1024x64xf32, #tpu.memory_space<vmem>>, %arg2: memref<2x64xf32, #tpu.memory_space<vmem>>, %arg3: memref<1x64xf32, #tpu.memory_space<vmem>>, %arg4: memref<1x64xf32, #tpu.memory_space<vmem>>, %arg5: memref<64x64xf32, #tpu.memory_space<vmem>>, %arg6: memref<1x64xf32, #tpu.memory_space<vmem>>, %arg7: memref<1024x64xf32, #tpu.memory_space<vmem>>, %arg8: memref<2x64xf32, #tpu.memory_space<vmem>>) attributes {dimension_semantics = [#tpu.dimension_semantics<arbitrary>], iteration_bounds = array<i64: 16>, scalar_prefetch = 0 : i64, scratch_operands = 0 : i64, tpu.core_type = #tpu.core_type<tc>, window_params = [{transform_indices = @transform_0, window_bounds = array<i64: 1024, 64>}, {pipeline_mode = #tpu.pipeline_mode<synchronous>, transform_indices = @transform_1, window_bounds = array<i64: 2, 64>}, {pipeline_mode = #tpu.pipeline_mode<synchronous>, transform_indices = @transform_2, window_bounds = array<i64: 1, 64>}, {pipeline_mode = #tpu.pipeline_mode<synchronous>, transform_indices = @transform_3, window_bounds = array<i64: 1, 64>}, {pipeline_mode = #tpu.pipeline_mode<synchronous>, transform_indices = @transform_4, window_bounds = array<i64: 64, 64>}, {pipeline_mode = #tpu.pipeline_mode<synchronous>, transform_indices = @transform_5, window_bounds = array<i64: 1, 64>}, {transform_indices = @transform_6, window_bounds = array<i64: 1024, 64>}, {pipeline_mode = #tpu.pipeline_mode<synchronous>, transform_indices = @transform_7, window_bounds = array<i64: 2, 64>}]} {
    %get3A = arith.constant 0 : index
    %get3A_0 = arith.constant 0 : index
    %get3A_1 = vector.load %arg2[%get3A, %get3A_0] : memref<2x64xf32, #tpu.memory_space<vmem>>, vector<2x64xf32>
    %slice3A = vector.extract_strided_slice %get3A_1 {offsets = [0, 0], sizes = [1, 64], strides = [1, 1]} : vector<2x64xf32> to vector<1x64xf32>
    %mul3A = arith.constant 6.10351563E-5 : f32
    %mul3A_2 = vector.broadcast %mul3A : f32 to vector<1x64xf32>
    %mul3A_3 = arith.mulf %slice3A, %mul3A_2 : vector<1x64xf32>
    %slice3A_4 = vector.extract_strided_slice %get3A_1 {offsets = [1, 0], sizes = [1, 64], strides = [1, 1]} : vector<2x64xf32> to vector<1x64xf32>
    %mul3A_5 = arith.constant 6.10351563E-5 : f32
    %mul3A_6 = vector.broadcast %mul3A_5 : f32 to vector<1x64xf32>
    %mul3A_7 = arith.mulf %slice3A_4, %mul3A_6 : vector<1x64xf32>
    %mul3A_8 = arith.mulf %mul3A_3, %mul3A_3 : vector<1x64xf32>
    %sub3A = arith.subf %mul3A_7, %mul3A_8 : vector<1x64xf32>
    %get3A_9 = arith.constant 0 : index
    %get3A_10 = arith.constant 0 : index
    %get3A_11 = vector.load %arg1[%get3A_9, %get3A_10] : memref<1024x64xf32, #tpu.memory_space<vmem>>, vector<1024x64xf32>
    %sub3A_12 = vector.broadcast %mul3A_3 : vector<1x64xf32> to vector<1024x64xf32>
    %sub3A_13 = arith.subf %get3A_11, %sub3A_12 : vector<1024x64xf32>
    %add3A = arith.constant 9.99999974E-6 : f32
    %add3A_14 = vector.broadcast %add3A : f32 to vector<1x64xf32>
    %add3A_15 = arith.addf %sub3A, %add3A_14 : vector<1x64xf32>
    %sqrt3A = math.sqrt %add3A_15 : vector<1x64xf32>
    %div3A = vector.broadcast %sqrt3A : vector<1x64xf32> to vector<1024x64xf32>
    %div3A_16 = arith.divf %sub3A_13, %div3A : vector<1024x64xf32>
    %get3A_17 = arith.constant 0 : index
    %get3A_18 = arith.constant 0 : index
    %get3A_19 = vector.load %arg3[%get3A_17, %get3A_18] : memref<1x64xf32, #tpu.memory_space<vmem>>, vector<1x64xf32>
    %mul3A_20 = vector.broadcast %get3A_19 : vector<1x64xf32> to vector<1024x64xf32>
    %mul3A_21 = arith.mulf %div3A_16, %mul3A_20 : vector<1024x64xf32>
    %get3A_22 = arith.constant 0 : index
    %get3A_23 = arith.constant 0 : index
    %get3A_24 = vector.load %arg4[%get3A_22, %get3A_23] : memref<1x64xf32, #tpu.memory_space<vmem>>, vector<1x64xf32>
    %add3A_25 = vector.broadcast %get3A_24 : vector<1x64xf32> to vector<1024x64xf32>
    %add3A_26 = arith.addf %mul3A_21, %add3A_25 : vector<1024x64xf32>
    %max3A = arith.constant 0.000000e+00 : f32
    %max3A_27 = vector.broadcast %max3A : f32 to vector<1024x64xf32>
    %max3A_28 = arith.maximumf %add3A_26, %max3A_27 : vector<1024x64xf32>
    %get3A_29 = arith.constant 0 : index
    %get3A_30 = arith.constant 0 : index
    %get3A_31 = vector.load %arg5[%get3A_29, %get3A_30] : memref<64x64xf32, #tpu.memory_space<vmem>>, vector<64x64xf32>
    %dot_general3A = arith.constant dense<0.000000e+00> : vector<1024x64xf32>
    %dot_general3A_32 = tpu.matmul %max3A_28, %get3A_31, %dot_general3A {dimension_numbers = #tpu.dot_dimension_numbers<[1], [0], [0], [1], [0, 0, 1, 1], [], []>, transpose_lhs_hint = false} : vector<1024x64xf32>, vector<64x64xf32>, vector<1024x64xf32> -> vector<1024x64xf32>
    %get3A_33 = arith.constant 0 : index
    %get3A_34 = arith.constant 0 : index
    %get3A_35 = vector.load %arg6[%get3A_33, %get3A_34] : memref<1x64xf32, #tpu.memory_space<vmem>>, vector<1x64xf32>
    %add3A_36 = vector.broadcast %get3A_35 : vector<1x64xf32> to vector<1024x64xf32>
    %add3A_37 = arith.addf %dot_general3A_32, %add3A_36 : vector<1024x64xf32>
    %swap3A = arith.constant 0 : index
    %swap3A_38 = arith.constant 0 : index
    %swap3A_39 = vector.load %arg7[%swap3A, %swap3A_38] : memref<1024x64xf32, #tpu.memory_space<vmem>>, vector<1024x64xf32>
    tpu.vector_store %arg7[%swap3A, %swap3A_38], %add3A_37 {strides = array<i32>} : memref<1024x64xf32, #tpu.memory_space<vmem>>, vector<1024x64xf32>,
    %reduce_sum3A = arith.constant dense<0.000000e+00> : vector<64xf32>
    %reduce_sum3A_40 = vector.multi_reduction <add>, %add3A_37, %reduce_sum3A [0] : vector<1024x64xf32> to vector<64xf32>
    %broadcast_in_dim3A = vector.shape_cast %reduce_sum3A_40 : vector<64xf32> to vector<1x64xf32>
    %mul3A_41 = arith.mulf %add3A_37, %add3A_37 : vector<1024x64xf32>
    %reduce_sum3A_42 = arith.constant dense<0.000000e+00> : vector<64xf32>
    %reduce_sum3A_43 = vector.multi_reduction <add>, %mul3A_41, %reduce_sum3A_42 [0] : vector<1024x64xf32> to vector<64xf32>
    %broadcast_in_dim3A_44 = vector.shape_cast %reduce_sum3A_43 : vector<64xf32> to vector<1x64xf32>
    %concatenate3A = tpu.concatenate %broadcast_in_dim3A, %broadcast_in_dim3A_44 in 0 : vector<1x64xf32>, vector<1x64xf32> -> vector<2x64xf32>
    %eq3A = arith.constant 0 : i32
    %eq3A_45 = arith.cmpi eq, %arg0, %eq3A : i32
    %convert_element_type3A = arith.extui %eq3A_45 : i1 to i32
    %cond3A = arith.constant 0 : i32
    %cond3A_46 = arith.cmpi ne, %convert_element_type3A, %cond3A : i32
    scf.if %cond3A_46 {
      %swap3A_51 = arith.constant 0 : index
      %swap3A_52 = arith.constant 0 : index
      %swap3A_53 = vector.load %arg8[%swap3A_51, %swap3A_52] : memref<2x64xf32, #tpu.memory_space<vmem>>, vector<2x64xf32>
      tpu.vector_store %arg8[%swap3A_51, %swap3A_52], %concatenate3A {strides = array<i32>} : memref<2x64xf32, #tpu.memory_space<vmem>>, vector<2x64xf32>,
    } else {
    }
    %ne3A = arith.constant 0 : i32
    %ne3A_47 = arith.cmpi ne, %arg0, %ne3A : i32
    %convert_element_type3A_48 = arith.extui %ne3A_47 : i1 to i32
    %cond3A_49 = arith.constant 0 : i32
    %cond3A_50 = arith.cmpi ne, %convert_element_type3A_48, %cond3A_49 : i32
    scf.if %cond3A_50 {
      %get3A_51 = arith.constant 0 : index
      %get3A_52 = arith.constant 0 : index
      %get3A_53 = vector.load %arg8[%get3A_51, %get3A_52] : memref<2x64xf32, #tpu.memory_space<vmem>>, vector<2x64xf32>
      %add3A_54 = arith.addf %get3A_53, %concatenate3A : vector<2x64xf32>
      %swap3A_55 = arith.constant 0 : index
      %swap3A_56 = arith.constant 0 : index
      %swap3A_57 = vector.load %arg8[%swap3A_55, %swap3A_56] : memref<2x64xf32, #tpu.memory_space<vmem>>, vector<2x64xf32>
      tpu.vector_store %arg8[%swap3A_55, %swap3A_56], %add3A_54 {strides = array<i32>} : memref<2x64xf32, #tpu.memory_space<vmem>>, vector<2x64xf32>,
    } else {
    }
    return
  }
  func.func @transform_0(%arg0: i32) -> (i32, i32) {
    %c0_i32 = arith.constant 0 : i32
    %c0_i32_0 = arith.constant 0 : i32
    return %arg0, %c0_i32 : i32, i32
  }
  func.func @transform_1(%arg0: i32) -> (i32, i32) {
    %c0_i32 = arith.constant 0 : i32
    %c0_i32_0 = arith.constant 0 : i32
    %c0_i32_1 = arith.constant 0 : i32
    return %c0_i32, %c0_i32_0 : i32, i32
  }
  func.func @transform_2(%arg0: i32) -> (i32, i32) {
    %c0_i32 = arith.constant 0 : i32
    %c0_i32_0 = arith.constant 0 : i32
    %c0_i32_1 = arith.constant 0 : i32
    return %c0_i32, %c0_i32_0 : i32, i32
  }
  func.func @transform_3(%arg0: i32) -> (i32, i32) {
    %c0_i32 = arith.constant 0 : i32
    %c0_i32_0 = arith.constant 0 : i32
    %c0_i32_1 = arith.constant 0 : i32
    return %c0_i32, %c0_i32_0 : i32, i32
  }
  func.func @transform_4(%arg0: i32) -> (i32, i32) {
    %c0_i32 = arith.constant 0 : i32
    %c0_i32_0 = arith.constant 0 : i32
    %c0_i32_1 = arith.constant 0 : i32
    return %c0_i32, %c0_i32_0 : i32, i32
  }
  func.func @transform_5(%arg0: i32) -> (i32, i32) {
    %c0_i32 = arith.constant 0 : i32
    %c0_i32_0 = arith.constant 0 : i32
    %c0_i32_1 = arith.constant 0 : i32
    return %c0_i32, %c0_i32_0 : i32, i32
  }
  func.func @transform_6(%arg0: i32) -> (i32, i32) {
    %c0_i32 = arith.constant 0 : i32
    %c0_i32_0 = arith.constant 0 : i32
    return %arg0, %c0_i32 : i32, i32
  }
  func.func @transform_7(%arg0: i32) -> (i32, i32) {
    %c0_i32 = arith.constant 0 : i32
    %c0_i32_0 = arith.constant 0 : i32
    %c0_i32_1 = arith.constant 0 : i32
    return %c0_i32, %c0_i32_0 : i32, i32
  }
}

module attributes {stable_mosaic.version = 14 : i64} {
  func.func @_c3_body(%arg0: i32, %arg1: memref<1024x64xf32, #tpu.memory_space<vmem>>, %arg2: memref<2x64xf32, #tpu.memory_space<vmem>>, %arg3: memref<1x64xf32, #tpu.memory_space<vmem>>, %arg4: memref<1x64xf32, #tpu.memory_space<vmem>>, %arg5: memref<1024x64xf32, #tpu.memory_space<vmem>>) attributes {dimension_semantics = [#tpu.dimension_semantics<arbitrary>], iteration_bounds = array<i64: 16>, scalar_prefetch = 0 : i64, scratch_operands = 0 : i64, tpu.core_type = #tpu.core_type<tc>, window_params = [{transform_indices = @transform_0, window_bounds = array<i64: 1024, 64>}, {pipeline_mode = #tpu.pipeline_mode<synchronous>, transform_indices = @transform_1, window_bounds = array<i64: 2, 64>}, {pipeline_mode = #tpu.pipeline_mode<synchronous>, transform_indices = @transform_2, window_bounds = array<i64: 1, 64>}, {pipeline_mode = #tpu.pipeline_mode<synchronous>, transform_indices = @transform_3, window_bounds = array<i64: 1, 64>}, {transform_indices = @transform_4, window_bounds = array<i64: 1024, 64>}]} {
    %get3A = arith.constant 0 : index
    %get3A_0 = arith.constant 0 : index
    %get3A_1 = vector.load %arg2[%get3A, %get3A_0] : memref<2x64xf32, #tpu.memory_space<vmem>>, vector<2x64xf32>
    %slice3A = vector.extract_strided_slice %get3A_1 {offsets = [0, 0], sizes = [1, 64], strides = [1, 1]} : vector<2x64xf32> to vector<1x64xf32>
    %mul3A = arith.constant 6.10351563E-5 : f32
    %mul3A_2 = vector.broadcast %mul3A : f32 to vector<1x64xf32>
    %mul3A_3 = arith.mulf %slice3A, %mul3A_2 : vector<1x64xf32>
    %slice3A_4 = vector.extract_strided_slice %get3A_1 {offsets = [1, 0], sizes = [1, 64], strides = [1, 1]} : vector<2x64xf32> to vector<1x64xf32>
    %mul3A_5 = arith.constant 6.10351563E-5 : f32
    %mul3A_6 = vector.broadcast %mul3A_5 : f32 to vector<1x64xf32>
    %mul3A_7 = arith.mulf %slice3A_4, %mul3A_6 : vector<1x64xf32>
    %mul3A_8 = arith.mulf %mul3A_3, %mul3A_3 : vector<1x64xf32>
    %sub3A = arith.subf %mul3A_7, %mul3A_8 : vector<1x64xf32>
    %get3A_9 = arith.constant 0 : index
    %get3A_10 = arith.constant 0 : index
    %get3A_11 = vector.load %arg1[%get3A_9, %get3A_10] : memref<1024x64xf32, #tpu.memory_space<vmem>>, vector<1024x64xf32>
    %sub3A_12 = vector.broadcast %mul3A_3 : vector<1x64xf32> to vector<1024x64xf32>
    %sub3A_13 = arith.subf %get3A_11, %sub3A_12 : vector<1024x64xf32>
    %add3A = arith.constant 9.99999974E-6 : f32
    %add3A_14 = vector.broadcast %add3A : f32 to vector<1x64xf32>
    %add3A_15 = arith.addf %sub3A, %add3A_14 : vector<1x64xf32>
    %sqrt3A = math.sqrt %add3A_15 : vector<1x64xf32>
    %div3A = vector.broadcast %sqrt3A : vector<1x64xf32> to vector<1024x64xf32>
    %div3A_16 = arith.divf %sub3A_13, %div3A : vector<1024x64xf32>
    %get3A_17 = arith.constant 0 : index
    %get3A_18 = arith.constant 0 : index
    %get3A_19 = vector.load %arg3[%get3A_17, %get3A_18] : memref<1x64xf32, #tpu.memory_space<vmem>>, vector<1x64xf32>
    %mul3A_20 = vector.broadcast %get3A_19 : vector<1x64xf32> to vector<1024x64xf32>
    %mul3A_21 = arith.mulf %div3A_16, %mul3A_20 : vector<1024x64xf32>
    %get3A_22 = arith.constant 0 : index
    %get3A_23 = arith.constant 0 : index
    %get3A_24 = vector.load %arg4[%get3A_22, %get3A_23] : memref<1x64xf32, #tpu.memory_space<vmem>>, vector<1x64xf32>
    %add3A_25 = vector.broadcast %get3A_24 : vector<1x64xf32> to vector<1024x64xf32>
    %add3A_26 = arith.addf %mul3A_21, %add3A_25 : vector<1024x64xf32>
    %max3A = arith.constant 0.000000e+00 : f32
    %max3A_27 = vector.broadcast %max3A : f32 to vector<1024x64xf32>
    %max3A_28 = arith.maximumf %add3A_26, %max3A_27 : vector<1024x64xf32>
    %swap3A = arith.constant 0 : index
    %swap3A_29 = arith.constant 0 : index
    %swap3A_30 = vector.load %arg5[%swap3A, %swap3A_29] : memref<1024x64xf32, #tpu.memory_space<vmem>>, vector<1024x64xf32>
    tpu.vector_store %arg5[%swap3A, %swap3A_29], %max3A_28 {strides = array<i32>} : memref<1024x64xf32, #tpu.memory_space<vmem>>, vector<1024x64xf32>,
    return
  }
  func.func @transform_0(%arg0: i32) -> (i32, i32) {
    %c0_i32 = arith.constant 0 : i32
    %c0_i32_0 = arith.constant 0 : i32
    return %arg0, %c0_i32 : i32, i32
  }
  func.func @transform_1(%arg0: i32) -> (i32, i32) {
    %c0_i32 = arith.constant 0 : i32
    %c0_i32_0 = arith.constant 0 : i32
    %c0_i32_1 = arith.constant 0 : i32
    return %c0_i32, %c0_i32_0 : i32, i32
  }
  func.func @transform_2(%arg0: i32) -> (i32, i32) {
    %c0_i32 = arith.constant 0 : i32
    %c0_i32_0 = arith.constant 0 : i32
    %c0_i32_1 = arith.constant 0 : i32
    return %c0_i32, %c0_i32_0 : i32, i32
  }
  func.func @transform_3(%arg0: i32) -> (i32, i32) {
    %c0_i32 = arith.constant 0 : i32
    %c0_i32_0 = arith.constant 0 : i32
    %c0_i32_1 = arith.constant 0 : i32
    return %c0_i32, %c0_i32_0 : i32, i32
  }
  func.func @transform_4(%arg0: i32) -> (i32, i32) {
    %c0_i32 = arith.constant 0 : i32
    %c0_i32_0 = arith.constant 0 : i32
    return %arg0, %c0_i32 : i32, i32
  }
}

</mosaic_0001>

<sc_bundles>
// kernel: kernel.7.cloned.1.call-start
scs
__scs_entry_jumppad:
0x0: {  	(pc) =	sbr.rel $0x88, $3  }
0x1: {  	(tag) =	ssettag $0x0;
	lr =	simm.s32 $0x1  }
0x2: {  	[smem:$0x3F94] =	sst lr;
	_ =	strace $0xD0000000  }
0x3: {  	_ = 	snop  }
0x4: {  	_ = 	snop  }
0x5: {  	_ = 	snop  }
0x6: {  	_ = 	snop  }
0x7: {  	_ = 	snop  }
__scs_overlays_trampoline_lowered:
0x8: {  	[smem:$0x3FA3] =	sst s0  }
0x9: {  	[smem:$0x3FA4] =	sst s1  }
0xa: {  	[smem:$0x3FA5] =	sst s2  }
0xb: {  	[smem:$0x3FA6] =	sst s3  }
0xc: {  	[smem:$0x3FA7] =	sst s4  }
0xd: {  	[smem:$0x3FA8] =	sst s5  }
0xe: {  	[smem:$0x3FA9] =	sst s6  }
0xf: {  	[smem:$0x3FAA] =	sst s7  }
0x10: {  	[smem:$0x3FAB] =	sst s8  }
0x11: {  	[smem:$0x3FAC] =	sst s9;
	s0 =	simm.s32 @!p0 $0x0  }
0x12: {  	s1 =	sld [smem:$0x3F92];
	s0 =	simm.s32 @p0 $0x1  }
0x13: {  	[smem:$0x3FAD] =	sst s0;
	s0 =	simm.s32 @!p1 $0x0  }
0x14: {  	s2 =	sld [smem:$0x3F91];
	s0 =	simm.s32 @p1 $0x1  }
0x15: {  	[smem:$0x3FAE] =	sst s0;
	s0 =	simm.s32 @!p2 $0x0  }
0x16: {  	s3 =	sld [smem:$0x3FDB];
	s0 =	simm.s32 @p2 $0x1  }
0x17: {  	s4 =	simm.s32 $0x1BF5;
	[smem:$0x3FB0] =	sst s0  }
0x18: {  	s0 =	sld [smem:$0x3F93];
	_ =	swait.ge [sflag:s4], $0x0  }
0x19: {  	s7 =	sld [smem:$0x3F94]  }
0x1a: {  	s8 =	sadd.s32 $0xFFFFE003, lr  }
0x1b: {  	s9 =	sadd.s32 $0xFFFFFEF7, lr;
	s5 =	simm.s32 $0xFFFFFFFF;
	p2 =	slt.u32 s8, $0xFFFFF086  }
0x1c: {  	p1 =	slt.u32 s9, $0xF7A;
	s5 =	simm.s32 @!p2 $0x0  }
0x1d: {  	s5 =	simm.s32 @p1 $0x1;
	p0 =	seq.s32 s7, s2  }
0x1e: {  	s7 =	smul.u32 @!p0 $0xF7A, s2;
	p2 =	seq.s32 @!p0 s5, $0x0  }
0x1f: {  	s9 =	smul.u32 $0xF7A, s1;
	s8 =	simm.s32 @!p0 $0x1BF5;
	p2 =	por !p2, p0  }
0x20: {  	[sflag:s8] =	ssyncset.s32 @!p0 $0xFFFFF086;
	s6 =	sadd.s32 @!p0 s3, s7;
	s7 =	simm.s32 @!p0 $0x108  }
0x21: {  	s3 =	sadd.s32 s3, s9;
	s6 =	sadd.s32 @!p0 $0x88, s6;
	s7 =	simm.s32 @p2 $0x1082  }
0x22: {  	[simem:s7], [sflag:s8] =	dma.local @!p0 [hbm:s6], $0xF7A  }
0x23: {  	s9 =	sor.u32 $0xD0000000, s2;
	s6 =	simm.s32 $0x108;
	_ =	swait.ge @!p0 [sflag:s8], $0x0  }
0x24: {  	s3 =	sadd.s32 $0x88, s3;
	s6 =	simm.s32 @!p1 $0x1082;
	[sflag:s4] =	ssyncset.s32 $0xFFFFF086  }
0x25: {  	[simem:s6], [sflag:s4] =	dma.local [hbm:s3], $0xF7A  }
0x26: {  	[smem:$0x3F94] =	sst s1;
	(tag) =	ssettag s2;
	_ =	strace s9  }
0x27: {  	s1 =	sld [smem:$0x3FA4]  }
0x28: {  	s2 =	sld [smem:$0x3FA5]  }
0x29: {  	s4 =	sld [smem:$0x3FA7]  }
0x2a: {  	p0 =	seq.s32 s5, $0x0;
	s5 =	sld [smem:$0x3FA8]  }
0x2b: {  	s6 =	sld [smem:$0x3FA9]  }
0x2c: {  	s7 =	sld [smem:$0x3FAA]  }
0x2d: {  	s3 =	simm.s32 $0x108;
	s8 =	sld [smem:$0x3FAB]  }
0x2e: {  	s3 =	simm.s32 @!p0 $0x1082;
	s9 =	sld [smem:$0x3FAC]  }
0x2f: {  	lr =	sadd.s32 s0, s3;
	s0 =	sld [smem:$0x3FA3]  }
0x30: {  	s3 =	sld [smem:$0x3FA6]  }
0x31: {  	[smem:$0x3FAF] =	sst s10  }
0x32: {  	s10 =	sld [smem:$0x3FAD];
	_ =	sdelay $0x3  }
0x33: {  	p0 =	seq.s32 s10, $0x1;
	s10 =	sld [smem:$0x3FAF];
	_ =	sdelay $0x3  }
0x34: {  	[smem:$0x3FAF] =	sst s10  }
0x35: {  	s10 =	sld [smem:$0x3FAE];
	_ =	sdelay $0x3  }
0x36: {  	p1 =	seq.s32 s10, $0x1;
	s10 =	sld [smem:$0x3FAF];
	_ =	sdelay $0x3  }
0x37: {  	[smem:$0x3FAF] =	sst s10  }
0x38: {  	s10 =	sld [smem:$0x3FB0]  }
0x39: {  	_ = 	snop;
	(pc) =	sbr.ind lr, $3  }
0x3a: {  	_ = 	snop  }
0x3b: {  	_ = 	snop  }
0x3c: {  	p2 =	seq.s32 s10, $0x1;
	s10 =	sld [smem:$0x3FAF]  }
0x3d: {  	_ =	shalt  }
0x3e: {  	_ =	shalt  }
0x3f: {  	_ =	shalt  }
0x40: {  	_ =	shalt  }
0x41: {  	_ =	shalt  }
0x42: {  	_ =	shalt  }
0x43: {  	_ =	shalt  }
0x44: {  	_ =	shalt  }
0x45: {  	_ =	shalt  }
0x46: {  	_ =	shalt  }
0x47: {  	_ =	shalt  }
0x48: {  	_ =	shalt  }
0x49: {  	_ =	shalt  }
0x4a: {  	_ =	shalt  }
0x4b: {  	_ =	shalt  }
0x4c: {  	_ =	shalt  }
0x4d: {  	_ =	shalt  }
0x4e: {  	_ =	shalt  }
0x4f: {  	_ =	shalt  }
0x50: {  	_ =	shalt  }
0x51: {  	_ =	shalt  }
0x52: {  	_ =	shalt  }
0x53: {  	_ =	shalt  }
0x54: {  	_ =	shalt  }
0x55: {  	_ =	shalt  }
0x56: {  	_ =	shalt  }
0x57: {  	_ =	shalt  }
0x58: {  	_ =	shalt  }
0x59: {  	_ =	shalt  }
0x5a: {  	_ =	shalt  }
0x5b: {  	_ =	shalt  }
0x5c: {  	_ =	shalt  }
0x5d: {  	_ =	shalt  }
0x5e: {  	_ =	shalt  }
0x5f: {  	_ =	shalt  }
0x60: {  	_ =	shalt  }
0x61: {  	_ =	shalt  }
0x62: {  	_ =	shalt  }
0x63: {  	_ =	shalt  }
0x64: {  	_ =	shalt  }
0x65: {  	_ =	shalt  }
0x66: {  	_ =	shalt  }
0x67: {  	_ =	shalt  }
0x68: {  	_ =	shalt  }
0x69: {  	_ =	shalt  }
0x6a: {  	_ =	shalt  }
0x6b: {  	_ =	shalt  }
0x6c: {  	_ =	shalt  }
0x6d: {  	_ =	shalt  }
0x6e: {  	_ =	shalt  }
0x6f: {  	_ =	shalt  }
0x70: {  	_ =	shalt  }
0x71: {  	_ =	shalt  }
0x72: {  	_ =	shalt  }
0x73: {  	_ =	shalt  }
0x74: {  	_ =	shalt  }
0x75: {  	_ =	shalt  }
0x76: {  	_ =	shalt  }
0x77: {  	_ =	shalt  }
0x78: {  	_ =	shalt  }
0x79: {  	_ =	shalt  }
0x7a: {  	_ =	shalt  }
0x7b: {  	_ =	shalt  }
0x7c: {  	_ =	shalt  }
0x7d: {  	_ =	shalt  }
0x7e: {  	_ =	shalt  }
0x7f: {  	_ =	shalt  }
0x80: {  	_ =	shalt  }
0x81: {  	_ =	shalt  }
0x82: {  	_ =	shalt  }
0x83: {  	_ =	shalt  }
0x84: {  	_ =	shalt  }
0x85: {  	_ =	shalt  }
0x86: {  	_ =	shalt  }
0x87: {  	_ =	shalt  }
.Lfunc_end0:
.L_simem_size_0:
called_computation_lowered:
.L_overlay_start_0:
0x88: {  	s2 =	sld [smem:$0x3FD9]  }
0x89: {  	s3 =	sld [smem:$0x3FFE];
	_ =	sdelay $0x1  }
0x8a: {  	s1 =	srdreg.scid  }
0x8b: {  	s0 =	sand.u32 $0x1, s1  }
0x8c: {  	s14 =	sshll.u32 s0, $0xA;
	s2 =	sadd.s32 s3, s2  }
0x8d: {  	s2 =	sadd.s32 s2, s14  }
0x8e: {  	[smem:$0x3FBB] =	sst s2  }
0x8f: {  	_ = 	snop  }
0x90: {  	s2 =	sld [smem:$0x3FD0];
	_ =	sdelay $0x2  }
0x91: {  	s15 =	simm.s32 $0xA;
	s4 =	simm.s32 $0x10  }
0x92: {  	[smem:s4], [sflag:s15] =	dma.local [hbm:s2], $0x1  }
0x93: {  	_ =	swait.eq [sflag:s15], $0x1  }
0x94: {  	[sflag:s15] =	ssyncset.done $0x0  }
0x95: {  	s16 =	sld [smem:$0x10];
	[sflag:s15] =	ssyncadd.s32 $0xFFFFFFFF  }
0x96: {  	s17 =	sld [smem:$0x11];
	(tm) =	ssettm $0x1  }
0x97: {  	s18 =	sld [smem:$0x3FFB];
	_ =	sdelay $0x3  }
0x98: {  	_ =	strace s18  }
0x99: {  	s4 =	sld [smem:$0x3FFC];
	_ =	sdelay $0x3  }
0x9a: {  	_ =	strace s4  }
0x9b: {  	s4 =	sld [smem:$0x3FFD];
	_ =	sdelay $0x3  }
0x9c: {  	_ =	strace s4  }
0x9d: {  	_ =	strace $0x8FFFFFFF  }
0x9e: {  	s19 =	sld [smem:$0x3FDB];
	_ =	sdelay $0x1  }
0x9f: {  	s5 =	simm.s32 $_scs_section_size  }
0xa0: {  	s6 =	simm.s32 $_size__tile_overlayer_lowered;
	s7 =	simm.s32 $_tile_overlayer_lowered  }
0xa1: {  	s22 =	simm.s32 $0x1BFF;
	s21 =	sshll.u32 s7, $0x1;
	s4 =	sadd.s32 s5, s19  }
0xa2: {  	s8 =	simm.s32 $0x0;
	s20 =	sshll.u32 s6, $0x1;
	s6 =	sadd.s32 s21, s4  }
0xa3: {  	[timem:s8], [sflag:s22] =	dma.local [hbm:s6], s20  }
0xa4: {  	_ =	swait.ge [sflag:s22], s20  }
0xa5: {  	s5 =	ssub.s32 $0x0, s20;
	[sflag:s22] =	ssyncset.done $0x0  }
0xa6: {  	[sflag:s22] =	ssyncadd.s32 s5;
	_ =	sdelay $0x1  }
0xa7: {  	s23 =	simm.s32 $0x1B8B  }
0xa8: {  	_ =	swait.ge [sflag:s23], $0x1  }
0xa9: {  	[sflag:s23] =	ssyncset.done $0x0  }
0xaa: {  	s25 =	simm.s32 $0x1B8E;
	s24 =	sld [smem:$0x3FFE];
	[sflag:s23] =	ssyncadd.s32 $0xFFFFFFFF  }
0xab: {  	s26 =	simm.s32 $execute0_lowered;
	[smem:$0x3FD2] =	sst s25  }
0xac: {  	s6 =	sshll.u32 s26, $0x1;
	_ =	strace $0x80000046;
	[dreg:$0x1] =	wrdreg $0xFFFFFFFF  }
0xad: {  	s28 =	simm.s32 $_size_execute0_lowered;
	s4 =	sadd.s32 s4, s6;
	[dreg:$0x0] =	wrdreg $0x0  }
0xae: {  	s6 =	sshll.u32 s28, $0x1;
	[dreg:$0x2] =	wrdreg s4  }
0xaf: {  	[dreg:$0x3] =	wrdreg s6  }
0xb0: {  	[dreg:$0x4] =	wrdreg $0xC0  }
0xb1: {  	_ =	task [dreg:s8], $0x5FFFF  }
0xb2: {  	[dreg:$0x1] =	wrdreg $0xFFFFFFFF  }
0xb3: {  	[dreg:$0x0] =	wrdreg $0x60  }
0xb4: {  	[dreg:$0x2] =	wrdreg s24  }
0xb5: {  	[dreg:$0x3] =	wrdreg s17  }
0xb6: {  	[dreg:$0x4] =	wrdreg s16  }
0xb7: {  	[dreg:$0x5] =	wrdreg $0x11C000  }
0xb8: {  	[dreg:$0x6] =	wrdreg $0x9  }
0xb9: {  	_ =	task.clear_ibuf [dreg:s8], $0x7FFFF;
	_ =	strace $0x90000046  }
0xba: {  	s29 =	simm.s32 $0x9;
	_ =	strace $0x80000048  }
0xbb: {  	_ =	swait.ge [sflag:s29], $0x1  }
0xbc: {  	[sflag:s29] =	ssyncadd.s32 $0xFFFFFFFF  }
0xbd: {  	_ =	strace $0x90000048  }
0xbe: {  	_ =	sfence  }
0xbf: {  	s30 =	sld [smem:$0x0];
	_ =	sdelay $0x2  }
0xc0: {  	s31 =	sshll.u32 s1, $0xD;
	s1 =	sshrl.u32 s1, $0x2  }
0xc1: {  	s3 =	sand.u32 $0x4000, s31;
	s1 =	sadd.s32 s1, s30  }
0xc2: {  	s0 =	sor.u32 s3, s0;
	s1 =	sshll.u32 s1, $0x11  }
0xc3: {  	s0 =	sor.u32 s1, s0  }
0xc4: {  	s0 =	sadd.s32 $0x8F2B, s0  }
0xc5: {  	[sflag:s0] =	ssyncadd.remote.s32 $0x1  }
0xc6: {  	_ =	sfence.sel $0xFFFF  }
0xc7: {  	[dreg:$0x0] =	wrdreg $0xFFFFFFFF;
	(pc) =	sbr.abs _section_cstart, $3  }
0xc8: {  	[dreg:$0x1] =	wrdreg $0xFFFFFFFF  }
0xc9: {  	_ =	task.clear_ibuf [dreg:s8], $0x2FFFF;
	_ =	strace $0x9FFFFFFF  }
0xca: {  	(tm) =	ssettm $0x7FFFFFFF  }
0xcb: {  	_ =	shalt  }
tec
execute0_lowered:
.L_overlay_start_1:
0x0: {  	(tag) =	ssettag $0x1  }
0x1: {  	s0 =	rddreg [dreg:$0x0]  }
0x2: {  	s3 =	rddreg [dreg:$0x1]  }
0x3: {  	s5 =	rddreg [dreg:$0x2]  }
0x4: {  	s1 =	rddreg [dreg:$0x3]  }
0x5: {  	s2 =	simm.s32 $0x0;
	s4 =	srdreg.scid;
	s15 =	stileid.u32  }
0x6: {  	s28 =	simm.s32 $0x2800;
	[smem:$0x7FF] =	sst s2;
	s6 =	sand.u32 $0x1, s4  }
0x7: {  	s4 =	sadd.s32 $0x102E00, s0;
	s8 =	sadd.s32 $0x2E00, s0;
	s10 =	smul.u32 $0x14000, s15  }
0x8: {  	s12 =	sadd.s32 $0x23200, s0;
	s26 =	smul.u32 $0x5000, s15;
	s29 =	sshll.u32 s15, $0xC  }
0x9: {  	_ =	strace $0x80000047;
	s7 =	sshll.u32 s6, $0x4;
	[dreg:$0x5] =	wrdreg s8  }
0xa: {  	s9 =	ssub.s32 $0x2, s6;
	s24 =	smul.u32 $0x50000, s6;
	s25 =	sshll.u32 s6, $0x10  }
0xb: {  	s6 =	simm.s32 $0x4800;
	s19 =	sor.u32 s15, s7;
	s11 =	sshrl.u32 s9, $0x1  }
0xc: {  	s20 =	sshrl.u32 s10, $0x2;
	s15 =	simm.s32 $0x6800;
	s10 =	simm.s32 $0xE800  }
0xd: {  	s7 =	sshll.u32 s19, $0xC;
	s13 =	smul.u32 $0x5000, s19;
	s14 =	ssub.s32 s9, s11  }
0xe: {  	s21 =	sadd.s32 s20, s1;
	s8 =	sshll.u32 s19, $0x6;
	s20 =	simm.s32 $0x8  }
0xf: {  	s19 =	simm.s32 $0x100;
	s9 =	simm.s32 $0x0;
	s0 =	sadd.s32 s7, s0  }
0x10: {  	s16 =	sadd.s32 s3, s7;
	s11 =	sadd.s32 $0x1400, s21;
	s7 =	sadd.s32 $0x2800, s21  }
0x11: {  	[dreg:$0xf] =	wrdreg s21;
	s2 =	sadd.s32 $0x3C00, s21;
	s5 =	sadd.s32 s5, s8  }
0x12: {  	s30 =	smax.u32 s14, $0x1;
	s21 =	simm.s32 $0x80;
	[dreg:$0x6] =	wrdreg s16  }
0x13: {  	s8 =	simm.s32 $0xA800;
	s14 =	simm.s32 $0x1;
	[dreg:$0x11] =	wrdreg s7  }
0x14: {  	s22 =	sadd.s32 $0x80, s16;
	s13 =	sadd.s32 s13, s12;
	[dreg:$0xe] =	wrdreg s2  }
0x15: {  	[dreg:$0xa] =	wrdreg s5;
	s0 =	sadd.s32 $0x3200, s0;
	s5 =	sadd.s32 s24, s12  }
0x16: {  	[dreg:$0xc] =	wrdreg s30;
	s7 =	simm.s32 $0x400;
	s24 =	simm.s32 $0x500  }
0x17: {  	s2 =	simm.s32 $0x580;
	s12 =	simm.s32 $0x2;
	[dreg:$0x7] =	wrdreg s22  }
0x18: {  	s23 =	sadd.s32 $0x4B00, s13;
	s13 =	sadd.s32 $0x4D80, s13;
	[dreg:$0xb] =	wrdreg s0  }
.Ltmp0:
0x19: {  	s0 =	sadd.s32 s25, s3;
	s31 =	sadd.s32 s26, s5;
	(pc) =	sbr.rel .LBB2_1-.Ltmp0, $4  }
0x1a: {  	s22 =	simm.s32 $0x10800;
	s25 =	simm.s32 $0x800;
	[dreg:$0x8] =	wrdreg s23  }
0x1b: {  	s3 =	simm.s32 $0x480;
	s26 =	simm.s32 $0x3;
	[dreg:$0x9] =	wrdreg s13  }
0x1c: {  	s0 =	sadd.s32 s29, s0;
	[dreg:$0xd] =	wrdreg s31;
	s23 =	simm.s32 $0x180  }
0x1d: {  	s13 =	simm.s32 $0xC800;
	[dreg:$0x10] =	wrdreg s0;
	s0 =	simm.s32 $0x8800  }
.LBB2_4:
0x1e: {  	s5 =	rddreg [dreg:$0x9]  }
0x1f: {  	[hbm:s5], [sflag:s18] =	dma.local [spmem:s19], $0x280  }
0x20: {  	_ =	swait.ge [sflag:s20], $0x280  }
0x21: {  	[sflag:s20] =	ssyncset.done $0x0  }
0x22: {  	s9 =	simm.s32 $0x0;
	s25 =	rddreg [dreg:$0xa];
	[sflag:s20] =	ssyncadd.s32 $0xFFFFFD80  }
0x23: {  	[tilespmem:s9], [sflag:$0x8] =	stream.linear.gather [hbm4b:s25+s9], $0x200, $0x38;
	[tilespmem:$0x16C00] =	vst v63  }
0x24: {  	_ =	swait.ge [sflag:s20], $0x200  }
0x25: {  	[sflag:s20] =	ssyncset.done $0x0  }
0x26: {  	s25 =	simm.s32 $0x800;
	[sflag:s20] =	ssyncadd.s32 $0xFFFFFE00  }
0x27: {  	[tilespmem:s25], [sflag:$0x1] =	stream.indirect.gather [hbm4b:s4+s21], $0x40, s9, s21, $0xb8;
	[tilespmem:$0x16C00] =	vst v63  }
0x28: {  	s28 =	simm.s32 $0x2800  }
0x29: {  	[tilespmem:s28], [sflag:$0x1] =	stream.indirect.gather [hbm4b:s4+s21], $0x40, s21, s21, $0xb8;
	[tilespmem:$0x16C00] =	vst v63  }
0x2a: {  	s6 =	simm.s32 $0x4800;
	s19 =	simm.s32 $0x100  }
0x2b: {  	[tilespmem:s6], [sflag:$0x1] =	stream.indirect.gather [hbm4b:s4+s21], $0x40, s19, s21, $0xb8;
	[tilespmem:$0x16C00] =	vst v63  }
0x2c: {  	s23 =	simm.s32 $0x180  }
0x2d: {  	[tilespmem:s15], [sflag:$0x1] =	stream.indirect.gather [hbm4b:s4+s21], $0x40, s23, s21, $0xb8;
	[tilespmem:$0x16C00] =	vst v63  }
0x2e: {  	_ =	swait.ge [sflag:s14], $0x2000  }
0x2f: {  	[sflag:s14] =	ssyncset.done $0x0  }
0x30: {  	[sflag:s14] =	ssyncadd.s32 $0xFFFFE000  }
0x31: {  	_ =	swait.ge [sflag:s14], $0x2000  }
0x32: {  	[sflag:s14] =	ssyncset.done $0x0  }
0x33: {  	[sflag:s14] =	ssyncadd.s32 $0xFFFFE000  }
0x34: {  	_ =	swait.ge [sflag:s14], $0x2000  }
0x35: {  	[sflag:s14] =	ssyncset.done $0x0  }
0x36: {  	[sflag:s14] =	ssyncadd.s32 $0xFFFFE000  }
0x37: {  	_ =	swait.ge [sflag:s14], $0x2000  }
0x38: {  	[sflag:s14] =	ssyncset.done $0x0  }
0x39: {  	s29 =	rddreg [dreg:$0xb];
	[sflag:s14] =	ssyncadd.s32 $0xFFFFE000  }
0x3a: {  	[hbm4b:s29+s9] =	stream.linear.scatter [tilespmem:s25], [sflag:$0x8], $0x8000, $0x38;
	[tilespmem:$0x16C00] =	vst v63  }
0x3b: {  	_ =	swait.ge [sflag:s20], $0x8000  }
0x3c: {  	s30 =	rddreg [dreg:$0x12]  }
0x3d: {  	s31 =	rddreg [dreg:$0xc];
	s9 =	sadd.s32 $0x1, s30  }
0x3e: {  	p0 =	sne.s32 s9, s31  }
.Ltmp1:
0x3f: {  	_ = 	snop;
	(pc) =	sbr.rel @!p0 .LBB2_5-.Ltmp1, $3  }
0x40: {  	_ =	sdelay $0x1  }
0x41: {  	[sflag:s20] =	ssyncset.done $0x0  }
0x42: {  	s7 =	simm.s32 $0x400;
	s22 =	simm.s32 $0x10800;
	[sflag:s20] =	ssyncadd.s32 $0xFFFF8000  }
.LBB2_1:
0x43: {  	[dreg:$0x12] =	wrdreg s9  }
0x44: {  	s5 =	rddreg [dreg:$0x5];
	s16 =	simm.s32 $0x0  }
0x45: {  	[tilespmem:s22], [sflag:$0x8] =	stream.linear.gather [hbm4b:s5+s16], $0x1400, $0x38;
	[tilespmem:$0x16C00] =	vst v63  }
0x46: {  	_ =	swait.ge [sflag:s20], $0x1400  }
0x47: {  	[sflag:s20] =	ssyncset.done $0x0  }
0x48: {  	s18 =	rddreg [dreg:$0x6];
	[sflag:s20] =	ssyncadd.s32 $0xFFFFEC00  }
0x49: {  	[tilespmem:s16], [sflag:$0x8] =	stream.linear.gather [hbm4b:s18+s16], $0x400, $0x38;
	[tilespmem:$0x16C00] =	vst v63  }
0x4a: {  	_ =	swait.ge [sflag:s20], $0x400  }
0x4b: {  	[sflag:s20] =	ssyncset.done $0x0  }
0x4c: {  	[sflag:s20] =	ssyncadd.s32 $0xFFFFFC00  }
0x4d: {  	[tilespmem:s25], [sflag:$0x1] =	stream.indirect.gather [hbm4b:s4+s21], $0x40, s16, s21, $0xb8;
	[tilespmem:$0x16C00] =	vst v63  }
0x4e: {  	_ = 	snop  }
0x4f: {  	[tilespmem:s28], [sflag:$0x1] =	stream.indirect.gather [hbm4b:s4+s21], $0x40, s21, s21, $0xb8;
	[tilespmem:$0x16C00] =	vst v63  }
0x50: {  	_ = 	snop  }
0x51: {  	[tilespmem:s6], [sflag:$0x1] =	stream.indirect.gather [hbm4b:s4+s21], $0x40, s19, s21, $0xb8;
	[tilespmem:$0x16C00] =	vst v63  }
0x52: {  	_ = 	snop  }
0x53: {  	[tilespmem:s15], [sflag:$0x1] =	stream.indirect.gather [hbm4b:s4+s21], $0x40, s23, s21, $0xb8;
	[tilespmem:$0x16C00] =	vst v63  }
0x54: {  	s29 =	rddreg [dreg:$0xf]  }
0x55: {  	[spmem:s29] =	stream.linear.scatter [tilespmem:s22], [sflag:$0x4], $0x1400, $0x38;
	[tilespmem:$0x16C00] =	vst v63  }
0x56: {  	s31 =	rddreg [dreg:$0x7]  }
0x57: {  	[tilespmem:s7], [sflag:$0x8] =	stream.linear.gather [hbm4b:s31+s16], $0x400, $0x38;
	[tilespmem:$0x16C00] =	vst v63  }
0x58: {  	_ =	swait.ge [sflag:s20], $0x400  }
0x59: {  	[sflag:s20] =	ssyncset.done $0x0  }
0x5a: {  	[sflag:s20] =	ssyncadd.s32 $0xFFFFFC00  }
0x5b: {  	[tilespmem:s0], [sflag:$0x2] =	stream.indirect.gather [hbm4b:s4+s21], $0x40, s7, s21, $0xb8;
	[tilespmem:$0x16C00] =	vst v63  }
0x5c: {  	s30 =	simm.s32 $0x400  }
0x5d: {  	[tilespmem:s8], [sflag:$0x2] =	stream.indirect.gather [hbm4b:s4+s21], $0x40, s3, s21, $0xb8;
	[tilespmem:$0x16C00] =	vst v63  }
0x5e: {  	s6 =	simm.s32 $0x0;
	s5 =	rddreg [dreg:$0xd];
	s0 =	simm.s32 $0x8800  }
0x5f: {  	[tilespmem:s13], [sflag:$0x2] =	stream.indirect.gather [hbm4b:s4+s21], $0x40, s24, s21, $0xb8;
	[tilespmem:$0x16C00] =	vst v63  }
0x60: {  	s3 =	simm.s32 $0x480;
	s8 =	simm.s32 $0xA800;
	s24 =	simm.s32 $0x500  }
0x61: {  	[tilespmem:s10], [sflag:$0x2] =	stream.indirect.gather [hbm4b:s4+s21], $0x40, s2, s21, $0xb8;
	[tilespmem:$0x16C00] =	vst v63  }
0x62: {  	s13 =	simm.s32 $0xC800;
	s2 =	simm.s32 $0x580;
	s10 =	simm.s32 $0xE800  }
0x63: {  	[spmem:s11] =	stream.linear.scatter [tilespmem:s22], [sflag:$0x5], $0x1400, $0x38;
	[tilespmem:$0x16C00] =	vst v63  }
.LBB2_2:
0x64: {  	_ =	swait.ge [sflag:s14], $0x2000  }
0x65: {  	[sflag:s14] =	ssyncset.done $0x0  }
0x66: {  	[sflag:s14] =	ssyncadd.s32 $0xFFFFE000  }
0x67: {  	_ =	swait.ge [sflag:s14], $0x2000  }
0x68: {  	[sflag:s14] =	ssyncset.done $0x0  }
0x69: {  	[sflag:s14] =	ssyncadd.s32 $0xFFFFE000  }
0x6a: {  	_ =	swait.ge [sflag:s14], $0x2000  }
0x6b: {  	[sflag:s14] =	ssyncset.done $0x0  }
0x6c: {  	[sflag:s14] =	ssyncadd.s32 $0xFFFFE000  }
0x6d: {  	_ =	swait.ge [sflag:s14], $0x2000  }
0x6e: {  	[sflag:s14] =	ssyncset.done $0x0  }
0x6f: {  	s9 =	simm.s32 $0x4;
	[sflag:s14] =	ssyncadd.s32 $0xFFFFE000  }
0x70: {  	_ =	swait.ge [sflag:s9], $0x1400  }
0x71: {  	[sflag:s9] =	ssyncset.done $0x0  }
0x72: {  	s7 =	simm.s32 $0x200;
	[sflag:s9] =	ssyncadd.s32 $0xFFFFEC00  }
0x73: {  	[spmem:s1] =	stream.indirect.scatter.add.f32 [tilespmem:s25], [sflag:$0x3], $0x40, s7, s21, $0xb8;
	[tilespmem:$0x16C00] =	vst v63  }
0x74: {  	s17 =	simm.s32 $0x280  }
0x75: {  	[spmem:s1] =	stream.indirect.scatter.add.f32 [tilespmem:s28], [sflag:$0x3], $0x40, s17, s21, $0xb8;
	[tilespmem:$0x16C00] =	vst v63  }
0x76: {  	s15 =	simm.s32 $0x4800;
	s7 =	simm.s32 $0x300  }
0x77: {  	[spmem:s1] =	stream.indirect.scatter.add.f32 [tilespmem:s15], [sflag:$0x3], $0x40, s7, s21, $0xb8;
	[tilespmem:$0x16C00] =	vst v63  }
0x78: {  	s31 =	simm.s32 $0x6800;
	s18 =	simm.s32 $0x380  }
0x79: {  	[spmem:s1] =	stream.indirect.scatter.add.f32 [tilespmem:s31], [sflag:$0x3], $0x40, s18, s21, $0xb8;
	[tilespmem:$0x16C00] =	vst v63  }
0x7a: {  	_ =	swait.ge [sflag:s26], $0x2000  }
0x7b: {  	[sflag:s26] =	ssyncset.done $0x0  }
0x7c: {  	[sflag:s26] =	ssyncadd.s32 $0xFFFFE000  }
0x7d: {  	_ =	swait.ge [sflag:s26], $0x2000  }
0x7e: {  	[sflag:s26] =	ssyncset.done $0x0  }
0x7f: {  	[sflag:s26] =	ssyncadd.s32 $0xFFFFE000  }
0x80: {  	_ =	swait.ge [sflag:s26], $0x2000  }
0x81: {  	[sflag:s26] =	ssyncset.done $0x0  }
0x82: {  	[sflag:s26] =	ssyncadd.s32 $0xFFFFE000  }
0x83: {  	_ =	swait.ge [sflag:s26], $0x2000  }
0x84: {  	s29 =	rddreg [dreg:$0x10]  }
0x85: {  	[sflag:s26] =	ssyncset.done $0x0;
	s16 =	sadd.s32 s6, s29  }
0x86: {  	s9 =	simm.s32 $0x0;
	[sflag:s26] =	ssyncadd.s32 $0xFFFFE000;
	s18 =	sadd.s32 $0x100, s16  }
0x87: {  	[tilespmem:s9], [sflag:$0x8] =	stream.linear.gather [hbm4b:s18+s9], $0x400, $0x38;
	[tilespmem:$0x16C00] =	vst v63  }
0x88: {  	_ =	swait.ge [sflag:s20], $0x400  }
0x89: {  	[sflag:s20] =	ssyncset.done $0x0  }
0x8a: {  	[sflag:s20] =	ssyncadd.s32 $0xFFFFFC00  }
0x8b: {  	[tilespmem:s25], [sflag:$0x1] =	stream.indirect.gather [hbm4b:s4+s21], $0x40, s9, s21, $0xb8;
	[tilespmem:$0x16C00] =	vst v63  }
0x8c: {  	_ = 	snop  }
0x8d: {  	[tilespmem:s28], [sflag:$0x1] =	stream.indirect.gather [hbm4b:s4+s21], $0x40, s21, s21, $0xb8;
	[tilespmem:$0x16C00] =	vst v63  }
0x8e: {  	_ = 	snop  }
0x8f: {  	[tilespmem:s15], [sflag:$0x1] =	stream.indirect.gather [hbm4b:s4+s21], $0x40, s19, s21, $0xb8;
	[tilespmem:$0x16C00] =	vst v63  }
0x90: {  	_ = 	snop  }
0x91: {  	[tilespmem:s31], [sflag:$0x1] =	stream.indirect.gather [hbm4b:s4+s21], $0x40, s23, s21, $0xb8;
	[tilespmem:$0x16C00] =	vst v63  }
0x92: {  	s23 =	stileid.u32  }
0x93: {  	s17 =	rddreg [dreg:$0xf];
	s18 =	sshll.u32 s23, $0x6  }
0x94: {  	s31 =	sshrl.u32 s17, $0x3;
	s18 =	sor.u32 $0x1C08, s18  }
0x95: {  	[hbm:s5], [sflag:s18] =	dma.local [spmem:s31], $0x280  }
0x96: {  	_ =	swait.ge [sflag:s20], $0x280  }
0x97: {  	[sflag:s20] =	ssyncset.done $0x0  }
0x98: {  	s31 =	rddreg [dreg:$0x11];
	[sflag:s20] =	ssyncadd.s32 $0xFFFFFD80  }
0x99: {  	[spmem:s31] =	stream.linear.scatter [tilespmem:s22], [sflag:$0x6], $0x1400, $0x38;
	[tilespmem:$0x16C00] =	vst v63  }
0x9a: {  	_ =	swait.ge [sflag:s12], $0x2000  }
0x9b: {  	[sflag:s12] =	ssyncset.done $0x0  }
0x9c: {  	[sflag:s12] =	ssyncadd.s32 $0xFFFFE000  }
0x9d: {  	_ =	swait.ge [sflag:s12], $0x2000  }
0x9e: {  	[sflag:s12] =	ssyncset.done $0x0  }
0x9f: {  	[sflag:s12] =	ssyncadd.s32 $0xFFFFE000  }
0xa0: {  	_ =	swait.ge [sflag:s12], $0x2000  }
0xa1: {  	[sflag:s12] =	ssyncset.done $0x0  }
0xa2: {  	[sflag:s12] =	ssyncadd.s32 $0xFFFFE000  }
0xa3: {  	_ =	swait.ge [sflag:s12], $0x2000  }
0xa4: {  	[sflag:s12] =	ssyncset.done $0x0  }
0xa5: {  	s23 =	simm.s32 $0x5;
	[sflag:s12] =	ssyncadd.s32 $0xFFFFE000  }
0xa6: {  	_ =	swait.ge [sflag:s23], $0x1400  }
0xa7: {  	[sflag:s23] =	ssyncset.done $0x0  }
0xa8: {  	[sflag:s23] =	ssyncadd.s32 $0xFFFFEC00;
	s23 =	simm.s32 $0x600  }
0xa9: {  	[spmem:s1] =	stream.indirect.scatter.add.f32 [tilespmem:s0], [sflag:$0x3], $0x40, s23, s21, $0xb8;
	[tilespmem:$0x16C00] =	vst v63  }
0xaa: {  	s23 =	simm.s32 $0x680  }
0xab: {  	[spmem:s1] =	stream.indirect.scatter.add.f32 [tilespmem:s8], [sflag:$0x3], $0x40, s23, s21, $0xb8;
	[tilespmem:$0x16C00] =	vst v63  }
0xac: {  	s23 =	simm.s32 $0x700  }
0xad: {  	[spmem:s1] =	stream.indirect.scatter.add.f32 [tilespmem:s13], [sflag:$0x3], $0x40, s23, s21, $0xb8;
	[tilespmem:$0x16C00] =	vst v63  }
0xae: {  	s23 =	simm.s32 $0x780  }
0xaf: {  	[spmem:s1] =	stream.indirect.scatter.add.f32 [tilespmem:s10], [sflag:$0x3], $0x40, s23, s21, $0xb8;
	[tilespmem:$0x16C00] =	vst v63  }
0xb0: {  	_ =	swait.ge [sflag:s26], $0x2000  }
0xb1: {  	[sflag:s26] =	ssyncset.done $0x0  }
0xb2: {  	[sflag:s26] =	ssyncadd.s32 $0xFFFFE000  }
0xb3: {  	_ =	swait.ge [sflag:s26], $0x2000  }
0xb4: {  	[sflag:s26] =	ssyncset.done $0x0  }
0xb5: {  	[sflag:s26] =	ssyncadd.s32 $0xFFFFE000  }
0xb6: {  	_ =	swait.ge [sflag:s26], $0x2000  }
0xb7: {  	[sflag:s26] =	ssyncset.done $0x0  }
0xb8: {  	[sflag:s26] =	ssyncadd.s32 $0xFFFFE000  }
0xb9: {  	_ =	swait.ge [sflag:s26], $0x2000  }
0xba: {  	[sflag:s26] =	ssyncset.done $0x0  }
0xbb: {  	s23 =	sadd.s32 $0x180, s16;
	[sflag:s26] =	ssyncadd.s32 $0xFFFFE000  }
0xbc: {  	[tilespmem:s30], [sflag:$0x8] =	stream.linear.gather [hbm4b:s23+s9], $0x400, $0x38;
	[tilespmem:$0x16C00] =	vst v63  }
0xbd: {  	_ =	swait.ge [sflag:s20], $0x400  }
0xbe: {  	[sflag:s20] =	ssyncset.done $0x0  }
0xbf: {  	[sflag:s20] =	ssyncadd.s32 $0xFFFFFC00  }
0xc0: {  	[tilespmem:s0], [sflag:$0x2] =	stream.indirect.gather [hbm4b:s4+s21], $0x40, s30, s21, $0xb8;
	[tilespmem:$0x16C00] =	vst v63  }
0xc1: {  	_ = 	snop  }
0xc2: {  	[tilespmem:s8], [sflag:$0x2] =	stream.indirect.gather [hbm4b:s4+s21], $0x40, s3, s21, $0xb8;
	[tilespmem:$0x16C00] =	vst v63  }
0xc3: {  	_ = 	snop  }
0xc4: {  	[tilespmem:s13], [sflag:$0x2] =	stream.indirect.gather [hbm4b:s4+s21], $0x40, s24, s21, $0xb8;
	[tilespmem:$0x16C00] =	vst v63  }
0xc5: {  	_ = 	snop  }
0xc6: {  	[tilespmem:s10], [sflag:$0x2] =	stream.indirect.gather [hbm4b:s4+s21], $0x40, s2, s21, $0xb8;
	[tilespmem:$0x16C00] =	vst v63  }
0xc7: {  	s3 =	sshrl.u32 s11, $0x3;
	s2 =	sadd.s32 $0x280, s5  }
0xc8: {  	[hbm:s2], [sflag:s18] =	dma.local [spmem:s3], $0x280  }
0xc9: {  	_ =	swait.ge [sflag:s20], $0x280  }
0xca: {  	[sflag:s20] =	ssyncset.done $0x0  }
0xcb: {  	s2 =	rddreg [dreg:$0xe];
	[sflag:s20] =	ssyncadd.s32 $0xFFFFFD80  }
0xcc: {  	[spmem:s2] =	stream.linear.scatter [tilespmem:s22], [sflag:$0x7], $0x1400, $0x38;
	[tilespmem:$0x16C00] =	vst v63  }
0xcd: {  	_ =	swait.ge [sflag:s14], $0x2000  }
0xce: {  	[sflag:s14] =	ssyncset.done $0x0  }
0xcf: {  	[sflag:s14] =	ssyncadd.s32 $0xFFFFE000  }
0xd0: {  	_ =	swait.ge [sflag:s14], $0x2000  }
0xd1: {  	[sflag:s14] =	ssyncset.done $0x0  }
0xd2: {  	[sflag:s14] =	ssyncadd.s32 $0xFFFFE000  }
0xd3: {  	_ =	swait.ge [sflag:s14], $0x2000  }
0xd4: {  	[sflag:s14] =	ssyncset.done $0x0  }
0xd5: {  	[sflag:s14] =	ssyncadd.s32 $0xFFFFE000  }
0xd6: {  	_ =	swait.ge [sflag:s14], $0x2000  }
0xd7: {  	[sflag:s14] =	ssyncset.done $0x0  }
0xd8: {  	s9 =	simm.s32 $0x6;
	[sflag:s14] =	ssyncadd.s32 $0xFFFFE000  }
0xd9: {  	_ =	swait.ge [sflag:s9], $0x1400  }
0xda: {  	[sflag:s9] =	ssyncset.done $0x0  }
0xdb: {  	s19 =	simm.s32 $0x200;
	[sflag:s9] =	ssyncadd.s32 $0xFFFFEC00  }
0xdc: {  	[spmem:s1] =	stream.indirect.scatter.add.f32 [tilespmem:s25], [sflag:$0x3], $0x40, s19, s21, $0xb8;
	[tilespmem:$0x16C00] =	vst v63  }
0xdd: {  	s22 =	simm.s32 $0x280  }
0xde: {  	[spmem:s1] =	stream.indirect.scatter.add.f32 [tilespmem:s28], [sflag:$0x3], $0x40, s22, s21, $0xb8;
	[tilespmem:$0x16C00] =	vst v63  }
0xdf: {  	_ = 	snop  }
0xe0: {  	[spmem:s1] =	stream.indirect.scatter.add.f32 [tilespmem:s15], [sflag:$0x3], $0x40, s7, s21, $0xb8;
	[tilespmem:$0x16C00] =	vst v63  }
0xe1: {  	s23 =	simm.s32 $0x380;
	s15 =	simm.s32 $0x6800  }
0xe2: {  	[spmem:s1] =	stream.indirect.scatter.add.f32 [tilespmem:s15], [sflag:$0x3], $0x40, s23, s21, $0xb8;
	[tilespmem:$0x16C00] =	vst v63  }
0xe3: {  	_ =	swait.ge [sflag:s26], $0x2000  }
0xe4: {  	[sflag:s26] =	ssyncset.done $0x0  }
0xe5: {  	[sflag:s26] =	ssyncadd.s32 $0xFFFFE000  }
0xe6: {  	_ =	swait.ge [sflag:s26], $0x2000  }
0xe7: {  	[sflag:s26] =	ssyncset.done $0x0  }
0xe8: {  	[sflag:s26] =	ssyncadd.s32 $0xFFFFE000  }
0xe9: {  	_ =	swait.ge [sflag:s26], $0x2000  }
0xea: {  	[sflag:s26] =	ssyncset.done $0x0  }
0xeb: {  	[sflag:s26] =	ssyncadd.s32 $0xFFFFE000  }
0xec: {  	_ =	swait.ge [sflag:s26], $0x2000  }
0xed: {  	p0 =	seq.s32 s6, $0xE00;
	[sflag:s26] =	ssyncset.done $0x0  }
0xee: {  	s19 =	sshrl.u32 @p0 s31, $0x3;
	s22 =	rddreg [dreg:$0x8];
	[sflag:s26] =	ssyncadd.s32 $0xFFFFE000  }
0xef: {  	[hbm:s22], [sflag:s18] =	dma.local @p0 [spmem:s19], $0x280  }
0xf0: {  	s19 =	simm.s32 @p0 $0x8  }
0xf1: {  	_ =	swait.ge @p0 [sflag:s19], $0x280  }
0xf2: {  	s23 =	sadd.s32 @!p0 s6, s29;
	[sflag:s19] =	ssyncset.done @p0 $0x0  }
0xf3: {  	[sflag:s19] =	ssyncadd.s32 @p0 $0xFFFFFD80;
	s19 =	sadd.s32 @!p0 $0x200, s23;
	s23 =	simm.s32 @!p0 $0x0  }
0xf4: {  	[tilespmem:s23], [sflag:$0x8] =	stream.linear.gather @!p0 [hbm4b:s19+s23], $0x400, $0x38;
	[tilespmem:$0x16C00] =	vst v63  }
0xf5: {  	s19 =	simm.s32 @!p0 $0x8  }
0xf6: {  	_ =	swait.ge @!p0 [sflag:s19], $0x400  }
0xf7: {  	[sflag:s19] =	ssyncset.done @!p0 $0x0  }
0xf8: {  	s25 =	simm.s32 @!p0 $0x80;
	s22 =	simm.s32 @!p0 $0x800;
	[sflag:s19] =	ssyncadd.s32 @!p0 $0xFFFFFC00  }
0xf9: {  	[tilespmem:s22], [sflag:$0x1] =	stream.indirect.gather @!p0 [hbm4b:s4+s25], $0x40, s23, s25, $0xb8;
	[tilespmem:$0x16C00] =	vst v63  }
0xfa: {  	s22 =	simm.s32 @!p0 $0x2800  }
0xfb: {  	[tilespmem:s22], [sflag:$0x1] =	stream.indirect.gather @!p0 [hbm4b:s4+s25], $0x40, s25, s25, $0xb8;
	[tilespmem:$0x16C00] =	vst v63  }
0xfc: {  	s23 =	simm.s32 @!p0 $0x4800;
	s22 =	simm.s32 @!p0 $0x100  }
0xfd: {  	[tilespmem:s23], [sflag:$0x1] =	stream.indirect.gather @!p0 [hbm4b:s4+s25], $0x40, s22, s25, $0xb8;
	[tilespmem:$0x16C00] =	vst v63  }
0xfe: {  	s22 =	simm.s32 @!p0 $0x180;
	s23 =	simm.s32 @!p0 $0x6800  }
0xff: {  	[tilespmem:s23], [sflag:$0x1] =	stream.indirect.gather @!p0 [hbm4b:s4+s25], $0x40, s22, s25, $0xb8;
	[tilespmem:$0x16C00] =	vst v63  }
0x100: {  	s22 =	sadd.s32 @!p0 $0x500, s5;
	s23 =	sshrl.u32 @!p0 s31, $0x3  }
0x101: {  	[hbm:s22], [sflag:s18] =	dma.local @!p0 [spmem:s23], $0x280  }
0x102: {  	_ =	swait.ge @!p0 [sflag:s19], $0x280  }
0x103: {  	[sflag:s19] =	ssyncset.done @!p0 $0x0  }
0x104: {  	[sflag:s19] =	ssyncadd.s32 @!p0 $0xFFFFFD80;
	s19 =	simm.s32 @!p0 $0x10800  }
0x105: {  	[spmem:s17] =	stream.linear.scatter @!p0 [tilespmem:s19], [sflag:$0x4], $0x1400, $0x38;
	[tilespmem:$0x16C00] =	vst v63  }
0x106: {  	_ =	swait.ge [sflag:s12], $0x2000  }
0x107: {  	[sflag:s12] =	ssyncset.done $0x0  }
0x108: {  	[sflag:s12] =	ssyncadd.s32 $0xFFFFE000  }
0x109: {  	_ =	swait.ge [sflag:s12], $0x2000  }
0x10a: {  	[sflag:s12] =	ssyncset.done $0x0  }
0x10b: {  	[sflag:s12] =	ssyncadd.s32 $0xFFFFE000  }
0x10c: {  	_ =	swait.ge [sflag:s12], $0x2000  }
0x10d: {  	[sflag:s12] =	ssyncset.done $0x0  }
0x10e: {  	[sflag:s12] =	ssyncadd.s32 $0xFFFFE000  }
0x10f: {  	_ =	swait.ge [sflag:s12], $0x2000  }
0x110: {  	[sflag:s12] =	ssyncset.done $0x0  }
0x111: {  	s24 =	simm.s32 $0x7;
	[sflag:s12] =	ssyncadd.s32 $0xFFFFE000  }
0x112: {  	_ =	swait.ge [sflag:s24], $0x1400  }
0x113: {  	[sflag:s24] =	ssyncset.done $0x0  }
0x114: {  	s25 =	simm.s32 $0x600;
	[sflag:s24] =	ssyncadd.s32 $0xFFFFEC00  }
0x115: {  	[spmem:s1] =	stream.indirect.scatter.add.f32 [tilespmem:s0], [sflag:$0x3], $0x40, s25, s21, $0xb8;
	[tilespmem:$0x16C00] =	vst v63  }
0x116: {  	s29 =	simm.s32 $0x680  }
0x117: {  	[spmem:s1] =	stream.indirect.scatter.add.f32 [tilespmem:s8], [sflag:$0x3], $0x40, s29, s21, $0xb8;
	[tilespmem:$0x16C00] =	vst v63  }
0x118: {  	s30 =	simm.s32 $0x700  }
0x119: {  	[spmem:s1] =	stream.indirect.scatter.add.f32 [tilespmem:s13], [sflag:$0x3], $0x40, s30, s21, $0xb8;
	[tilespmem:$0x16C00] =	vst v63  }
0x11a: {  	s31 =	simm.s32 $0x780  }
0x11b: {  	[spmem:s1] =	stream.indirect.scatter.add.f32 [tilespmem:s10], [sflag:$0x3], $0x40, s31, s21, $0xb8;
	[tilespmem:$0x16C00] =	vst v63  }
0x11c: {  	_ =	swait.ge [sflag:s26], $0x2000  }
0x11d: {  	[sflag:s26] =	ssyncset.done $0x0  }
0x11e: {  	[sflag:s26] =	ssyncadd.s32 $0xFFFFE000  }
0x11f: {  	_ =	swait.ge [sflag:s26], $0x2000  }
0x120: {  	[sflag:s26] =	ssyncset.done $0x0  }
0x121: {  	[sflag:s26] =	ssyncadd.s32 $0xFFFFE000  }
0x122: {  	s3 =	simm.s32 $0x480;
	_ =	swait.ge [sflag:s26], $0x2000  }
.Ltmp2:
0x123: {  	s28 =	simm.s32 $0x10800;
	[sflag:s26] =	ssyncset.done $0x0;
	(pc) =	sbr.rel @p0 .LBB2_4-.Ltmp2, $4  }
0x124: {  	s7 =	simm.s32 $0x400;
	s19 =	sshrl.u32 s2, $0x3;
	[sflag:s26] =	ssyncadd.s32 $0xFFFFE000  }
0x125: {  	s2 =	simm.s32 $0x580;
	s24 =	simm.s32 $0x500;
	_ =	swait.ge [sflag:s26], $0x2000  }
0x126: {  	s0 =	simm.s32 $0x8800;
	s8 =	simm.s32 $0xA800;
	[sflag:s26] =	ssyncset.done $0x0  }
0x127: {  	s13 =	simm.s32 $0xC800;
	s10 =	simm.s32 $0xE800;
	[sflag:s26] =	ssyncadd.s32 $0xFFFFE000  }
0x128: {  	s16 =	sadd.s32 $0x280, s16;
	s9 =	simm.s32 $0x0  }
0x129: {  	[tilespmem:s7], [sflag:$0x8] =	stream.linear.gather [hbm4b:s16+s9], $0x400, $0x38;
	[tilespmem:$0x16C00] =	vst v63  }
0x12a: {  	_ =	swait.ge [sflag:s20], $0x400  }
0x12b: {  	[sflag:s20] =	ssyncset.done $0x0  }
0x12c: {  	[sflag:s20] =	ssyncadd.s32 $0xFFFFFC00  }
0x12d: {  	[tilespmem:s0], [sflag:$0x2] =	stream.indirect.gather [hbm4b:s4+s21], $0x40, s7, s21, $0xb8;
	[tilespmem:$0x16C00] =	vst v63  }
0x12e: {  	s31 =	sadd.s32 $0x780, s5;
	s6 =	sadd.s32 $0x200, s6  }
0x12f: {  	[tilespmem:s8], [sflag:$0x2] =	stream.indirect.gather [hbm4b:s4+s21], $0x40, s3, s21, $0xb8;
	[tilespmem:$0x16C00] =	vst v63  }
0x130: {  	s5 =	sadd.s32 $0xA00, s5;
	s22 =	simm.s32 $0x10800;
	s25 =	simm.s32 $0x800  }
0x131: {  	[tilespmem:s13], [sflag:$0x2] =	stream.indirect.gather [hbm4b:s4+s21], $0x40, s24, s21, $0xb8;
	[tilespmem:$0x16C00] =	vst v63  }
0x132: {  	s23 =	simm.s32 $0x180;
	s30 =	simm.s32 $0x400;
	s0 =	simm.s32 $0x8800  }
0x133: {  	[tilespmem:s10], [sflag:$0x2] =	stream.indirect.gather [hbm4b:s4+s21], $0x40, s2, s21, $0xb8;
	[tilespmem:$0x16C00] =	vst v63  }
0x134: {  	[hbm:s31], [sflag:s18] =	dma.local [spmem:s19], $0x280  }
.Ltmp3:
0x135: {  	s3 =	simm.s32 $0x480;
	_ =	swait.ge [sflag:s20], $0x280;
	(pc) =	sbr.rel .LBB2_2-.Ltmp3, $4  }
0x136: {  	s8 =	simm.s32 $0xA800;
	s24 =	simm.s32 $0x500;
	[sflag:s20] =	ssyncset.done $0x0  }
0x137: {  	s13 =	simm.s32 $0xC800;
	s2 =	simm.s32 $0x580;
	[sflag:s20] =	ssyncadd.s32 $0xFFFFFD80  }
0x138: {  	[spmem:s11] =	stream.linear.scatter [tilespmem:s28], [sflag:$0x5], $0x1400, $0x38;
	[tilespmem:$0x16C00] =	vst v63  }
0x139: {  	s10 =	simm.s32 $0xE800;
	s19 =	simm.s32 $0x100;
	s28 =	simm.s32 $0x2800  }
.LBB2_5:
0x13a: {  	_ =	sfence.sel $0x180000  }
0x13b: {  	[bflag:$0x0] =	sbarrier.arrive $0xFFFF  }
0x13c: {  	_ =	strace $0x90000047  }
0x13d: {  	s0 =	stileid.u32;
	[bflag:$0x2] =	sbarrier.arrive $0xFFFF  }
0x13e: {  	p0 =	sne.s32 s0, $0x0;
	s0 =	rddreg [dreg:$0x4]  }
0x13f: {  	s0 =	sadd.s32 @!p0 $0x100000, s0  }
0x140: {  	[sflag:s0] =	ssyncadd.tile.s32 @!p0 $0x1;
	_ =	shalt  }
.Lfunc_end2:
_tile_overlayer_lowered:
.L_overlay_start_2:
0x141: {  	(tag) =	ssettag $0x2  }
0x142: {  	s0 =	rddreg [dreg:$0x0];
	s2 =	stileid.u32  }
0x143: {  	s1 =	rddreg [dreg:$0x1];
	p0 =	sne.s32 s2, $0x0  }
0x144: {  	s3 =	rddreg [dreg:$0x2];
	[bflag:$0x3] =	sbarrier.arrive $0xFFFF;
	s2 =	simm.s32 @!p0 $0x1C08  }
0x145: {  	[timem:s3], [sflag:s2] =	dma.local @!p0 [hbm:s0], s1  }
0x146: {  	s0 =	simm.s32 @!p0 $0x8  }
0x147: {  	_ =	swait.ge @!p0 [sflag:s0], s1  }
0x148: {  	s1 =	ssub.s32 @!p0 $0x0, s1;
	[sflag:s0] =	ssyncset.done @!p0 $0x0  }
0x149: {  	[sflag:s0] =	ssyncadd.s32 @!p0 s1  }
0x14a: {  	[bflag:$0x3] =	sbarrier.arrive $0xFFFF  }
0x14b: {  	_ =	shalt  }

</sc_bundles>
